<compile_context>
chip_gen: v7x
topology: tpu7x:2x2x1
jax: 0.10.2.dev20260603
libtpu: 0.0.44.dev20260713+nightly
codegen_flags: <defaults>
</compile_context>

<pallas_src>
import functools

import jax
import jax.numpy as jnp
from jax import lax
from jax.experimental import pallas as pl
from jax.experimental.pallas import tpu as pltpu
from jax.experimental.pallas import tpu_sc as plsc

N = 10000
E = 320000
H = 128

NW = 32
E_PER_W = E // NW
CHUNK = 125
N_CHUNKS = E_PER_W // CHUNK
N_PAD = 10240
WCHUNK = 128
ROWS_PER_TILE = N_PAD // 16
ROW_STEPS = ROWS_PER_TILE // WCHUNK

BLK = 1000
GRID = N // BLK


def _leaky_in(x):
    return jnp.where(x >= 0, x, 0.2 * x)


def _sc_body(src_hbm, dst_hbm, v_hbm, zeros_hbm, out_hbm,
             src_v, dst_v, rows, sem, acc):
    c = lax.axis_index("c")
    s = lax.axis_index("s")
    w = c * 16 + s

    pltpu.sync_copy(zeros_hbm, rows)
    for r in range(ROW_STEPS):
        pltpu.sync_copy(rows, acc.at[pl.ds(s * ROWS_PER_TILE + r * WCHUNK, WCHUNK)])
    pltpu.sync_copy(src_hbm.at[w], src_v)
    pltpu.sync_copy(dst_hbm.at[w], dst_v)
    plsc.subcore_barrier()

    def body(j, carry):
        pltpu.async_copy(v_hbm.at[src_v.at[j]], rows.at[pl.ds(0, CHUNK)], sem).wait()
        pltpu.sync_copy(rows.at[pl.ds(0, CHUNK)], acc.at[dst_v.at[j]], add=True)
        return carry

    lax.fori_loop(0, N_CHUNKS, body, 0)
    plsc.subcore_barrier()

    for r in range(ROW_STEPS):
        sl = pl.ds(s * ROWS_PER_TILE + r * WCHUNK, WCHUNK)
        pltpu.sync_copy(acc.at[sl], rows)
        pltpu.sync_copy(rows, out_hbm.at[c, sl])


@functools.cache
def _sc_segsum_fn():
    mesh = plsc.VectorSubcoreMesh(core_axis_name="c", subcore_axis_name="s")
    return pl.kernel(
        _sc_body,
        out_type=jax.ShapeDtypeStruct((2, N_PAD, H), jnp.float32),
        mesh=mesh,
        scratch_types=[
            pltpu.VMEM((N_CHUNKS, CHUNK), jnp.int32),
            pltpu.VMEM((N_CHUNKS, CHUNK), jnp.int32),
            pltpu.VMEM((WCHUNK, H), jnp.float32),
            pltpu.SemaphoreType.DMA,
            pltpu.VMEM_SHARED((N_PAD, H), jnp.float32),
        ],
    )


def _sc_segsum(src, dst, v, zeros):
    return _sc_segsum_fn()(src, dst, v, zeros)


def _tc0_body(nf_ref, emb_ref, ws_ref, wa_ref, b_ref, h_out, u_out, v_out):
    ids = lax.broadcasted_iota(jnp.int32, (BLK, H), 1)
    oh = (nf_ref[...] == ids).astype(jnp.float32)
    h0 = jnp.dot(oh, emb_ref[...], preferred_element_type=jnp.float32)
    h_out[...] = h0
    u_out[...] = jnp.dot(h0, ws_ref[...], preferred_element_type=jnp.float32) + b_ref[...]
    v_out[...] = jnp.dot(h0, wa_ref[...], preferred_element_type=jnp.float32)


def _tc_step_body(h_ref, u_ref, p_ref, q_ref, ws_ref, wa_ref, b_ref,
                  h_out, u_out, v_out):
    t = u_ref[...] + p_ref[0] + q_ref[0]
    hn = _leaky_in(t) + h_ref[...]
    h_out[...] = hn
    u_out[...] = jnp.dot(hn, ws_ref[...], preferred_element_type=jnp.float32) + b_ref[...]
    v_out[...] = jnp.dot(hn, wa_ref[...], preferred_element_type=jnp.float32)


def _tc_final_body(h_ref, u_ref, p_ref, q_ref,
                   wr0_ref, br0_ref, wr1_ref, br1_ref, wr2_ref, br2_ref,
                   out_ref, acc_ref):
    i = pl.program_id(0)
    t = u_ref[...] + p_ref[0] + q_ref[0]
    hn = _leaky_in(t) + h_ref[...]
    part = jnp.sum(hn, axis=0, keepdims=True)

    @pl.when(i == 0)
    def _():
        acc_ref[...] = part

    @pl.when(i > 0)
    def _():
        acc_ref[...] = acc_ref[...] + part

    @pl.when(i == pl.num_programs(0) - 1)
    def _():
        g = acc_ref[...]
        x = _leaky_in(jnp.dot(g, wr0_ref[...], preferred_element_type=jnp.float32) + br0_ref[...])
        x = _leaky_in(jnp.dot(x, wr1_ref[...], preferred_element_type=jnp.float32) + br1_ref[...])
        out_ref[...] = jnp.dot(x, wr2_ref[...], preferred_element_type=jnp.float32) + br2_ref[...]


def _nblk(i):
    return (i, 0)


def _const(i):
    return (0, 0)


_spec_nh = pl.BlockSpec((BLK, H), _nblk)
_spec_part0 = pl.BlockSpec((1, BLK, H), lambda i: (0, i, 0))
_spec_part1 = pl.BlockSpec((1, BLK, H), lambda i: (1, i, 0))
_spec_w = pl.BlockSpec((H, H), _const)
_spec_b = pl.BlockSpec((1, H), _const)

_sds_nh = jax.ShapeDtypeStruct((N, H), jnp.float32)

_tc0 = pl.pallas_call(
    _tc0_body,
    grid=(GRID,),
    in_specs=[pl.BlockSpec((BLK, 1), _nblk), _spec_w, _spec_w, _spec_w, _spec_b],
    out_specs=[_spec_nh, _spec_nh, _spec_nh],
    out_shape=[_sds_nh, _sds_nh, _sds_nh],
)

_tc_step = pl.pallas_call(
    _tc_step_body,
    grid=(GRID,),
    in_specs=[_spec_nh, _spec_nh, _spec_part0, _spec_part1, _spec_w, _spec_w, _spec_b],
    out_specs=[_spec_nh, _spec_nh, _spec_nh],
    out_shape=[_sds_nh, _sds_nh, _sds_nh],
)

_tc_final = pl.pallas_call(
    _tc_final_body,
    grid=(GRID,),
    in_specs=[_spec_nh, _spec_nh, _spec_part0, _spec_part1,
              _spec_w, _spec_b, _spec_w, _spec_b, _spec_w, _spec_b],
    out_specs=pl.BlockSpec((1, H), _const),
    out_shape=jax.ShapeDtypeStruct((1, H), jnp.float32),
    scratch_shapes=[pltpu.VMEM((1, H), jnp.float32)],
)


def _pad2(w, rows, cols):
    return jnp.zeros((rows, cols), jnp.float32).at[: w.shape[0], : w.shape[1]].set(w)


@jax.jit
def kernel(nfeats, edge_index, efeats, emb,
           W_self_0, W_agg_0, b_0,
           W_self_1, W_agg_1, b_1,
           W_self_2, W_agg_2, b_2,
           Wr0, br0, Wr1, br1, Wr2, br2):
    del efeats
    src = edge_index[0].reshape(NW, N_CHUNKS, CHUNK)
    dst = edge_index[1].reshape(NW, N_CHUNKS, CHUNK)
    nf = nfeats.reshape(N, 1)
    emb_p = _pad2(emb, H, H)
    zeros = jnp.zeros((WCHUNK, H), jnp.float32)

    wr0 = _pad2(Wr0, H, H)
    br0p = _pad2(br0.reshape(1, -1), 1, H)
    wr1 = _pad2(Wr1, H, H)
    br1p = _pad2(br1.reshape(1, -1), 1, H)
    wr2 = _pad2(Wr2, H, H)
    br2p = br2.reshape(1, H)

    h, u, v = _tc0(nf, emb_p, W_self_0, W_agg_0, b_0.reshape(1, H))
    p = _sc_segsum(src, dst, v, zeros)
    h, u, v = _tc_step(h, u, p, p, W_self_1, W_agg_1, b_1.reshape(1, H))
    p = _sc_segsum(src, dst, v, zeros)
    h, u, v = _tc_step(h, u, p, p, W_self_2, W_agg_2, b_2.reshape(1, H))
    p = _sc_segsum(src, dst, v, zeros)
    out = _tc_final(h, u, p, p, wr0, br0p, wr1, br1p, wr2, br2p)
    return out

# --- scband reference (transcript-rebuilt; emitter-appended) ---
"""Pipeline reference for scband-sirmodel-30030411333654 (READ-ONLY COPY).

The authoritative reference and input builder live on the scoring server;
editing this copy changes nothing except your own understanding.
"""

import jax, jax.numpy as jnp
import numpy as np

N_NODES = 10000
N_EDGES = 320000
HID = 128
OUT = 128
ATOM_VOCAB = 119
NUM_LAYERS = 3


def _leaky(x):
    return jnp.where(x >= 0, x, 0.2 * x)


def setup_inputs(seed: int = 0) -> dict:
    key = jax.random.key(seed)
    ks = jax.random.split(key, 32)
    inp = {}
    inp["nfeats"] = jax.random.randint(ks[0], (N_NODES,), 0, ATOM_VOCAB, dtype=jnp.int32)
    inp["edge_index"] = jax.random.randint(ks[1], (2, N_EDGES), 0, N_NODES, dtype=jnp.int32)
    inp["efeats"] = jax.random.normal(ks[2], (N_EDGES, 4), dtype=jnp.float32)
    # AtomEncoder embedding table
    inp["emb"] = jax.random.normal(ks[3], (ATOM_VOCAB, HID), dtype=jnp.float32) * 0.02
    # SIRConv params per layer: self transform, aggregate transform, bias
    for i in range(NUM_LAYERS):
        inp[f"W_self_{i}"] = jax.random.normal(ks[4 + 3 * i], (HID, HID), dtype=jnp.float32) * 0.05
        inp[f"W_agg_{i}"] = jax.random.normal(ks[5 + 3 * i], (HID, HID), dtype=jnp.float32) * 0.05
        inp[f"b_{i}"] = jnp.zeros((HID,), dtype=jnp.float32)
    # readout MLP [128 -> 64 -> 32 -> OUT]
    inp["Wr0"] = jax.random.normal(ks[20], (HID, HID // 2), dtype=jnp.float32) * 0.05
    inp["br0"] = jnp.zeros((HID // 2,), dtype=jnp.float32)
    inp["Wr1"] = jax.random.normal(ks[21], (HID // 2, HID // 4), dtype=jnp.float32) * 0.05
    inp["br1"] = jnp.zeros((HID // 4,), dtype=jnp.float32)
    inp["Wr2"] = jax.random.normal(ks[22], (HID // 4, OUT), dtype=jnp.float32) * 0.05
    inp["br2"] = jnp.zeros((OUT,), dtype=jnp.float32)
    return inp


def reference(nfeats, edge_index, efeats, emb,
              W_self_0, W_agg_0, b_0,
              W_self_1, W_agg_1, b_1,
              W_self_2, W_agg_2, b_2,
              Wr0, br0, Wr1, br1, Wr2, br2):
    # AtomEncoder: embedding lookup (input_dropout is identity in eval)
    h = jnp.take(emb, nfeats, axis=0)
    src = edge_index[0]
    dst = edge_index[1]
    layers = [(W_self_0, W_agg_0, b_0), (W_self_1, W_agg_1, b_1), (W_self_2, W_agg_2, b_2)]
    for (Ws, Wa, b) in layers:
        h_res = h
        # SIRConv with agg_type='sum': gather src node feats, scatter-add to dst
        msgs = jnp.take(h, src, axis=0)
        agg = jax.ops.segment_sum(msgs, dst, num_segments=N_NODES)
        h = h @ Ws + agg @ Wa + b
        # norm='none' -> identity; then activation; then residual
        h = _leaky(h)
        h = h + h_res
    # SumPooling over the single graph
    g = jnp.sum(h, axis=0, keepdims=True)
    # readout MLP_EGC (BatchNorm in eval with default running stats -> identity)
    x = _leaky(g @ Wr0 + br0)
    x = _leaky(x @ Wr1 + br1)
    out = x @ Wr2 + br2
    return out

if __name__ == "__main__":
    import jax
    _d = setup_inputs()
    print(jax.jit(kernel)(*tuple(_d.values())))

</pallas_src>

<mosaic_0001>
#map = affine_map<(d0, d1) -> (0, 0, 0)>
#map1 = affine_map<(d0, d1) -> (0, 0)>
module attributes {stable_mosaic.version = 14 : i64} {
  func.func @_sc_body(%arg0: i32, %arg1: i32, %arg2: memref<32x80x125xi32, #tpu.memory_space<hbm>>, %arg3: memref<32x80x125xi32, #tpu.memory_space<hbm>>, %arg4: memref<10000x128xf32, #tpu.memory_space<hbm>>, %arg5: memref<128x128xf32, #tpu.memory_space<hbm>>, %arg6: memref<2x10240x128xf32, #tpu.memory_space<hbm>>, %arg7: memref<80x125xi32, #tpu.memory_space<vmem>>, %arg8: memref<80x125xi32, #tpu.memory_space<vmem>>, %arg9: memref<128x128xf32, #tpu.memory_space<vmem>>, %arg10: memref<!tpu.dma_semaphore, #tpu.memory_space<semaphore_mem>>, %arg11: memref<10240x128xf32, #tpu.memory_space<vmem_shared>>) attributes {dimension_semantics = [#tpu.dimension_semantics<core_parallel>, #tpu.dimension_semantics<subcore_parallel>], iteration_bounds = array<i64: 2, 16>, scalar_prefetch = 0 : i64, scratch_operands = 5 : i64, tpu.core_type = #tpu.core_type<sc_vector_subcore>, window_params = [{transform_indices = #map}, {transform_indices = #map}, {transform_indices = #map1}, {transform_indices = #map1}, {transform_indices = #map}]} {
    %mul3A = arith.constant 16 : i32
    %mul3A_0 = arith.muli %arg0, %mul3A : i32
    %add3A = arith.addi %mul3A_0, %arg1 : i32
    "tpu.region"() ({
      %run_scoped3A = tpu.sem_alloc : memref<!tpu.dma_semaphore, #tpu.memory_space<semaphore_mem>>
      tpu.enqueue_dma source(%arg5 : memref<128x128xf32, #tpu.memory_space<hbm>>) target(%arg9 : memref<128x128xf32, #tpu.memory_space<vmem>>) target_semaphore(%run_scoped3A : memref<!tpu.dma_semaphore, #tpu.memory_space<semaphore_mem>>)
      tpu.wait_dma2 semaphore(%run_scoped3A : memref<!tpu.dma_semaphore, #tpu.memory_space<semaphore_mem>>) src(%arg5 : memref<128x128xf32, #tpu.memory_space<hbm>>) dst(%arg9 : memref<128x128xf32, #tpu.memory_space<vmem>>)
      tpu.yield
    }) : () -> ()
    %mul3A_1 = arith.constant 640 : i32
    %mul3A_2 = arith.muli %arg1, %mul3A_1 : i32
    %add3A_3 = arith.constant 0 : i32
    %add3A_4 = arith.addi %mul3A_2, %add3A_3 : i32
    "tpu.region"() ({
      %run_scoped3A = tpu.sem_alloc : memref<!tpu.dma_semaphore, #tpu.memory_space<semaphore_mem>>
      %dma_start3A = arith.constant 0 : i32
      %dma_start3A_47 = tpu.memref_slice %arg11[%add3A_4, %dma_start3A] : memref<10240x128xf32, #tpu.memory_space<vmem_shared>> -> memref<128x128xf32, #tpu.memory_space<vmem_shared>>
      %dma_start3A_48 = arith.constant 0 : i32
      %dma_start3A_49 = tpu.memref_slice %arg11[%add3A_4, %dma_start3A_48] : memref<10240x128xf32, #tpu.memory_space<vmem_shared>> -> memref<128x128xf32, #tpu.memory_space<vmem_shared>>
      tpu.enqueue_dma source(%arg9 : memref<128x128xf32, #tpu.memory_space<vmem>>) target(%dma_start3A_49 : memref<128x128xf32, #tpu.memory_space<vmem_shared>>) target_semaphore(%run_scoped3A : memref<!tpu.dma_semaphore, #tpu.memory_space<semaphore_mem>>)
      %dma_wait3A = arith.constant 0 : i32
      %dma_wait3A_50 = tpu.memref_slice %arg11[%add3A_4, %dma_wait3A] : memref<10240x128xf32, #tpu.memory_space<vmem_shared>> -> memref<128x128xf32, #tpu.memory_space<vmem_shared>>
      %dma_wait3A_51 = arith.constant 0 : i32
      %dma_wait3A_52 = tpu.memref_slice %arg11[%add3A_4, %dma_wait3A_51] : memref<10240x128xf32, #tpu.memory_space<vmem_shared>> -> memref<128x128xf32, #tpu.memory_space<vmem_shared>>
      tpu.wait_dma2 semaphore(%run_scoped3A : memref<!tpu.dma_semaphore, #tpu.memory_space<semaphore_mem>>) src(%arg9 : memref<128x128xf32, #tpu.memory_space<vmem>>) dst(%dma_wait3A_52 : memref<128x128xf32, #tpu.memory_space<vmem_shared>>)
      tpu.yield
    }) : () -> ()
    %mul3A_5 = arith.constant 640 : i32
    %mul3A_6 = arith.muli %arg1, %mul3A_5 : i32
    %add3A_7 = arith.constant 128 : i32
    %add3A_8 = arith.addi %mul3A_6, %add3A_7 : i32
    "tpu.region"() ({
      %run_scoped3A = tpu.sem_alloc : memref<!tpu.dma_semaphore, #tpu.memory_space<semaphore_mem>>
      %dma_start3A = arith.constant 0 : i32
      %dma_start3A_47 = tpu.memref_slice %arg11[%add3A_8, %dma_start3A] : memref<10240x128xf32, #tpu.memory_space<vmem_shared>> -> memref<128x128xf32, #tpu.memory_space<vmem_shared>>
      %dma_start3A_48 = arith.constant 0 : i32
      %dma_start3A_49 = tpu.memref_slice %arg11[%add3A_8, %dma_start3A_48] : memref<10240x128xf32, #tpu.memory_space<vmem_shared>> -> memref<128x128xf32, #tpu.memory_space<vmem_shared>>
      tpu.enqueue_dma source(%arg9 : memref<128x128xf32, #tpu.memory_space<vmem>>) target(%dma_start3A_49 : memref<128x128xf32, #tpu.memory_space<vmem_shared>>) target_semaphore(%run_scoped3A : memref<!tpu.dma_semaphore, #tpu.memory_space<semaphore_mem>>)
      %dma_wait3A = arith.constant 0 : i32
      %dma_wait3A_50 = tpu.memref_slice %arg11[%add3A_8, %dma_wait3A] : memref<10240x128xf32, #tpu.memory_space<vmem_shared>> -> memref<128x128xf32, #tpu.memory_space<vmem_shared>>
      %dma_wait3A_51 = arith.constant 0 : i32
      %dma_wait3A_52 = tpu.memref_slice %arg11[%add3A_8, %dma_wait3A_51] : memref<10240x128xf32, #tpu.memory_space<vmem_shared>> -> memref<128x128xf32, #tpu.memory_space<vmem_shared>>
      tpu.wait_dma2 semaphore(%run_scoped3A : memref<!tpu.dma_semaphore, #tpu.memory_space<semaphore_mem>>) src(%arg9 : memref<128x128xf32, #tpu.memory_space<vmem>>) dst(%dma_wait3A_52 : memref<128x128xf32, #tpu.memory_space<vmem_shared>>)
      tpu.yield
    }) : () -> ()
    %mul3A_9 = arith.constant 640 : i32
    %mul3A_10 = arith.muli %arg1, %mul3A_9 : i32
    %add3A_11 = arith.constant 256 : i32
    %add3A_12 = arith.addi %mul3A_10, %add3A_11 : i32
    "tpu.region"() ({
      %run_scoped3A = tpu.sem_alloc : memref<!tpu.dma_semaphore, #tpu.memory_space<semaphore_mem>>
      %dma_start3A = arith.constant 0 : i32
      %dma_start3A_47 = tpu.memref_slice %arg11[%add3A_12, %dma_start3A] : memref<10240x128xf32, #tpu.memory_space<vmem_shared>> -> memref<128x128xf32, #tpu.memory_space<vmem_shared>>
      %dma_start3A_48 = arith.constant 0 : i32
      %dma_start3A_49 = tpu.memref_slice %arg11[%add3A_12, %dma_start3A_48] : memref<10240x128xf32, #tpu.memory_space<vmem_shared>> -> memref<128x128xf32, #tpu.memory_space<vmem_shared>>
      tpu.enqueue_dma source(%arg9 : memref<128x128xf32, #tpu.memory_space<vmem>>) target(%dma_start3A_49 : memref<128x128xf32, #tpu.memory_space<vmem_shared>>) target_semaphore(%run_scoped3A : memref<!tpu.dma_semaphore, #tpu.memory_space<semaphore_mem>>)
      %dma_wait3A = arith.constant 0 : i32
      %dma_wait3A_50 = tpu.memref_slice %arg11[%add3A_12, %dma_wait3A] : memref<10240x128xf32, #tpu.memory_space<vmem_shared>> -> memref<128x128xf32, #tpu.memory_space<vmem_shared>>
      %dma_wait3A_51 = arith.constant 0 : i32
      %dma_wait3A_52 = tpu.memref_slice %arg11[%add3A_12, %dma_wait3A_51] : memref<10240x128xf32, #tpu.memory_space<vmem_shared>> -> memref<128x128xf32, #tpu.memory_space<vmem_shared>>
      tpu.wait_dma2 semaphore(%run_scoped3A : memref<!tpu.dma_semaphore, #tpu.memory_space<semaphore_mem>>) src(%arg9 : memref<128x128xf32, #tpu.memory_space<vmem>>) dst(%dma_wait3A_52 : memref<128x128xf32, #tpu.memory_space<vmem_shared>>)
      tpu.yield
    }) : () -> ()
    %mul3A_13 = arith.constant 640 : i32
    %mul3A_14 = arith.muli %arg1, %mul3A_13 : i32
    %add3A_15 = arith.constant 384 : i32
    %add3A_16 = arith.addi %mul3A_14, %add3A_15 : i32
    "tpu.region"() ({
      %run_scoped3A = tpu.sem_alloc : memref<!tpu.dma_semaphore, #tpu.memory_space<semaphore_mem>>
      %dma_start3A = arith.constant 0 : i32
      %dma_start3A_47 = tpu.memref_slice %arg11[%add3A_16, %dma_start3A] : memref<10240x128xf32, #tpu.memory_space<vmem_shared>> -> memref<128x128xf32, #tpu.memory_space<vmem_shared>>
      %dma_start3A_48 = arith.constant 0 : i32
      %dma_start3A_49 = tpu.memref_slice %arg11[%add3A_16, %dma_start3A_48] : memref<10240x128xf32, #tpu.memory_space<vmem_shared>> -> memref<128x128xf32, #tpu.memory_space<vmem_shared>>
      tpu.enqueue_dma source(%arg9 : memref<128x128xf32, #tpu.memory_space<vmem>>) target(%dma_start3A_49 : memref<128x128xf32, #tpu.memory_space<vmem_shared>>) target_semaphore(%run_scoped3A : memref<!tpu.dma_semaphore, #tpu.memory_space<semaphore_mem>>)
      %dma_wait3A = arith.constant 0 : i32
      %dma_wait3A_50 = tpu.memref_slice %arg11[%add3A_16, %dma_wait3A] : memref<10240x128xf32, #tpu.memory_space<vmem_shared>> -> memref<128x128xf32, #tpu.memory_space<vmem_shared>>
      %dma_wait3A_51 = arith.constant 0 : i32
      %dma_wait3A_52 = tpu.memref_slice %arg11[%add3A_16, %dma_wait3A_51] : memref<10240x128xf32, #tpu.memory_space<vmem_shared>> -> memref<128x128xf32, #tpu.memory_space<vmem_shared>>
      tpu.wait_dma2 semaphore(%run_scoped3A : memref<!tpu.dma_semaphore, #tpu.memory_space<semaphore_mem>>) src(%arg9 : memref<128x128xf32, #tpu.memory_space<vmem>>) dst(%dma_wait3A_52 : memref<128x128xf32, #tpu.memory_space<vmem_shared>>)
      tpu.yield
    }) : () -> ()
    %mul3A_17 = arith.constant 640 : i32
    %mul3A_18 = arith.muli %arg1, %mul3A_17 : i32
    %add3A_19 = arith.constant 512 : i32
    %add3A_20 = arith.addi %mul3A_18, %add3A_19 : i32
    "tpu.region"() ({
      %run_scoped3A = tpu.sem_alloc : memref<!tpu.dma_semaphore, #tpu.memory_space<semaphore_mem>>
      %dma_start3A = arith.constant 0 : i32
      %dma_start3A_47 = tpu.memref_slice %arg11[%add3A_20, %dma_start3A] : memref<10240x128xf32, #tpu.memory_space<vmem_shared>> -> memref<128x128xf32, #tpu.memory_space<vmem_shared>>
      %dma_start3A_48 = arith.constant 0 : i32
      %dma_start3A_49 = tpu.memref_slice %arg11[%add3A_20, %dma_start3A_48] : memref<10240x128xf32, #tpu.memory_space<vmem_shared>> -> memref<128x128xf32, #tpu.memory_space<vmem_shared>>
      tpu.enqueue_dma source(%arg9 : memref<128x128xf32, #tpu.memory_space<vmem>>) target(%dma_start3A_49 : memref<128x128xf32, #tpu.memory_space<vmem_shared>>) target_semaphore(%run_scoped3A : memref<!tpu.dma_semaphore, #tpu.memory_space<semaphore_mem>>)
      %dma_wait3A = arith.constant 0 : i32
      %dma_wait3A_50 = tpu.memref_slice %arg11[%add3A_20, %dma_wait3A] : memref<10240x128xf32, #tpu.memory_space<vmem_shared>> -> memref<128x128xf32, #tpu.memory_space<vmem_shared>>
      %dma_wait3A_51 = arith.constant 0 : i32
      %dma_wait3A_52 = tpu.memref_slice %arg11[%add3A_20, %dma_wait3A_51] : memref<10240x128xf32, #tpu.memory_space<vmem_shared>> -> memref<128x128xf32, #tpu.memory_space<vmem_shared>>
      tpu.wait_dma2 semaphore(%run_scoped3A : memref<!tpu.dma_semaphore, #tpu.memory_space<semaphore_mem>>) src(%arg9 : memref<128x128xf32, #tpu.memory_space<vmem>>) dst(%dma_wait3A_52 : memref<128x128xf32, #tpu.memory_space<vmem_shared>>)
      tpu.yield
    }) : () -> ()
    "tpu.region"() ({
      %run_scoped3A = tpu.sem_alloc : memref<!tpu.dma_semaphore, #tpu.memory_space<semaphore_mem>>
      %dma_start3A = arith.constant 0 : i32
      %dma_start3A_47 = arith.constant 0 : i32
      %dma_start3A_48 = tpu.memref_slice %arg2[%add3A, %dma_start3A, %dma_start3A_47] : memref<32x80x125xi32, #tpu.memory_space<hbm>> -> memref<1x80x125xi32, #tpu.memory_space<hbm>>
      %dma_start3A_49 = tpu.memref_squeeze %dma_start3A_48 : memref<1x80x125xi32, #tpu.memory_space<hbm>> -> memref<80x125xi32, #tpu.memory_space<hbm>>
      %dma_start3A_50 = arith.constant 0 : i32
      %dma_start3A_51 = arith.constant 0 : i32
      %dma_start3A_52 = tpu.memref_slice %arg2[%add3A, %dma_start3A_50, %dma_start3A_51] : memref<32x80x125xi32, #tpu.memory_space<hbm>> -> memref<1x80x125xi32, #tpu.memory_space<hbm>>
      %dma_start3A_53 = tpu.memref_squeeze %dma_start3A_52 : memref<1x80x125xi32, #tpu.memory_space<hbm>> -> memref<80x125xi32, #tpu.memory_space<hbm>>
      tpu.enqueue_dma source(%dma_start3A_53 : memref<80x125xi32, #tpu.memory_space<hbm>>) target(%arg7 : memref<80x125xi32, #tpu.memory_space<vmem>>) target_semaphore(%run_scoped3A : memref<!tpu.dma_semaphore, #tpu.memory_space<semaphore_mem>>)
      %dma_wait3A = arith.constant 0 : i32
      %dma_wait3A_54 = arith.constant 0 : i32
      %dma_wait3A_55 = tpu.memref_slice %arg2[%add3A, %dma_wait3A, %dma_wait3A_54] : memref<32x80x125xi32, #tpu.memory_space<hbm>> -> memref<1x80x125xi32, #tpu.memory_space<hbm>>
      %dma_wait3A_56 = tpu.memref_squeeze %dma_wait3A_55 : memref<1x80x125xi32, #tpu.memory_space<hbm>> -> memref<80x125xi32, #tpu.memory_space<hbm>>
      %dma_wait3A_57 = arith.constant 0 : i32
      %dma_wait3A_58 = arith.constant 0 : i32
      %dma_wait3A_59 = tpu.memref_slice %arg2[%add3A, %dma_wait3A_57, %dma_wait3A_58] : memref<32x80x125xi32, #tpu.memory_space<hbm>> -> memref<1x80x125xi32, #tpu.memory_space<hbm>>
      %dma_wait3A_60 = tpu.memref_squeeze %dma_wait3A_59 : memref<1x80x125xi32, #tpu.memory_space<hbm>> -> memref<80x125xi32, #tpu.memory_space<hbm>>
      tpu.wait_dma2 semaphore(%run_scoped3A : memref<!tpu.dma_semaphore, #tpu.memory_space<semaphore_mem>>) src(%dma_wait3A_60 : memref<80x125xi32, #tpu.memory_space<hbm>>) dst(%arg7 : memref<80x125xi32, #tpu.memory_space<vmem>>)
      tpu.yield
    }) : () -> ()
    "tpu.region"() ({
      %run_scoped3A = tpu.sem_alloc : memref<!tpu.dma_semaphore, #tpu.memory_space<semaphore_mem>>
      %dma_start3A = arith.constant 0 : i32
      %dma_start3A_47 = arith.constant 0 : i32
      %dma_start3A_48 = tpu.memref_slice %arg3[%add3A, %dma_start3A, %dma_start3A_47] : memref<32x80x125xi32, #tpu.memory_space<hbm>> -> memref<1x80x125xi32, #tpu.memory_space<hbm>>
      %dma_start3A_49 = tpu.memref_squeeze %dma_start3A_48 : memref<1x80x125xi32, #tpu.memory_space<hbm>> -> memref<80x125xi32, #tpu.memory_space<hbm>>
      %dma_start3A_50 = arith.constant 0 : i32
      %dma_start3A_51 = arith.constant 0 : i32
      %dma_start3A_52 = tpu.memref_slice %arg3[%add3A, %dma_start3A_50, %dma_start3A_51] : memref<32x80x125xi32, #tpu.memory_space<hbm>> -> memref<1x80x125xi32, #tpu.memory_space<hbm>>
      %dma_start3A_53 = tpu.memref_squeeze %dma_start3A_52 : memref<1x80x125xi32, #tpu.memory_space<hbm>> -> memref<80x125xi32, #tpu.memory_space<hbm>>
      tpu.enqueue_dma source(%dma_start3A_53 : memref<80x125xi32, #tpu.memory_space<hbm>>) target(%arg8 : memref<80x125xi32, #tpu.memory_space<vmem>>) target_semaphore(%run_scoped3A : memref<!tpu.dma_semaphore, #tpu.memory_space<semaphore_mem>>)
      %dma_wait3A = arith.constant 0 : i32
      %dma_wait3A_54 = arith.constant 0 : i32
      %dma_wait3A_55 = tpu.memref_slice %arg3[%add3A, %dma_wait3A, %dma_wait3A_54] : memref<32x80x125xi32, #tpu.memory_space<hbm>> -> memref<1x80x125xi32, #tpu.memory_space<hbm>>
      %dma_wait3A_56 = tpu.memref_squeeze %dma_wait3A_55 : memref<1x80x125xi32, #tpu.memory_space<hbm>> -> memref<80x125xi32, #tpu.memory_space<hbm>>
      %dma_wait3A_57 = arith.constant 0 : i32
      %dma_wait3A_58 = arith.constant 0 : i32
      %dma_wait3A_59 = tpu.memref_slice %arg3[%add3A, %dma_wait3A_57, %dma_wait3A_58] : memref<32x80x125xi32, #tpu.memory_space<hbm>> -> memref<1x80x125xi32, #tpu.memory_space<hbm>>
      %dma_wait3A_60 = tpu.memref_squeeze %dma_wait3A_59 : memref<1x80x125xi32, #tpu.memory_space<hbm>> -> memref<80x125xi32, #tpu.memory_space<hbm>>
      tpu.wait_dma2 semaphore(%run_scoped3A : memref<!tpu.dma_semaphore, #tpu.memory_space<semaphore_mem>>) src(%dma_wait3A_60 : memref<80x125xi32, #tpu.memory_space<hbm>>) dst(%arg8 : memref<80x125xi32, #tpu.memory_space<vmem>>)
      tpu.yield
    }) : () -> ()
    %barrier3A = arith.constant 0 : index
    tpu.barrier barrier_id(%barrier3A)
    %scan3A = arith.constant 0 : i32
    %scan3A_21 = arith.constant 0 : i32
    %scan3A_22 = arith.constant 80 : i32
    %scan3A_23 = arith.addi %scan3A_21, %scan3A_22 : i32
    %scan3A_24 = arith.constant 1 : i32
    scf.for %scan3A_47 = %scan3A_21 to %scan3A_23 step %scan3A_24  : i32 {
      %dma_start3A = arith.constant 0 : i32
      %dma_start3A_48 = arith.constant 0 : i32
      %dma_start3A_49 = tpu.memref_slice %arg9[%dma_start3A, %dma_start3A_48] : memref<128x128xf32, #tpu.memory_space<vmem>> -> memref<125x128xf32, #tpu.memory_space<vmem>>
      %dma_start3A_50 = arith.constant 0 : i32
      %dma_start3A_51 = tpu.memref_slice %arg7[%scan3A_47, %dma_start3A_50] : memref<80x125xi32, #tpu.memory_space<vmem>> -> memref<1x125xi32, #tpu.memory_space<vmem>>
      %dma_start3A_52 = tpu.memref_squeeze %dma_start3A_51 : memref<1x125xi32, #tpu.memory_space<vmem>> -> memref<125xi32, #tpu.memory_space<vmem>>
      %dma_start3A_53 = arith.constant 0 : i32
      %dma_start3A_54 = arith.constant 0 : i32
      %dma_start3A_55 = tpu.memref_slice %arg4[%dma_start3A_53, %dma_start3A_54] : memref<10000x128xf32, #tpu.memory_space<hbm>> -> memref<10000x128xf32, #tpu.memory_space<hbm>>
      tpu.enqueue_indirect_dma source(%dma_start3A_55 : memref<10000x128xf32, #tpu.memory_space<hbm>>) target(%dma_start3A_49 : memref<125x128xf32, #tpu.memory_space<vmem>>) offsets(%dma_start3A_52 : memref<125xi32, #tpu.memory_space<vmem>>) semaphore(%arg10 : memref<!tpu.dma_semaphore, #tpu.memory_space<semaphore_mem>>)
      %dma_wait3A = arith.constant 0 : i32
      %dma_wait3A_56 = arith.constant 0 : i32
      %dma_wait3A_57 = tpu.memref_slice %arg9[%dma_wait3A, %dma_wait3A_56] : memref<128x128xf32, #tpu.memory_space<vmem>> -> memref<125x128xf32, #tpu.memory_space<vmem>>
      %dma_wait3A_58 = arith.constant 0 : i32
      %dma_wait3A_59 = tpu.memref_slice %arg7[%scan3A_47, %dma_wait3A_58] : memref<80x125xi32, #tpu.memory_space<vmem>> -> memref<1x125xi32, #tpu.memory_space<vmem>>
      %dma_wait3A_60 = tpu.memref_squeeze %dma_wait3A_59 : memref<1x125xi32, #tpu.memory_space<vmem>> -> memref<125xi32, #tpu.memory_space<vmem>>
      %dma_wait3A_61 = arith.constant 0 : i32
      %dma_wait3A_62 = arith.constant 0 : i32
      %dma_wait3A_63 = tpu.memref_slice %arg4[%dma_wait3A_61, %dma_wait3A_62] : memref<10000x128xf32, #tpu.memory_space<hbm>> -> memref<10000x128xf32, #tpu.memory_space<hbm>>
      tpu.wait_indirect_dma semaphore(%arg10 : memref<!tpu.dma_semaphore, #tpu.memory_space<semaphore_mem>>) src(%dma_wait3A_63 : memref<10000x128xf32, #tpu.memory_space<hbm>>) dst(%dma_wait3A_57 : memref<125x128xf32, #tpu.memory_space<vmem>>)
      "tpu.region"() ({
        %run_scoped3A = tpu.sem_alloc : memref<!tpu.dma_semaphore, #tpu.memory_space<semaphore_mem>>
        %dma_start3A_64 = arith.constant 0 : i32
        %dma_start3A_65 = arith.constant 0 : i32
        %dma_start3A_66 = tpu.memref_slice %arg9[%dma_start3A_64, %dma_start3A_65] : memref<128x128xf32, #tpu.memory_space<vmem>> -> memref<125x128xf32, #tpu.memory_space<vmem>>
        %dma_start3A_67 = arith.constant 0 : i32
        %dma_start3A_68 = tpu.memref_slice %arg8[%scan3A_47, %dma_start3A_67] : memref<80x125xi32, #tpu.memory_space<vmem>> -> memref<1x125xi32, #tpu.memory_space<vmem>>
        %dma_start3A_69 = tpu.memref_squeeze %dma_start3A_68 : memref<1x125xi32, #tpu.memory_space<vmem>> -> memref<125xi32, #tpu.memory_space<vmem>>
        %dma_start3A_70 = arith.constant 0 : i32
        %dma_start3A_71 = arith.constant 0 : i32
        %dma_start3A_72 = tpu.memref_slice %arg11[%dma_start3A_70, %dma_start3A_71] : memref<10240x128xf32, #tpu.memory_space<vmem_shared>> -> memref<10240x128xf32, #tpu.memory_space<vmem_shared>>
        tpu.enqueue_indirect_dma source(%dma_start3A_66 : memref<125x128xf32, #tpu.memory_space<vmem>>) target(%dma_start3A_72 : memref<10240x128xf32, #tpu.memory_space<vmem_shared>>) offsets(%dma_start3A_69 : memref<125xi32, #tpu.memory_space<vmem>>) semaphore(%run_scoped3A : memref<!tpu.dma_semaphore, #tpu.memory_space<semaphore_mem>>) {add = true}
        %dma_wait3A_73 = arith.constant 0 : i32
        %dma_wait3A_74 = arith.constant 0 : i32
        %dma_wait3A_75 = tpu.memref_slice %arg9[%dma_wait3A_73, %dma_wait3A_74] : memref<128x128xf32, #tpu.memory_space<vmem>> -> memref<125x128xf32, #tpu.memory_space<vmem>>
        %dma_wait3A_76 = arith.constant 0 : i32
        %dma_wait3A_77 = tpu.memref_slice %arg8[%scan3A_47, %dma_wait3A_76] : memref<80x125xi32, #tpu.memory_space<vmem>> -> memref<1x125xi32, #tpu.memory_space<vmem>>
        %dma_wait3A_78 = tpu.memref_squeeze %dma_wait3A_77 : memref<1x125xi32, #tpu.memory_space<vmem>> -> memref<125xi32, #tpu.memory_space<vmem>>
        %dma_wait3A_79 = arith.constant 0 : i32
        %dma_wait3A_80 = arith.constant 0 : i32
        %dma_wait3A_81 = tpu.memref_slice %arg11[%dma_wait3A_79, %dma_wait3A_80] : memref<10240x128xf32, #tpu.memory_space<vmem_shared>> -> memref<10240x128xf32, #tpu.memory_space<vmem_shared>>
        tpu.wait_indirect_dma semaphore(%run_scoped3A : memref<!tpu.dma_semaphore, #tpu.memory_space<semaphore_mem>>) src(%dma_wait3A_75 : memref<125x128xf32, #tpu.memory_space<vmem>>) dst(%dma_wait3A_81 : memref<10240x128xf32, #tpu.memory_space<vmem_shared>>)
        tpu.yield
      }) : () -> ()
    }
    %scan3A_25 = arith.constant 80 : i32
    %barrier3A_26 = arith.constant 0 : index
    tpu.barrier barrier_id(%barrier3A_26)
    %mul3A_27 = arith.constant 640 : i32
    %mul3A_28 = arith.muli %arg1, %mul3A_27 : i32
    %add3A_29 = arith.constant 0 : i32
    %add3A_30 = arith.addi %mul3A_28, %add3A_29 : i32
    "tpu.region"() ({
      %run_scoped3A = tpu.sem_alloc : memref<!tpu.dma_semaphore, #tpu.memory_space<semaphore_mem>>
      %dma_start3A = arith.constant 0 : i32
      %dma_start3A_47 = tpu.memref_slice %arg11[%add3A_30, %dma_start3A] : memref<10240x128xf32, #tpu.memory_space<vmem_shared>> -> memref<128x128xf32, #tpu.memory_space<vmem_shared>>
      %dma_start3A_48 = arith.constant 0 : i32
      %dma_start3A_49 = tpu.memref_slice %arg11[%add3A_30, %dma_start3A_48] : memref<10240x128xf32, #tpu.memory_space<vmem_shared>> -> memref<128x128xf32, #tpu.memory_space<vmem_shared>>
      tpu.enqueue_dma source(%dma_start3A_49 : memref<128x128xf32, #tpu.memory_space<vmem_shared>>) target(%arg9 : memref<128x128xf32, #tpu.memory_space<vmem>>) target_semaphore(%run_scoped3A : memref<!tpu.dma_semaphore, #tpu.memory_space<semaphore_mem>>)
      %dma_wait3A = arith.constant 0 : i32
      %dma_wait3A_50 = tpu.memref_slice %arg11[%add3A_30, %dma_wait3A] : memref<10240x128xf32, #tpu.memory_space<vmem_shared>> -> memref<128x128xf32, #tpu.memory_space<vmem_shared>>
      %dma_wait3A_51 = arith.constant 0 : i32
      %dma_wait3A_52 = tpu.memref_slice %arg11[%add3A_30, %dma_wait3A_51] : memref<10240x128xf32, #tpu.memory_space<vmem_shared>> -> memref<128x128xf32, #tpu.memory_space<vmem_shared>>
      tpu.wait_dma2 semaphore(%run_scoped3A : memref<!tpu.dma_semaphore, #tpu.memory_space<semaphore_mem>>) src(%dma_wait3A_52 : memref<128x128xf32, #tpu.memory_space<vmem_shared>>) dst(%arg9 : memref<128x128xf32, #tpu.memory_space<vmem>>)
      tpu.yield
    }) : () -> ()
    "tpu.region"() ({
      %run_scoped3A = tpu.sem_alloc : memref<!tpu.dma_semaphore, #tpu.memory_space<semaphore_mem>>
      %dma_start3A = arith.constant 0 : i32
      %dma_start3A_47 = tpu.memref_slice %arg6[%arg0, %add3A_30, %dma_start3A] : memref<2x10240x128xf32, #tpu.memory_space<hbm>> -> memref<1x128x128xf32, #tpu.memory_space<hbm>>
      %dma_start3A_48 = tpu.memref_squeeze %dma_start3A_47 : memref<1x128x128xf32, #tpu.memory_space<hbm>> -> memref<128x128xf32, #tpu.memory_space<hbm>>
      %dma_start3A_49 = arith.constant 0 : i32
      %dma_start3A_50 = tpu.memref_slice %arg6[%arg0, %add3A_30, %dma_start3A_49] : memref<2x10240x128xf32, #tpu.memory_space<hbm>> -> memref<1x128x128xf32, #tpu.memory_space<hbm>>
      %dma_start3A_51 = tpu.memref_squeeze %dma_start3A_50 : memref<1x128x128xf32, #tpu.memory_space<hbm>> -> memref<128x128xf32, #tpu.memory_space<hbm>>
      tpu.enqueue_dma source(%arg9 : memref<128x128xf32, #tpu.memory_space<vmem>>) target(%dma_start3A_51 : memref<128x128xf32, #tpu.memory_space<hbm>>) target_semaphore(%run_scoped3A : memref<!tpu.dma_semaphore, #tpu.memory_space<semaphore_mem>>)
      %dma_wait3A = arith.constant 0 : i32
      %dma_wait3A_52 = tpu.memref_slice %arg6[%arg0, %add3A_30, %dma_wait3A] : memref<2x10240x128xf32, #tpu.memory_space<hbm>> -> memref<1x128x128xf32, #tpu.memory_space<hbm>>
      %dma_wait3A_53 = tpu.memref_squeeze %dma_wait3A_52 : memref<1x128x128xf32, #tpu.memory_space<hbm>> -> memref<128x128xf32, #tpu.memory_space<hbm>>
      %dma_wait3A_54 = arith.constant 0 : i32
      %dma_wait3A_55 = tpu.memref_slice %arg6[%arg0, %add3A_30, %dma_wait3A_54] : memref<2x10240x128xf32, #tpu.memory_space<hbm>> -> memref<1x128x128xf32, #tpu.memory_space<hbm>>
      %dma_wait3A_56 = tpu.memref_squeeze %dma_wait3A_55 : memref<1x128x128xf32, #tpu.memory_space<hbm>> -> memref<128x128xf32, #tpu.memory_space<hbm>>
      tpu.wait_dma2 semaphore(%run_scoped3A : memref<!tpu.dma_semaphore, #tpu.memory_space<semaphore_mem>>) src(%arg9 : memref<128x128xf32, #tpu.memory_space<vmem>>) dst(%dma_wait3A_56 : memref<128x128xf32, #tpu.memory_space<hbm>>)
      tpu.yield
    }) : () -> ()
    %mul3A_31 = arith.constant 640 : i32
    %mul3A_32 = arith.muli %arg1, %mul3A_31 : i32
    %add3A_33 = arith.constant 128 : i32
    %add3A_34 = arith.addi %mul3A_32, %add3A_33 : i32
    "tpu.region"() ({
      %run_scoped3A = tpu.sem_alloc : memref<!tpu.dma_semaphore, #tpu.memory_space<semaphore_mem>>
      %dma_start3A = arith.constant 0 : i32
      %dma_start3A_47 = tpu.memref_slice %arg11[%add3A_34, %dma_start3A] : memref<10240x128xf32, #tpu.memory_space<vmem_shared>> -> memref<128x128xf32, #tpu.memory_space<vmem_shared>>
      %dma_start3A_48 = arith.constant 0 : i32
      %dma_start3A_49 = tpu.memref_slice %arg11[%add3A_34, %dma_start3A_48] : memref<10240x128xf32, #tpu.memory_space<vmem_shared>> -> memref<128x128xf32, #tpu.memory_space<vmem_shared>>
      tpu.enqueue_dma source(%dma_start3A_49 : memref<128x128xf32, #tpu.memory_space<vmem_shared>>) target(%arg9 : memref<128x128xf32, #tpu.memory_space<vmem>>) target_semaphore(%run_scoped3A : memref<!tpu.dma_semaphore, #tpu.memory_space<semaphore_mem>>)
      %dma_wait3A = arith.constant 0 : i32
      %dma_wait3A_50 = tpu.memref_slice %arg11[%add3A_34, %dma_wait3A] : memref<10240x128xf32, #tpu.memory_space<vmem_shared>> -> memref<128x128xf32, #tpu.memory_space<vmem_shared>>
      %dma_wait3A_51 = arith.constant 0 : i32
      %dma_wait3A_52 = tpu.memref_slice %arg11[%add3A_34, %dma_wait3A_51] : memref<10240x128xf32, #tpu.memory_space<vmem_shared>> -> memref<128x128xf32, #tpu.memory_space<vmem_shared>>
      tpu.wait_dma2 semaphore(%run_scoped3A : memref<!tpu.dma_semaphore, #tpu.memory_space<semaphore_mem>>) src(%dma_wait3A_52 : memref<128x128xf32, #tpu.memory_space<vmem_shared>>) dst(%arg9 : memref<128x128xf32, #tpu.memory_space<vmem>>)
      tpu.yield
    }) : () -> ()
    "tpu.region"() ({
      %run_scoped3A = tpu.sem_alloc : memref<!tpu.dma_semaphore, #tpu.memory_space<semaphore_mem>>
      %dma_start3A = arith.constant 0 : i32
      %dma_start3A_47 = tpu.memref_slice %arg6[%arg0, %add3A_34, %dma_start3A] : memref<2x10240x128xf32, #tpu.memory_space<hbm>> -> memref<1x128x128xf32, #tpu.memory_space<hbm>>
      %dma_start3A_48 = tpu.memref_squeeze %dma_start3A_47 : memref<1x128x128xf32, #tpu.memory_space<hbm>> -> memref<128x128xf32, #tpu.memory_space<hbm>>
      %dma_start3A_49 = arith.constant 0 : i32
      %dma_start3A_50 = tpu.memref_slice %arg6[%arg0, %add3A_34, %dma_start3A_49] : memref<2x10240x128xf32, #tpu.memory_space<hbm>> -> memref<1x128x128xf32, #tpu.memory_space<hbm>>
      %dma_start3A_51 = tpu.memref_squeeze %dma_start3A_50 : memref<1x128x128xf32, #tpu.memory_space<hbm>> -> memref<128x128xf32, #tpu.memory_space<hbm>>
      tpu.enqueue_dma source(%arg9 : memref<128x128xf32, #tpu.memory_space<vmem>>) target(%dma_start3A_51 : memref<128x128xf32, #tpu.memory_space<hbm>>) target_semaphore(%run_scoped3A : memref<!tpu.dma_semaphore, #tpu.memory_space<semaphore_mem>>)
      %dma_wait3A = arith.constant 0 : i32
      %dma_wait3A_52 = tpu.memref_slice %arg6[%arg0, %add3A_34, %dma_wait3A] : memref<2x10240x128xf32, #tpu.memory_space<hbm>> -> memref<1x128x128xf32, #tpu.memory_space<hbm>>
      %dma_wait3A_53 = tpu.memref_squeeze %dma_wait3A_52 : memref<1x128x128xf32, #tpu.memory_space<hbm>> -> memref<128x128xf32, #tpu.memory_space<hbm>>
      %dma_wait3A_54 = arith.constant 0 : i32
      %dma_wait3A_55 = tpu.memref_slice %arg6[%arg0, %add3A_34, %dma_wait3A_54] : memref<2x10240x128xf32, #tpu.memory_space<hbm>> -> memref<1x128x128xf32, #tpu.memory_space<hbm>>
      %dma_wait3A_56 = tpu.memref_squeeze %dma_wait3A_55 : memref<1x128x128xf32, #tpu.memory_space<hbm>> -> memref<128x128xf32, #tpu.memory_space<hbm>>
      tpu.wait_dma2 semaphore(%run_scoped3A : memref<!tpu.dma_semaphore, #tpu.memory_space<semaphore_mem>>) src(%arg9 : memref<128x128xf32, #tpu.memory_space<vmem>>) dst(%dma_wait3A_56 : memref<128x128xf32, #tpu.memory_space<hbm>>)
      tpu.yield
    }) : () -> ()
    %mul3A_35 = arith.constant 640 : i32
    %mul3A_36 = arith.muli %arg1, %mul3A_35 : i32
    %add3A_37 = arith.constant 256 : i32
    %add3A_38 = arith.addi %mul3A_36, %add3A_37 : i32
    "tpu.region"() ({
      %run_scoped3A = tpu.sem_alloc : memref<!tpu.dma_semaphore, #tpu.memory_space<semaphore_mem>>
      %dma_start3A = arith.constant 0 : i32
      %dma_start3A_47 = tpu.memref_slice %arg11[%add3A_38, %dma_start3A] : memref<10240x128xf32, #tpu.memory_space<vmem_shared>> -> memref<128x128xf32, #tpu.memory_space<vmem_shared>>
      %dma_start3A_48 = arith.constant 0 : i32
      %dma_start3A_49 = tpu.memref_slice %arg11[%add3A_38, %dma_start3A_48] : memref<10240x128xf32, #tpu.memory_space<vmem_shared>> -> memref<128x128xf32, #tpu.memory_space<vmem_shared>>
      tpu.enqueue_dma source(%dma_start3A_49 : memref<128x128xf32, #tpu.memory_space<vmem_shared>>) target(%arg9 : memref<128x128xf32, #tpu.memory_space<vmem>>) target_semaphore(%run_scoped3A : memref<!tpu.dma_semaphore, #tpu.memory_space<semaphore_mem>>)
      %dma_wait3A = arith.constant 0 : i32
      %dma_wait3A_50 = tpu.memref_slice %arg11[%add3A_38, %dma_wait3A] : memref<10240x128xf32, #tpu.memory_space<vmem_shared>> -> memref<128x128xf32, #tpu.memory_space<vmem_shared>>
      %dma_wait3A_51 = arith.constant 0 : i32
      %dma_wait3A_52 = tpu.memref_slice %arg11[%add3A_38, %dma_wait3A_51] : memref<10240x128xf32, #tpu.memory_space<vmem_shared>> -> memref<128x128xf32, #tpu.memory_space<vmem_shared>>
      tpu.wait_dma2 semaphore(%run_scoped3A : memref<!tpu.dma_semaphore, #tpu.memory_space<semaphore_mem>>) src(%dma_wait3A_52 : memref<128x128xf32, #tpu.memory_space<vmem_shared>>) dst(%arg9 : memref<128x128xf32, #tpu.memory_space<vmem>>)
      tpu.yield
    }) : () -> ()
    "tpu.region"() ({
      %run_scoped3A = tpu.sem_alloc : memref<!tpu.dma_semaphore, #tpu.memory_space<semaphore_mem>>
      %dma_start3A = arith.constant 0 : i32
      %dma_start3A_47 = tpu.memref_slice %arg6[%arg0, %add3A_38, %dma_start3A] : memref<2x10240x128xf32, #tpu.memory_space<hbm>> -> memref<1x128x128xf32, #tpu.memory_space<hbm>>
      %dma_start3A_48 = tpu.memref_squeeze %dma_start3A_47 : memref<1x128x128xf32, #tpu.memory_space<hbm>> -> memref<128x128xf32, #tpu.memory_space<hbm>>
      %dma_start3A_49 = arith.constant 0 : i32
      %dma_start3A_50 = tpu.memref_slice %arg6[%arg0, %add3A_38, %dma_start3A_49] : memref<2x10240x128xf32, #tpu.memory_space<hbm>> -> memref<1x128x128xf32, #tpu.memory_space<hbm>>
      %dma_start3A_51 = tpu.memref_squeeze %dma_start3A_50 : memref<1x128x128xf32, #tpu.memory_space<hbm>> -> memref<128x128xf32, #tpu.memory_space<hbm>>
      tpu.enqueue_dma source(%arg9 : memref<128x128xf32, #tpu.memory_space<vmem>>) target(%dma_start3A_51 : memref<128x128xf32, #tpu.memory_space<hbm>>) target_semaphore(%run_scoped3A : memref<!tpu.dma_semaphore, #tpu.memory_space<semaphore_mem>>)
      %dma_wait3A = arith.constant 0 : i32
      %dma_wait3A_52 = tpu.memref_slice %arg6[%arg0, %add3A_38, %dma_wait3A] : memref<2x10240x128xf32, #tpu.memory_space<hbm>> -> memref<1x128x128xf32, #tpu.memory_space<hbm>>
      %dma_wait3A_53 = tpu.memref_squeeze %dma_wait3A_52 : memref<1x128x128xf32, #tpu.memory_space<hbm>> -> memref<128x128xf32, #tpu.memory_space<hbm>>
      %dma_wait3A_54 = arith.constant 0 : i32
      %dma_wait3A_55 = tpu.memref_slice %arg6[%arg0, %add3A_38, %dma_wait3A_54] : memref<2x10240x128xf32, #tpu.memory_space<hbm>> -> memref<1x128x128xf32, #tpu.memory_space<hbm>>
      %dma_wait3A_56 = tpu.memref_squeeze %dma_wait3A_55 : memref<1x128x128xf32, #tpu.memory_space<hbm>> -> memref<128x128xf32, #tpu.memory_space<hbm>>
      tpu.wait_dma2 semaphore(%run_scoped3A : memref<!tpu.dma_semaphore, #tpu.memory_space<semaphore_mem>>) src(%arg9 : memref<128x128xf32, #tpu.memory_space<vmem>>) dst(%dma_wait3A_56 : memref<128x128xf32, #tpu.memory_space<hbm>>)
      tpu.yield
    }) : () -> ()
    %mul3A_39 = arith.constant 640 : i32
    %mul3A_40 = arith.muli %arg1, %mul3A_39 : i32
    %add3A_41 = arith.constant 384 : i32
    %add3A_42 = arith.addi %mul3A_40, %add3A_41 : i32
    "tpu.region"() ({
      %run_scoped3A = tpu.sem_alloc : memref<!tpu.dma_semaphore, #tpu.memory_space<semaphore_mem>>
      %dma_start3A = arith.constant 0 : i32
      %dma_start3A_47 = tpu.memref_slice %arg11[%add3A_42, %dma_start3A] : memref<10240x128xf32, #tpu.memory_space<vmem_shared>> -> memref<128x128xf32, #tpu.memory_space<vmem_shared>>
      %dma_start3A_48 = arith.constant 0 : i32
      %dma_start3A_49 = tpu.memref_slice %arg11[%add3A_42, %dma_start3A_48] : memref<10240x128xf32, #tpu.memory_space<vmem_shared>> -> memref<128x128xf32, #tpu.memory_space<vmem_shared>>
      tpu.enqueue_dma source(%dma_start3A_49 : memref<128x128xf32, #tpu.memory_space<vmem_shared>>) target(%arg9 : memref<128x128xf32, #tpu.memory_space<vmem>>) target_semaphore(%run_scoped3A : memref<!tpu.dma_semaphore, #tpu.memory_space<semaphore_mem>>)
      %dma_wait3A = arith.constant 0 : i32
      %dma_wait3A_50 = tpu.memref_slice %arg11[%add3A_42, %dma_wait3A] : memref<10240x128xf32, #tpu.memory_space<vmem_shared>> -> memref<128x128xf32, #tpu.memory_space<vmem_shared>>
      %dma_wait3A_51 = arith.constant 0 : i32
      %dma_wait3A_52 = tpu.memref_slice %arg11[%add3A_42, %dma_wait3A_51] : memref<10240x128xf32, #tpu.memory_space<vmem_shared>> -> memref<128x128xf32, #tpu.memory_space<vmem_shared>>
      tpu.wait_dma2 semaphore(%run_scoped3A : memref<!tpu.dma_semaphore, #tpu.memory_space<semaphore_mem>>) src(%dma_wait3A_52 : memref<128x128xf32, #tpu.memory_space<vmem_shared>>) dst(%arg9 : memref<128x128xf32, #tpu.memory_space<vmem>>)
      tpu.yield
    }) : () -> ()
    "tpu.region"() ({
      %run_scoped3A = tpu.sem_alloc : memref<!tpu.dma_semaphore, #tpu.memory_space<semaphore_mem>>
      %dma_start3A = arith.constant 0 : i32
      %dma_start3A_47 = tpu.memref_slice %arg6[%arg0, %add3A_42, %dma_start3A] : memref<2x10240x128xf32, #tpu.memory_space<hbm>> -> memref<1x128x128xf32, #tpu.memory_space<hbm>>
      %dma_start3A_48 = tpu.memref_squeeze %dma_start3A_47 : memref<1x128x128xf32, #tpu.memory_space<hbm>> -> memref<128x128xf32, #tpu.memory_space<hbm>>
      %dma_start3A_49 = arith.constant 0 : i32
      %dma_start3A_50 = tpu.memref_slice %arg6[%arg0, %add3A_42, %dma_start3A_49] : memref<2x10240x128xf32, #tpu.memory_space<hbm>> -> memref<1x128x128xf32, #tpu.memory_space<hbm>>
      %dma_start3A_51 = tpu.memref_squeeze %dma_start3A_50 : memref<1x128x128xf32, #tpu.memory_space<hbm>> -> memref<128x128xf32, #tpu.memory_space<hbm>>
      tpu.enqueue_dma source(%arg9 : memref<128x128xf32, #tpu.memory_space<vmem>>) target(%dma_start3A_51 : memref<128x128xf32, #tpu.memory_space<hbm>>) target_semaphore(%run_scoped3A : memref<!tpu.dma_semaphore, #tpu.memory_space<semaphore_mem>>)
      %dma_wait3A = arith.constant 0 : i32
      %dma_wait3A_52 = tpu.memref_slice %arg6[%arg0, %add3A_42, %dma_wait3A] : memref<2x10240x128xf32, #tpu.memory_space<hbm>> -> memref<1x128x128xf32, #tpu.memory_space<hbm>>
      %dma_wait3A_53 = tpu.memref_squeeze %dma_wait3A_52 : memref<1x128x128xf32, #tpu.memory_space<hbm>> -> memref<128x128xf32, #tpu.memory_space<hbm>>
      %dma_wait3A_54 = arith.constant 0 : i32
      %dma_wait3A_55 = tpu.memref_slice %arg6[%arg0, %add3A_42, %dma_wait3A_54] : memref<2x10240x128xf32, #tpu.memory_space<hbm>> -> memref<1x128x128xf32, #tpu.memory_space<hbm>>
      %dma_wait3A_56 = tpu.memref_squeeze %dma_wait3A_55 : memref<1x128x128xf32, #tpu.memory_space<hbm>> -> memref<128x128xf32, #tpu.memory_space<hbm>>
      tpu.wait_dma2 semaphore(%run_scoped3A : memref<!tpu.dma_semaphore, #tpu.memory_space<semaphore_mem>>) src(%arg9 : memref<128x128xf32, #tpu.memory_space<vmem>>) dst(%dma_wait3A_56 : memref<128x128xf32, #tpu.memory_space<hbm>>)
      tpu.yield
    }) : () -> ()
    %mul3A_43 = arith.constant 640 : i32
    %mul3A_44 = arith.muli %arg1, %mul3A_43 : i32
    %add3A_45 = arith.constant 512 : i32
    %add3A_46 = arith.addi %mul3A_44, %add3A_45 : i32
    "tpu.region"() ({
      %run_scoped3A = tpu.sem_alloc : memref<!tpu.dma_semaphore, #tpu.memory_space<semaphore_mem>>
      %dma_start3A = arith.constant 0 : i32
      %dma_start3A_47 = tpu.memref_slice %arg11[%add3A_46, %dma_start3A] : memref<10240x128xf32, #tpu.memory_space<vmem_shared>> -> memref<128x128xf32, #tpu.memory_space<vmem_shared>>
      %dma_start3A_48 = arith.constant 0 : i32
      %dma_start3A_49 = tpu.memref_slice %arg11[%add3A_46, %dma_start3A_48] : memref<10240x128xf32, #tpu.memory_space<vmem_shared>> -> memref<128x128xf32, #tpu.memory_space<vmem_shared>>
      tpu.enqueue_dma source(%dma_start3A_49 : memref<128x128xf32, #tpu.memory_space<vmem_shared>>) target(%arg9 : memref<128x128xf32, #tpu.memory_space<vmem>>) target_semaphore(%run_scoped3A : memref<!tpu.dma_semaphore, #tpu.memory_space<semaphore_mem>>)
      %dma_wait3A = arith.constant 0 : i32
      %dma_wait3A_50 = tpu.memref_slice %arg11[%add3A_46, %dma_wait3A] : memref<10240x128xf32, #tpu.memory_space<vmem_shared>> -> memref<128x128xf32, #tpu.memory_space<vmem_shared>>
      %dma_wait3A_51 = arith.constant 0 : i32
      %dma_wait3A_52 = tpu.memref_slice %arg11[%add3A_46, %dma_wait3A_51] : memref<10240x128xf32, #tpu.memory_space<vmem_shared>> -> memref<128x128xf32, #tpu.memory_space<vmem_shared>>
      tpu.wait_dma2 semaphore(%run_scoped3A : memref<!tpu.dma_semaphore, #tpu.memory_space<semaphore_mem>>) src(%dma_wait3A_52 : memref<128x128xf32, #tpu.memory_space<vmem_shared>>) dst(%arg9 : memref<128x128xf32, #tpu.memory_space<vmem>>)
      tpu.yield
    }) : () -> ()
    "tpu.region"() ({
      %run_scoped3A = tpu.sem_alloc : memref<!tpu.dma_semaphore, #tpu.memory_space<semaphore_mem>>
      %dma_start3A = arith.constant 0 : i32
      %dma_start3A_47 = tpu.memref_slice %arg6[%arg0, %add3A_46, %dma_start3A] : memref<2x10240x128xf32, #tpu.memory_space<hbm>> -> memref<1x128x128xf32, #tpu.memory_space<hbm>>
      %dma_start3A_48 = tpu.memref_squeeze %dma_start3A_47 : memref<1x128x128xf32, #tpu.memory_space<hbm>> -> memref<128x128xf32, #tpu.memory_space<hbm>>
      %dma_start3A_49 = arith.constant 0 : i32
      %dma_start3A_50 = tpu.memref_slice %arg6[%arg0, %add3A_46, %dma_start3A_49] : memref<2x10240x128xf32, #tpu.memory_space<hbm>> -> memref<1x128x128xf32, #tpu.memory_space<hbm>>
      %dma_start3A_51 = tpu.memref_squeeze %dma_start3A_50 : memref<1x128x128xf32, #tpu.memory_space<hbm>> -> memref<128x128xf32, #tpu.memory_space<hbm>>
      tpu.enqueue_dma source(%arg9 : memref<128x128xf32, #tpu.memory_space<vmem>>) target(%dma_start3A_51 : memref<128x128xf32, #tpu.memory_space<hbm>>) target_semaphore(%run_scoped3A : memref<!tpu.dma_semaphore, #tpu.memory_space<semaphore_mem>>)
      %dma_wait3A = arith.constant 0 : i32
      %dma_wait3A_52 = tpu.memref_slice %arg6[%arg0, %add3A_46, %dma_wait3A] : memref<2x10240x128xf32, #tpu.memory_space<hbm>> -> memref<1x128x128xf32, #tpu.memory_space<hbm>>
      %dma_wait3A_53 = tpu.memref_squeeze %dma_wait3A_52 : memref<1x128x128xf32, #tpu.memory_space<hbm>> -> memref<128x128xf32, #tpu.memory_space<hbm>>
      %dma_wait3A_54 = arith.constant 0 : i32
      %dma_wait3A_55 = tpu.memref_slice %arg6[%arg0, %add3A_46, %dma_wait3A_54] : memref<2x10240x128xf32, #tpu.memory_space<hbm>> -> memref<1x128x128xf32, #tpu.memory_space<hbm>>
      %dma_wait3A_56 = tpu.memref_squeeze %dma_wait3A_55 : memref<1x128x128xf32, #tpu.memory_space<hbm>> -> memref<128x128xf32, #tpu.memory_space<hbm>>
      tpu.wait_dma2 semaphore(%run_scoped3A : memref<!tpu.dma_semaphore, #tpu.memory_space<semaphore_mem>>) src(%arg9 : memref<128x128xf32, #tpu.memory_space<vmem>>) dst(%dma_wait3A_56 : memref<128x128xf32, #tpu.memory_space<hbm>>)
      tpu.yield
    }) : () -> ()
    return
  }
}

#map = affine_map<(d0, d1) -> (0, 0, 0)>
#map1 = affine_map<(d0, d1) -> (0, 0)>
module attributes {stable_mosaic.version = 14 : i64} {
  func.func @_sc_body(%arg0: i32, %arg1: i32, %arg2: memref<32x80x125xi32, #tpu.memory_space<hbm>>, %arg3: memref<32x80x125xi32, #tpu.memory_space<hbm>>, %arg4: memref<10000x128xf32, #tpu.memory_space<hbm>>, %arg5: memref<128x128xf32, #tpu.memory_space<hbm>>, %arg6: memref<2x10240x128xf32, #tpu.memory_space<hbm>>, %arg7: memref<80x125xi32, #tpu.memory_space<vmem>>, %arg8: memref<80x125xi32, #tpu.memory_space<vmem>>, %arg9: memref<128x128xf32, #tpu.memory_space<vmem>>, %arg10: memref<!tpu.dma_semaphore, #tpu.memory_space<semaphore_mem>>, %arg11: memref<10240x128xf32, #tpu.memory_space<vmem_shared>>) attributes {dimension_semantics = [#tpu.dimension_semantics<core_parallel>, #tpu.dimension_semantics<subcore_parallel>], iteration_bounds = array<i64: 2, 16>, scalar_prefetch = 0 : i64, scratch_operands = 5 : i64, tpu.core_type = #tpu.core_type<sc_vector_subcore>, window_params = [{transform_indices = #map}, {transform_indices = #map}, {transform_indices = #map1}, {transform_indices = #map1}, {transform_indices = #map}]} {
    %mul3A = arith.constant 16 : i32
    %mul3A_0 = arith.muli %arg0, %mul3A : i32
    %add3A = arith.addi %mul3A_0, %arg1 : i32
    "tpu.region"() ({
      %run_scoped3A = tpu.sem_alloc : memref<!tpu.dma_semaphore, #tpu.memory_space<semaphore_mem>>
      tpu.enqueue_dma source(%arg5 : memref<128x128xf32, #tpu.memory_space<hbm>>) target(%arg9 : memref<128x128xf32, #tpu.memory_space<vmem>>) target_semaphore(%run_scoped3A : memref<!tpu.dma_semaphore, #tpu.memory_space<semaphore_mem>>)
      tpu.wait_dma2 semaphore(%run_scoped3A : memref<!tpu.dma_semaphore, #tpu.memory_space<semaphore_mem>>) src(%arg5 : memref<128x128xf32, #tpu.memory_space<hbm>>) dst(%arg9 : memref<128x128xf32, #tpu.memory_space<vmem>>)
      tpu.yield
    }) : () -> ()
    %mul3A_1 = arith.constant 640 : i32
    %mul3A_2 = arith.muli %arg1, %mul3A_1 : i32
    %add3A_3 = arith.constant 0 : i32
    %add3A_4 = arith.addi %mul3A_2, %add3A_3 : i32
    "tpu.region"() ({
      %run_scoped3A = tpu.sem_alloc : memref<!tpu.dma_semaphore, #tpu.memory_space<semaphore_mem>>
      %dma_start3A = arith.constant 0 : i32
      %dma_start3A_47 = tpu.memref_slice %arg11[%add3A_4, %dma_start3A] : memref<10240x128xf32, #tpu.memory_space<vmem_shared>> -> memref<128x128xf32, #tpu.memory_space<vmem_shared>>
      %dma_start3A_48 = arith.constant 0 : i32
      %dma_start3A_49 = tpu.memref_slice %arg11[%add3A_4, %dma_start3A_48] : memref<10240x128xf32, #tpu.memory_space<vmem_shared>> -> memref<128x128xf32, #tpu.memory_space<vmem_shared>>
      tpu.enqueue_dma source(%arg9 : memref<128x128xf32, #tpu.memory_space<vmem>>) target(%dma_start3A_49 : memref<128x128xf32, #tpu.memory_space<vmem_shared>>) target_semaphore(%run_scoped3A : memref<!tpu.dma_semaphore, #tpu.memory_space<semaphore_mem>>)
      %dma_wait3A = arith.constant 0 : i32
      %dma_wait3A_50 = tpu.memref_slice %arg11[%add3A_4, %dma_wait3A] : memref<10240x128xf32, #tpu.memory_space<vmem_shared>> -> memref<128x128xf32, #tpu.memory_space<vmem_shared>>
      %dma_wait3A_51 = arith.constant 0 : i32
      %dma_wait3A_52 = tpu.memref_slice %arg11[%add3A_4, %dma_wait3A_51] : memref<10240x128xf32, #tpu.memory_space<vmem_shared>> -> memref<128x128xf32, #tpu.memory_space<vmem_shared>>
      tpu.wait_dma2 semaphore(%run_scoped3A : memref<!tpu.dma_semaphore, #tpu.memory_space<semaphore_mem>>) src(%arg9 : memref<128x128xf32, #tpu.memory_space<vmem>>) dst(%dma_wait3A_52 : memref<128x128xf32, #tpu.memory_space<vmem_shared>>)
      tpu.yield
    }) : () -> ()
    %mul3A_5 = arith.constant 640 : i32
    %mul3A_6 = arith.muli %arg1, %mul3A_5 : i32
    %add3A_7 = arith.constant 128 : i32
    %add3A_8 = arith.addi %mul3A_6, %add3A_7 : i32
    "tpu.region"() ({
      %run_scoped3A = tpu.sem_alloc : memref<!tpu.dma_semaphore, #tpu.memory_space<semaphore_mem>>
      %dma_start3A = arith.constant 0 : i32
      %dma_start3A_47 = tpu.memref_slice %arg11[%add3A_8, %dma_start3A] : memref<10240x128xf32, #tpu.memory_space<vmem_shared>> -> memref<128x128xf32, #tpu.memory_space<vmem_shared>>
      %dma_start3A_48 = arith.constant 0 : i32
      %dma_start3A_49 = tpu.memref_slice %arg11[%add3A_8, %dma_start3A_48] : memref<10240x128xf32, #tpu.memory_space<vmem_shared>> -> memref<128x128xf32, #tpu.memory_space<vmem_shared>>
      tpu.enqueue_dma source(%arg9 : memref<128x128xf32, #tpu.memory_space<vmem>>) target(%dma_start3A_49 : memref<128x128xf32, #tpu.memory_space<vmem_shared>>) target_semaphore(%run_scoped3A : memref<!tpu.dma_semaphore, #tpu.memory_space<semaphore_mem>>)
      %dma_wait3A = arith.constant 0 : i32
      %dma_wait3A_50 = tpu.memref_slice %arg11[%add3A_8, %dma_wait3A] : memref<10240x128xf32, #tpu.memory_space<vmem_shared>> -> memref<128x128xf32, #tpu.memory_space<vmem_shared>>
      %dma_wait3A_51 = arith.constant 0 : i32
      %dma_wait3A_52 = tpu.memref_slice %arg11[%add3A_8, %dma_wait3A_51] : memref<10240x128xf32, #tpu.memory_space<vmem_shared>> -> memref<128x128xf32, #tpu.memory_space<vmem_shared>>
      tpu.wait_dma2 semaphore(%run_scoped3A : memref<!tpu.dma_semaphore, #tpu.memory_space<semaphore_mem>>) src(%arg9 : memref<128x128xf32, #tpu.memory_space<vmem>>) dst(%dma_wait3A_52 : memref<128x128xf32, #tpu.memory_space<vmem_shared>>)
      tpu.yield
    }) : () -> ()
    %mul3A_9 = arith.constant 640 : i32
    %mul3A_10 = arith.muli %arg1, %mul3A_9 : i32
    %add3A_11 = arith.constant 256 : i32
    %add3A_12 = arith.addi %mul3A_10, %add3A_11 : i32
    "tpu.region"() ({
      %run_scoped3A = tpu.sem_alloc : memref<!tpu.dma_semaphore, #tpu.memory_space<semaphore_mem>>
      %dma_start3A = arith.constant 0 : i32
      %dma_start3A_47 = tpu.memref_slice %arg11[%add3A_12, %dma_start3A] : memref<10240x128xf32, #tpu.memory_space<vmem_shared>> -> memref<128x128xf32, #tpu.memory_space<vmem_shared>>
      %dma_start3A_48 = arith.constant 0 : i32
      %dma_start3A_49 = tpu.memref_slice %arg11[%add3A_12, %dma_start3A_48] : memref<10240x128xf32, #tpu.memory_space<vmem_shared>> -> memref<128x128xf32, #tpu.memory_space<vmem_shared>>
      tpu.enqueue_dma source(%arg9 : memref<128x128xf32, #tpu.memory_space<vmem>>) target(%dma_start3A_49 : memref<128x128xf32, #tpu.memory_space<vmem_shared>>) target_semaphore(%run_scoped3A : memref<!tpu.dma_semaphore, #tpu.memory_space<semaphore_mem>>)
      %dma_wait3A = arith.constant 0 : i32
      %dma_wait3A_50 = tpu.memref_slice %arg11[%add3A_12, %dma_wait3A] : memref<10240x128xf32, #tpu.memory_space<vmem_shared>> -> memref<128x128xf32, #tpu.memory_space<vmem_shared>>
      %dma_wait3A_51 = arith.constant 0 : i32
      %dma_wait3A_52 = tpu.memref_slice %arg11[%add3A_12, %dma_wait3A_51] : memref<10240x128xf32, #tpu.memory_space<vmem_shared>> -> memref<128x128xf32, #tpu.memory_space<vmem_shared>>
      tpu.wait_dma2 semaphore(%run_scoped3A : memref<!tpu.dma_semaphore, #tpu.memory_space<semaphore_mem>>) src(%arg9 : memref<128x128xf32, #tpu.memory_space<vmem>>) dst(%dma_wait3A_52 : memref<128x128xf32, #tpu.memory_space<vmem_shared>>)
      tpu.yield
    }) : () -> ()
    %mul3A_13 = arith.constant 640 : i32
    %mul3A_14 = arith.muli %arg1, %mul3A_13 : i32
    %add3A_15 = arith.constant 384 : i32
    %add3A_16 = arith.addi %mul3A_14, %add3A_15 : i32
    "tpu.region"() ({
      %run_scoped3A = tpu.sem_alloc : memref<!tpu.dma_semaphore, #tpu.memory_space<semaphore_mem>>
      %dma_start3A = arith.constant 0 : i32
      %dma_start3A_47 = tpu.memref_slice %arg11[%add3A_16, %dma_start3A] : memref<10240x128xf32, #tpu.memory_space<vmem_shared>> -> memref<128x128xf32, #tpu.memory_space<vmem_shared>>
      %dma_start3A_48 = arith.constant 0 : i32
      %dma_start3A_49 = tpu.memref_slice %arg11[%add3A_16, %dma_start3A_48] : memref<10240x128xf32, #tpu.memory_space<vmem_shared>> -> memref<128x128xf32, #tpu.memory_space<vmem_shared>>
      tpu.enqueue_dma source(%arg9 : memref<128x128xf32, #tpu.memory_space<vmem>>) target(%dma_start3A_49 : memref<128x128xf32, #tpu.memory_space<vmem_shared>>) target_semaphore(%run_scoped3A : memref<!tpu.dma_semaphore, #tpu.memory_space<semaphore_mem>>)
      %dma_wait3A = arith.constant 0 : i32
      %dma_wait3A_50 = tpu.memref_slice %arg11[%add3A_16, %dma_wait3A] : memref<10240x128xf32, #tpu.memory_space<vmem_shared>> -> memref<128x128xf32, #tpu.memory_space<vmem_shared>>
      %dma_wait3A_51 = arith.constant 0 : i32
      %dma_wait3A_52 = tpu.memref_slice %arg11[%add3A_16, %dma_wait3A_51] : memref<10240x128xf32, #tpu.memory_space<vmem_shared>> -> memref<128x128xf32, #tpu.memory_space<vmem_shared>>
      tpu.wait_dma2 semaphore(%run_scoped3A : memref<!tpu.dma_semaphore, #tpu.memory_space<semaphore_mem>>) src(%arg9 : memref<128x128xf32, #tpu.memory_space<vmem>>) dst(%dma_wait3A_52 : memref<128x128xf32, #tpu.memory_space<vmem_shared>>)
      tpu.yield
    }) : () -> ()
    %mul3A_17 = arith.constant 640 : i32
    %mul3A_18 = arith.muli %arg1, %mul3A_17 : i32
    %add3A_19 = arith.constant 512 : i32
    %add3A_20 = arith.addi %mul3A_18, %add3A_19 : i32
    "tpu.region"() ({
      %run_scoped3A = tpu.sem_alloc : memref<!tpu.dma_semaphore, #tpu.memory_space<semaphore_mem>>
      %dma_start3A = arith.constant 0 : i32
      %dma_start3A_47 = tpu.memref_slice %arg11[%add3A_20, %dma_start3A] : memref<10240x128xf32, #tpu.memory_space<vmem_shared>> -> memref<128x128xf32, #tpu.memory_space<vmem_shared>>
      %dma_start3A_48 = arith.constant 0 : i32
      %dma_start3A_49 = tpu.memref_slice %arg11[%add3A_20, %dma_start3A_48] : memref<10240x128xf32, #tpu.memory_space<vmem_shared>> -> memref<128x128xf32, #tpu.memory_space<vmem_shared>>
      tpu.enqueue_dma source(%arg9 : memref<128x128xf32, #tpu.memory_space<vmem>>) target(%dma_start3A_49 : memref<128x128xf32, #tpu.memory_space<vmem_shared>>) target_semaphore(%run_scoped3A : memref<!tpu.dma_semaphore, #tpu.memory_space<semaphore_mem>>)
      %dma_wait3A = arith.constant 0 : i32
      %dma_wait3A_50 = tpu.memref_slice %arg11[%add3A_20, %dma_wait3A] : memref<10240x128xf32, #tpu.memory_space<vmem_shared>> -> memref<128x128xf32, #tpu.memory_space<vmem_shared>>
      %dma_wait3A_51 = arith.constant 0 : i32
      %dma_wait3A_52 = tpu.memref_slice %arg11[%add3A_20, %dma_wait3A_51] : memref<10240x128xf32, #tpu.memory_space<vmem_shared>> -> memref<128x128xf32, #tpu.memory_space<vmem_shared>>
      tpu.wait_dma2 semaphore(%run_scoped3A : memref<!tpu.dma_semaphore, #tpu.memory_space<semaphore_mem>>) src(%arg9 : memref<128x128xf32, #tpu.memory_space<vmem>>) dst(%dma_wait3A_52 : memref<128x128xf32, #tpu.memory_space<vmem_shared>>)
      tpu.yield
    }) : () -> ()
    "tpu.region"() ({
      %run_scoped3A = tpu.sem_alloc : memref<!tpu.dma_semaphore, #tpu.memory_space<semaphore_mem>>
      %dma_start3A = arith.constant 0 : i32
      %dma_start3A_47 = arith.constant 0 : i32
      %dma_start3A_48 = tpu.memref_slice %arg2[%add3A, %dma_start3A, %dma_start3A_47] : memref<32x80x125xi32, #tpu.memory_space<hbm>> -> memref<1x80x125xi32, #tpu.memory_space<hbm>>
      %dma_start3A_49 = tpu.memref_squeeze %dma_start3A_48 : memref<1x80x125xi32, #tpu.memory_space<hbm>> -> memref<80x125xi32, #tpu.memory_space<hbm>>
      %dma_start3A_50 = arith.constant 0 : i32
      %dma_start3A_51 = arith.constant 0 : i32
      %dma_start3A_52 = tpu.memref_slice %arg2[%add3A, %dma_start3A_50, %dma_start3A_51] : memref<32x80x125xi32, #tpu.memory_space<hbm>> -> memref<1x80x125xi32, #tpu.memory_space<hbm>>
      %dma_start3A_53 = tpu.memref_squeeze %dma_start3A_52 : memref<1x80x125xi32, #tpu.memory_space<hbm>> -> memref<80x125xi32, #tpu.memory_space<hbm>>
      tpu.enqueue_dma source(%dma_start3A_53 : memref<80x125xi32, #tpu.memory_space<hbm>>) target(%arg7 : memref<80x125xi32, #tpu.memory_space<vmem>>) target_semaphore(%run_scoped3A : memref<!tpu.dma_semaphore, #tpu.memory_space<semaphore_mem>>)
      %dma_wait3A = arith.constant 0 : i32
      %dma_wait3A_54 = arith.constant 0 : i32
      %dma_wait3A_55 = tpu.memref_slice %arg2[%add3A, %dma_wait3A, %dma_wait3A_54] : memref<32x80x125xi32, #tpu.memory_space<hbm>> -> memref<1x80x125xi32, #tpu.memory_space<hbm>>
      %dma_wait3A_56 = tpu.memref_squeeze %dma_wait3A_55 : memref<1x80x125xi32, #tpu.memory_space<hbm>> -> memref<80x125xi32, #tpu.memory_space<hbm>>
      %dma_wait3A_57 = arith.constant 0 : i32
      %dma_wait3A_58 = arith.constant 0 : i32
      %dma_wait3A_59 = tpu.memref_slice %arg2[%add3A, %dma_wait3A_57, %dma_wait3A_58] : memref<32x80x125xi32, #tpu.memory_space<hbm>> -> memref<1x80x125xi32, #tpu.memory_space<hbm>>
      %dma_wait3A_60 = tpu.memref_squeeze %dma_wait3A_59 : memref<1x80x125xi32, #tpu.memory_space<hbm>> -> memref<80x125xi32, #tpu.memory_space<hbm>>
      tpu.wait_dma2 semaphore(%run_scoped3A : memref<!tpu.dma_semaphore, #tpu.memory_space<semaphore_mem>>) src(%dma_wait3A_60 : memref<80x125xi32, #tpu.memory_space<hbm>>) dst(%arg7 : memref<80x125xi32, #tpu.memory_space<vmem>>)
      tpu.yield
    }) : () -> ()
    "tpu.region"() ({
      %run_scoped3A = tpu.sem_alloc : memref<!tpu.dma_semaphore, #tpu.memory_space<semaphore_mem>>
      %dma_start3A = arith.constant 0 : i32
      %dma_start3A_47 = arith.constant 0 : i32
      %dma_start3A_48 = tpu.memref_slice %arg3[%add3A, %dma_start3A, %dma_start3A_47] : memref<32x80x125xi32, #tpu.memory_space<hbm>> -> memref<1x80x125xi32, #tpu.memory_space<hbm>>
      %dma_start3A_49 = tpu.memref_squeeze %dma_start3A_48 : memref<1x80x125xi32, #tpu.memory_space<hbm>> -> memref<80x125xi32, #tpu.memory_space<hbm>>
      %dma_start3A_50 = arith.constant 0 : i32
      %dma_start3A_51 = arith.constant 0 : i32
      %dma_start3A_52 = tpu.memref_slice %arg3[%add3A, %dma_start3A_50, %dma_start3A_51] : memref<32x80x125xi32, #tpu.memory_space<hbm>> -> memref<1x80x125xi32, #tpu.memory_space<hbm>>
      %dma_start3A_53 = tpu.memref_squeeze %dma_start3A_52 : memref<1x80x125xi32, #tpu.memory_space<hbm>> -> memref<80x125xi32, #tpu.memory_space<hbm>>
      tpu.enqueue_dma source(%dma_start3A_53 : memref<80x125xi32, #tpu.memory_space<hbm>>) target(%arg8 : memref<80x125xi32, #tpu.memory_space<vmem>>) target_semaphore(%run_scoped3A : memref<!tpu.dma_semaphore, #tpu.memory_space<semaphore_mem>>)
      %dma_wait3A = arith.constant 0 : i32
      %dma_wait3A_54 = arith.constant 0 : i32
      %dma_wait3A_55 = tpu.memref_slice %arg3[%add3A, %dma_wait3A, %dma_wait3A_54] : memref<32x80x125xi32, #tpu.memory_space<hbm>> -> memref<1x80x125xi32, #tpu.memory_space<hbm>>
      %dma_wait3A_56 = tpu.memref_squeeze %dma_wait3A_55 : memref<1x80x125xi32, #tpu.memory_space<hbm>> -> memref<80x125xi32, #tpu.memory_space<hbm>>
      %dma_wait3A_57 = arith.constant 0 : i32
      %dma_wait3A_58 = arith.constant 0 : i32
      %dma_wait3A_59 = tpu.memref_slice %arg3[%add3A, %dma_wait3A_57, %dma_wait3A_58] : memref<32x80x125xi32, #tpu.memory_space<hbm>> -> memref<1x80x125xi32, #tpu.memory_space<hbm>>
      %dma_wait3A_60 = tpu.memref_squeeze %dma_wait3A_59 : memref<1x80x125xi32, #tpu.memory_space<hbm>> -> memref<80x125xi32, #tpu.memory_space<hbm>>
      tpu.wait_dma2 semaphore(%run_scoped3A : memref<!tpu.dma_semaphore, #tpu.memory_space<semaphore_mem>>) src(%dma_wait3A_60 : memref<80x125xi32, #tpu.memory_space<hbm>>) dst(%arg8 : memref<80x125xi32, #tpu.memory_space<vmem>>)
      tpu.yield
    }) : () -> ()
    %barrier3A = arith.constant 0 : index
    tpu.barrier barrier_id(%barrier3A)
    %scan3A = arith.constant 0 : i32
    %scan3A_21 = arith.constant 0 : i32
    %scan3A_22 = arith.constant 80 : i32
    %scan3A_23 = arith.addi %scan3A_21, %scan3A_22 : i32
    %scan3A_24 = arith.constant 1 : i32
    scf.for %scan3A_47 = %scan3A_21 to %scan3A_23 step %scan3A_24  : i32 {
      %dma_start3A = arith.constant 0 : i32
      %dma_start3A_48 = arith.constant 0 : i32
      %dma_start3A_49 = tpu.memref_slice %arg9[%dma_start3A, %dma_start3A_48] : memref<128x128xf32, #tpu.memory_space<vmem>> -> memref<125x128xf32, #tpu.memory_space<vmem>>
      %dma_start3A_50 = arith.constant 0 : i32
      %dma_start3A_51 = tpu.memref_slice %arg7[%scan3A_47, %dma_start3A_50] : memref<80x125xi32, #tpu.memory_space<vmem>> -> memref<1x125xi32, #tpu.memory_space<vmem>>
      %dma_start3A_52 = tpu.memref_squeeze %dma_start3A_51 : memref<1x125xi32, #tpu.memory_space<vmem>> -> memref<125xi32, #tpu.memory_space<vmem>>
      %dma_start3A_53 = arith.constant 0 : i32
      %dma_start3A_54 = arith.constant 0 : i32
      %dma_start3A_55 = tpu.memref_slice %arg4[%dma_start3A_53, %dma_start3A_54] : memref<10000x128xf32, #tpu.memory_space<hbm>> -> memref<10000x128xf32, #tpu.memory_space<hbm>>
      tpu.enqueue_indirect_dma source(%dma_start3A_55 : memref<10000x128xf32, #tpu.memory_space<hbm>>) target(%dma_start3A_49 : memref<125x128xf32, #tpu.memory_space<vmem>>) offsets(%dma_start3A_52 : memref<125xi32, #tpu.memory_space<vmem>>) semaphore(%arg10 : memref<!tpu.dma_semaphore, #tpu.memory_space<semaphore_mem>>)
      %dma_wait3A = arith.constant 0 : i32
      %dma_wait3A_56 = arith.constant 0 : i32
      %dma_wait3A_57 = tpu.memref_slice %arg9[%dma_wait3A, %dma_wait3A_56] : memref<128x128xf32, #tpu.memory_space<vmem>> -> memref<125x128xf32, #tpu.memory_space<vmem>>
      %dma_wait3A_58 = arith.constant 0 : i32
      %dma_wait3A_59 = tpu.memref_slice %arg7[%scan3A_47, %dma_wait3A_58] : memref<80x125xi32, #tpu.memory_space<vmem>> -> memref<1x125xi32, #tpu.memory_space<vmem>>
      %dma_wait3A_60 = tpu.memref_squeeze %dma_wait3A_59 : memref<1x125xi32, #tpu.memory_space<vmem>> -> memref<125xi32, #tpu.memory_space<vmem>>
      %dma_wait3A_61 = arith.constant 0 : i32
      %dma_wait3A_62 = arith.constant 0 : i32
      %dma_wait3A_63 = tpu.memref_slice %arg4[%dma_wait3A_61, %dma_wait3A_62] : memref<10000x128xf32, #tpu.memory_space<hbm>> -> memref<10000x128xf32, #tpu.memory_space<hbm>>
      tpu.wait_indirect_dma semaphore(%arg10 : memref<!tpu.dma_semaphore, #tpu.memory_space<semaphore_mem>>) src(%dma_wait3A_63 : memref<10000x128xf32, #tpu.memory_space<hbm>>) dst(%dma_wait3A_57 : memref<125x128xf32, #tpu.memory_space<vmem>>)
      "tpu.region"() ({
        %run_scoped3A = tpu.sem_alloc : memref<!tpu.dma_semaphore, #tpu.memory_space<semaphore_mem>>
        %dma_start3A_64 = arith.constant 0 : i32
        %dma_start3A_65 = arith.constant 0 : i32
        %dma_start3A_66 = tpu.memref_slice %arg9[%dma_start3A_64, %dma_start3A_65] : memref<128x128xf32, #tpu.memory_space<vmem>> -> memref<125x128xf32, #tpu.memory_space<vmem>>
        %dma_start3A_67 = arith.constant 0 : i32
        %dma_start3A_68 = tpu.memref_slice %arg8[%scan3A_47, %dma_start3A_67] : memref<80x125xi32, #tpu.memory_space<vmem>> -> memref<1x125xi32, #tpu.memory_space<vmem>>
        %dma_start3A_69 = tpu.memref_squeeze %dma_start3A_68 : memref<1x125xi32, #tpu.memory_space<vmem>> -> memref<125xi32, #tpu.memory_space<vmem>>
        %dma_start3A_70 = arith.constant 0 : i32
        %dma_start3A_71 = arith.constant 0 : i32
        %dma_start3A_72 = tpu.memref_slice %arg11[%dma_start3A_70, %dma_start3A_71] : memref<10240x128xf32, #tpu.memory_space<vmem_shared>> -> memref<10240x128xf32, #tpu.memory_space<vmem_shared>>
        tpu.enqueue_indirect_dma source(%dma_start3A_66 : memref<125x128xf32, #tpu.memory_space<vmem>>) target(%dma_start3A_72 : memref<10240x128xf32, #tpu.memory_space<vmem_shared>>) offsets(%dma_start3A_69 : memref<125xi32, #tpu.memory_space<vmem>>) semaphore(%run_scoped3A : memref<!tpu.dma_semaphore, #tpu.memory_space<semaphore_mem>>) {add = true}
        %dma_wait3A_73 = arith.constant 0 : i32
        %dma_wait3A_74 = arith.constant 0 : i32
        %dma_wait3A_75 = tpu.memref_slice %arg9[%dma_wait3A_73, %dma_wait3A_74] : memref<128x128xf32, #tpu.memory_space<vmem>> -> memref<125x128xf32, #tpu.memory_space<vmem>>
        %dma_wait3A_76 = arith.constant 0 : i32
        %dma_wait3A_77 = tpu.memref_slice %arg8[%scan3A_47, %dma_wait3A_76] : memref<80x125xi32, #tpu.memory_space<vmem>> -> memref<1x125xi32, #tpu.memory_space<vmem>>
        %dma_wait3A_78 = tpu.memref_squeeze %dma_wait3A_77 : memref<1x125xi32, #tpu.memory_space<vmem>> -> memref<125xi32, #tpu.memory_space<vmem>>
        %dma_wait3A_79 = arith.constant 0 : i32
        %dma_wait3A_80 = arith.constant 0 : i32
        %dma_wait3A_81 = tpu.memref_slice %arg11[%dma_wait3A_79, %dma_wait3A_80] : memref<10240x128xf32, #tpu.memory_space<vmem_shared>> -> memref<10240x128xf32, #tpu.memory_space<vmem_shared>>
        tpu.wait_indirect_dma semaphore(%run_scoped3A : memref<!tpu.dma_semaphore, #tpu.memory_space<semaphore_mem>>) src(%dma_wait3A_75 : memref<125x128xf32, #tpu.memory_space<vmem>>) dst(%dma_wait3A_81 : memref<10240x128xf32, #tpu.memory_space<vmem_shared>>)
        tpu.yield
      }) : () -> ()
    }
    %scan3A_25 = arith.constant 80 : i32
    %barrier3A_26 = arith.constant 0 : index
    tpu.barrier barrier_id(%barrier3A_26)
    %mul3A_27 = arith.constant 640 : i32
    %mul3A_28 = arith.muli %arg1, %mul3A_27 : i32
    %add3A_29 = arith.constant 0 : i32
    %add3A_30 = arith.addi %mul3A_28, %add3A_29 : i32
    "tpu.region"() ({
      %run_scoped3A = tpu.sem_alloc : memref<!tpu.dma_semaphore, #tpu.memory_space<semaphore_mem>>
      %dma_start3A = arith.constant 0 : i32
      %dma_start3A_47 = tpu.memref_slice %arg11[%add3A_30, %dma_start3A] : memref<10240x128xf32, #tpu.memory_space<vmem_shared>> -> memref<128x128xf32, #tpu.memory_space<vmem_shared>>
      %dma_start3A_48 = arith.constant 0 : i32
      %dma_start3A_49 = tpu.memref_slice %arg11[%add3A_30, %dma_start3A_48] : memref<10240x128xf32, #tpu.memory_space<vmem_shared>> -> memref<128x128xf32, #tpu.memory_space<vmem_shared>>
      tpu.enqueue_dma source(%dma_start3A_49 : memref<128x128xf32, #tpu.memory_space<vmem_shared>>) target(%arg9 : memref<128x128xf32, #tpu.memory_space<vmem>>) target_semaphore(%run_scoped3A : memref<!tpu.dma_semaphore, #tpu.memory_space<semaphore_mem>>)
      %dma_wait3A = arith.constant 0 : i32
      %dma_wait3A_50 = tpu.memref_slice %arg11[%add3A_30, %dma_wait3A] : memref<10240x128xf32, #tpu.memory_space<vmem_shared>> -> memref<128x128xf32, #tpu.memory_space<vmem_shared>>
      %dma_wait3A_51 = arith.constant 0 : i32
      %dma_wait3A_52 = tpu.memref_slice %arg11[%add3A_30, %dma_wait3A_51] : memref<10240x128xf32, #tpu.memory_space<vmem_shared>> -> memref<128x128xf32, #tpu.memory_space<vmem_shared>>
      tpu.wait_dma2 semaphore(%run_scoped3A : memref<!tpu.dma_semaphore, #tpu.memory_space<semaphore_mem>>) src(%dma_wait3A_52 : memref<128x128xf32, #tpu.memory_space<vmem_shared>>) dst(%arg9 : memref<128x128xf32, #tpu.memory_space<vmem>>)
      tpu.yield
    }) : () -> ()
    "tpu.region"() ({
      %run_scoped3A = tpu.sem_alloc : memref<!tpu.dma_semaphore, #tpu.memory_space<semaphore_mem>>
      %dma_start3A = arith.constant 0 : i32
      %dma_start3A_47 = tpu.memref_slice %arg6[%arg0, %add3A_30, %dma_start3A] : memref<2x10240x128xf32, #tpu.memory_space<hbm>> -> memref<1x128x128xf32, #tpu.memory_space<hbm>>
      %dma_start3A_48 = tpu.memref_squeeze %dma_start3A_47 : memref<1x128x128xf32, #tpu.memory_space<hbm>> -> memref<128x128xf32, #tpu.memory_space<hbm>>
      %dma_start3A_49 = arith.constant 0 : i32
      %dma_start3A_50 = tpu.memref_slice %arg6[%arg0, %add3A_30, %dma_start3A_49] : memref<2x10240x128xf32, #tpu.memory_space<hbm>> -> memref<1x128x128xf32, #tpu.memory_space<hbm>>
      %dma_start3A_51 = tpu.memref_squeeze %dma_start3A_50 : memref<1x128x128xf32, #tpu.memory_space<hbm>> -> memref<128x128xf32, #tpu.memory_space<hbm>>
      tpu.enqueue_dma source(%arg9 : memref<128x128xf32, #tpu.memory_space<vmem>>) target(%dma_start3A_51 : memref<128x128xf32, #tpu.memory_space<hbm>>) target_semaphore(%run_scoped3A : memref<!tpu.dma_semaphore, #tpu.memory_space<semaphore_mem>>)
      %dma_wait3A = arith.constant 0 : i32
      %dma_wait3A_52 = tpu.memref_slice %arg6[%arg0, %add3A_30, %dma_wait3A] : memref<2x10240x128xf32, #tpu.memory_space<hbm>> -> memref<1x128x128xf32, #tpu.memory_space<hbm>>
      %dma_wait3A_53 = tpu.memref_squeeze %dma_wait3A_52 : memref<1x128x128xf32, #tpu.memory_space<hbm>> -> memref<128x128xf32, #tpu.memory_space<hbm>>
      %dma_wait3A_54 = arith.constant 0 : i32
      %dma_wait3A_55 = tpu.memref_slice %arg6[%arg0, %add3A_30, %dma_wait3A_54] : memref<2x10240x128xf32, #tpu.memory_space<hbm>> -> memref<1x128x128xf32, #tpu.memory_space<hbm>>
      %dma_wait3A_56 = tpu.memref_squeeze %dma_wait3A_55 : memref<1x128x128xf32, #tpu.memory_space<hbm>> -> memref<128x128xf32, #tpu.memory_space<hbm>>
      tpu.wait_dma2 semaphore(%run_scoped3A : memref<!tpu.dma_semaphore, #tpu.memory_space<semaphore_mem>>) src(%arg9 : memref<128x128xf32, #tpu.memory_space<vmem>>) dst(%dma_wait3A_56 : memref<128x128xf32, #tpu.memory_space<hbm>>)
      tpu.yield
    }) : () -> ()
    %mul3A_31 = arith.constant 640 : i32
    %mul3A_32 = arith.muli %arg1, %mul3A_31 : i32
    %add3A_33 = arith.constant 128 : i32
    %add3A_34 = arith.addi %mul3A_32, %add3A_33 : i32
    "tpu.region"() ({
      %run_scoped3A = tpu.sem_alloc : memref<!tpu.dma_semaphore, #tpu.memory_space<semaphore_mem>>
      %dma_start3A = arith.constant 0 : i32
      %dma_start3A_47 = tpu.memref_slice %arg11[%add3A_34, %dma_start3A] : memref<10240x128xf32, #tpu.memory_space<vmem_shared>> -> memref<128x128xf32, #tpu.memory_space<vmem_shared>>
      %dma_start3A_48 = arith.constant 0 : i32
      %dma_start3A_49 = tpu.memref_slice %arg11[%add3A_34, %dma_start3A_48] : memref<10240x128xf32, #tpu.memory_space<vmem_shared>> -> memref<128x128xf32, #tpu.memory_space<vmem_shared>>
      tpu.enqueue_dma source(%dma_start3A_49 : memref<128x128xf32, #tpu.memory_space<vmem_shared>>) target(%arg9 : memref<128x128xf32, #tpu.memory_space<vmem>>) target_semaphore(%run_scoped3A : memref<!tpu.dma_semaphore, #tpu.memory_space<semaphore_mem>>)
      %dma_wait3A = arith.constant 0 : i32
      %dma_wait3A_50 = tpu.memref_slice %arg11[%add3A_34, %dma_wait3A] : memref<10240x128xf32, #tpu.memory_space<vmem_shared>> -> memref<128x128xf32, #tpu.memory_space<vmem_shared>>
      %dma_wait3A_51 = arith.constant 0 : i32
      %dma_wait3A_52 = tpu.memref_slice %arg11[%add3A_34, %dma_wait3A_51] : memref<10240x128xf32, #tpu.memory_space<vmem_shared>> -> memref<128x128xf32, #tpu.memory_space<vmem_shared>>
      tpu.wait_dma2 semaphore(%run_scoped3A : memref<!tpu.dma_semaphore, #tpu.memory_space<semaphore_mem>>) src(%dma_wait3A_52 : memref<128x128xf32, #tpu.memory_space<vmem_shared>>) dst(%arg9 : memref<128x128xf32, #tpu.memory_space<vmem>>)
      tpu.yield
    }) : () -> ()
    "tpu.region"() ({
      %run_scoped3A = tpu.sem_alloc : memref<!tpu.dma_semaphore, #tpu.memory_space<semaphore_mem>>
      %dma_start3A = arith.constant 0 : i32
      %dma_start3A_47 = tpu.memref_slice %arg6[%arg0, %add3A_34, %dma_start3A] : memref<2x10240x128xf32, #tpu.memory_space<hbm>> -> memref<1x128x128xf32, #tpu.memory_space<hbm>>
      %dma_start3A_48 = tpu.memref_squeeze %dma_start3A_47 : memref<1x128x128xf32, #tpu.memory_space<hbm>> -> memref<128x128xf32, #tpu.memory_space<hbm>>
      %dma_start3A_49 = arith.constant 0 : i32
      %dma_start3A_50 = tpu.memref_slice %arg6[%arg0, %add3A_34, %dma_start3A_49] : memref<2x10240x128xf32, #tpu.memory_space<hbm>> -> memref<1x128x128xf32, #tpu.memory_space<hbm>>
      %dma_start3A_51 = tpu.memref_squeeze %dma_start3A_50 : memref<1x128x128xf32, #tpu.memory_space<hbm>> -> memref<128x128xf32, #tpu.memory_space<hbm>>
      tpu.enqueue_dma source(%arg9 : memref<128x128xf32, #tpu.memory_space<vmem>>) target(%dma_start3A_51 : memref<128x128xf32, #tpu.memory_space<hbm>>) target_semaphore(%run_scoped3A : memref<!tpu.dma_semaphore, #tpu.memory_space<semaphore_mem>>)
      %dma_wait3A = arith.constant 0 : i32
      %dma_wait3A_52 = tpu.memref_slice %arg6[%arg0, %add3A_34, %dma_wait3A] : memref<2x10240x128xf32, #tpu.memory_space<hbm>> -> memref<1x128x128xf32, #tpu.memory_space<hbm>>
      %dma_wait3A_53 = tpu.memref_squeeze %dma_wait3A_52 : memref<1x128x128xf32, #tpu.memory_space<hbm>> -> memref<128x128xf32, #tpu.memory_space<hbm>>
      %dma_wait3A_54 = arith.constant 0 : i32
      %dma_wait3A_55 = tpu.memref_slice %arg6[%arg0, %add3A_34, %dma_wait3A_54] : memref<2x10240x128xf32, #tpu.memory_space<hbm>> -> memref<1x128x128xf32, #tpu.memory_space<hbm>>
      %dma_wait3A_56 = tpu.memref_squeeze %dma_wait3A_55 : memref<1x128x128xf32, #tpu.memory_space<hbm>> -> memref<128x128xf32, #tpu.memory_space<hbm>>
      tpu.wait_dma2 semaphore(%run_scoped3A : memref<!tpu.dma_semaphore, #tpu.memory_space<semaphore_mem>>) src(%arg9 : memref<128x128xf32, #tpu.memory_space<vmem>>) dst(%dma_wait3A_56 : memref<128x128xf32, #tpu.memory_space<hbm>>)
      tpu.yield
    }) : () -> ()
    %mul3A_35 = arith.constant 640 : i32
    %mul3A_36 = arith.muli %arg1, %mul3A_35 : i32
    %add3A_37 = arith.constant 256 : i32
    %add3A_38 = arith.addi %mul3A_36, %add3A_37 : i32
    "tpu.region"() ({
      %run_scoped3A = tpu.sem_alloc : memref<!tpu.dma_semaphore, #tpu.memory_space<semaphore_mem>>
      %dma_start3A = arith.constant 0 : i32
      %dma_start3A_47 = tpu.memref_slice %arg11[%add3A_38, %dma_start3A] : memref<10240x128xf32, #tpu.memory_space<vmem_shared>> -> memref<128x128xf32, #tpu.memory_space<vmem_shared>>
      %dma_start3A_48 = arith.constant 0 : i32
      %dma_start3A_49 = tpu.memref_slice %arg11[%add3A_38, %dma_start3A_48] : memref<10240x128xf32, #tpu.memory_space<vmem_shared>> -> memref<128x128xf32, #tpu.memory_space<vmem_shared>>
      tpu.enqueue_dma source(%dma_start3A_49 : memref<128x128xf32, #tpu.memory_space<vmem_shared>>) target(%arg9 : memref<128x128xf32, #tpu.memory_space<vmem>>) target_semaphore(%run_scoped3A : memref<!tpu.dma_semaphore, #tpu.memory_space<semaphore_mem>>)
      %dma_wait3A = arith.constant 0 : i32
      %dma_wait3A_50 = tpu.memref_slice %arg11[%add3A_38, %dma_wait3A] : memref<10240x128xf32, #tpu.memory_space<vmem_shared>> -> memref<128x128xf32, #tpu.memory_space<vmem_shared>>
      %dma_wait3A_51 = arith.constant 0 : i32
      %dma_wait3A_52 = tpu.memref_slice %arg11[%add3A_38, %dma_wait3A_51] : memref<10240x128xf32, #tpu.memory_space<vmem_shared>> -> memref<128x128xf32, #tpu.memory_space<vmem_shared>>
      tpu.wait_dma2 semaphore(%run_scoped3A : memref<!tpu.dma_semaphore, #tpu.memory_space<semaphore_mem>>) src(%dma_wait3A_52 : memref<128x128xf32, #tpu.memory_space<vmem_shared>>) dst(%arg9 : memref<128x128xf32, #tpu.memory_space<vmem>>)
      tpu.yield
    }) : () -> ()
    "tpu.region"() ({
      %run_scoped3A = tpu.sem_alloc : memref<!tpu.dma_semaphore, #tpu.memory_space<semaphore_mem>>
      %dma_start3A = arith.constant 0 : i32
      %dma_start3A_47 = tpu.memref_slice %arg6[%arg0, %add3A_38, %dma_start3A] : memref<2x10240x128xf32, #tpu.memory_space<hbm>> -> memref<1x128x128xf32, #tpu.memory_space<hbm>>
      %dma_start3A_48 = tpu.memref_squeeze %dma_start3A_47 : memref<1x128x128xf32, #tpu.memory_space<hbm>> -> memref<128x128xf32, #tpu.memory_space<hbm>>
      %dma_start3A_49 = arith.constant 0 : i32
      %dma_start3A_50 = tpu.memref_slice %arg6[%arg0, %add3A_38, %dma_start3A_49] : memref<2x10240x128xf32, #tpu.memory_space<hbm>> -> memref<1x128x128xf32, #tpu.memory_space<hbm>>
      %dma_start3A_51 = tpu.memref_squeeze %dma_start3A_50 : memref<1x128x128xf32, #tpu.memory_space<hbm>> -> memref<128x128xf32, #tpu.memory_space<hbm>>
      tpu.enqueue_dma source(%arg9 : memref<128x128xf32, #tpu.memory_space<vmem>>) target(%dma_start3A_51 : memref<128x128xf32, #tpu.memory_space<hbm>>) target_semaphore(%run_scoped3A : memref<!tpu.dma_semaphore, #tpu.memory_space<semaphore_mem>>)
      %dma_wait3A = arith.constant 0 : i32
      %dma_wait3A_52 = tpu.memref_slice %arg6[%arg0, %add3A_38, %dma_wait3A] : memref<2x10240x128xf32, #tpu.memory_space<hbm>> -> memref<1x128x128xf32, #tpu.memory_space<hbm>>
      %dma_wait3A_53 = tpu.memref_squeeze %dma_wait3A_52 : memref<1x128x128xf32, #tpu.memory_space<hbm>> -> memref<128x128xf32, #tpu.memory_space<hbm>>
      %dma_wait3A_54 = arith.constant 0 : i32
      %dma_wait3A_55 = tpu.memref_slice %arg6[%arg0, %add3A_38, %dma_wait3A_54] : memref<2x10240x128xf32, #tpu.memory_space<hbm>> -> memref<1x128x128xf32, #tpu.memory_space<hbm>>
      %dma_wait3A_56 = tpu.memref_squeeze %dma_wait3A_55 : memref<1x128x128xf32, #tpu.memory_space<hbm>> -> memref<128x128xf32, #tpu.memory_space<hbm>>
      tpu.wait_dma2 semaphore(%run_scoped3A : memref<!tpu.dma_semaphore, #tpu.memory_space<semaphore_mem>>) src(%arg9 : memref<128x128xf32, #tpu.memory_space<vmem>>) dst(%dma_wait3A_56 : memref<128x128xf32, #tpu.memory_space<hbm>>)
      tpu.yield
    }) : () -> ()
    %mul3A_39 = arith.constant 640 : i32
    %mul3A_40 = arith.muli %arg1, %mul3A_39 : i32
    %add3A_41 = arith.constant 384 : i32
    %add3A_42 = arith.addi %mul3A_40, %add3A_41 : i32
    "tpu.region"() ({
      %run_scoped3A = tpu.sem_alloc : memref<!tpu.dma_semaphore, #tpu.memory_space<semaphore_mem>>
      %dma_start3A = arith.constant 0 : i32
      %dma_start3A_47 = tpu.memref_slice %arg11[%add3A_42, %dma_start3A] : memref<10240x128xf32, #tpu.memory_space<vmem_shared>> -> memref<128x128xf32, #tpu.memory_space<vmem_shared>>
      %dma_start3A_48 = arith.constant 0 : i32
      %dma_start3A_49 = tpu.memref_slice %arg11[%add3A_42, %dma_start3A_48] : memref<10240x128xf32, #tpu.memory_space<vmem_shared>> -> memref<128x128xf32, #tpu.memory_space<vmem_shared>>
      tpu.enqueue_dma source(%dma_start3A_49 : memref<128x128xf32, #tpu.memory_space<vmem_shared>>) target(%arg9 : memref<128x128xf32, #tpu.memory_space<vmem>>) target_semaphore(%run_scoped3A : memref<!tpu.dma_semaphore, #tpu.memory_space<semaphore_mem>>)
      %dma_wait3A = arith.constant 0 : i32
      %dma_wait3A_50 = tpu.memref_slice %arg11[%add3A_42, %dma_wait3A] : memref<10240x128xf32, #tpu.memory_space<vmem_shared>> -> memref<128x128xf32, #tpu.memory_space<vmem_shared>>
      %dma_wait3A_51 = arith.constant 0 : i32
      %dma_wait3A_52 = tpu.memref_slice %arg11[%add3A_42, %dma_wait3A_51] : memref<10240x128xf32, #tpu.memory_space<vmem_shared>> -> memref<128x128xf32, #tpu.memory_space<vmem_shared>>
      tpu.wait_dma2 semaphore(%run_scoped3A : memref<!tpu.dma_semaphore, #tpu.memory_space<semaphore_mem>>) src(%dma_wait3A_52 : memref<128x128xf32, #tpu.memory_space<vmem_shared>>) dst(%arg9 : memref<128x128xf32, #tpu.memory_space<vmem>>)
      tpu.yield
    }) : () -> ()
    "tpu.region"() ({
      %run_scoped3A = tpu.sem_alloc : memref<!tpu.dma_semaphore, #tpu.memory_space<semaphore_mem>>
      %dma_start3A = arith.constant 0 : i32
      %dma_start3A_47 = tpu.memref_slice %arg6[%arg0, %add3A_42, %dma_start3A] : memref<2x10240x128xf32, #tpu.memory_space<hbm>> -> memref<1x128x128xf32, #tpu.memory_space<hbm>>
      %dma_start3A_48 = tpu.memref_squeeze %dma_start3A_47 : memref<1x128x128xf32, #tpu.memory_space<hbm>> -> memref<128x128xf32, #tpu.memory_space<hbm>>
      %dma_start3A_49 = arith.constant 0 : i32
      %dma_start3A_50 = tpu.memref_slice %arg6[%arg0, %add3A_42, %dma_start3A_49] : memref<2x10240x128xf32, #tpu.memory_space<hbm>> -> memref<1x128x128xf32, #tpu.memory_space<hbm>>
      %dma_start3A_51 = tpu.memref_squeeze %dma_start3A_50 : memref<1x128x128xf32, #tpu.memory_space<hbm>> -> memref<128x128xf32, #tpu.memory_space<hbm>>
      tpu.enqueue_dma source(%arg9 : memref<128x128xf32, #tpu.memory_space<vmem>>) target(%dma_start3A_51 : memref<128x128xf32, #tpu.memory_space<hbm>>) target_semaphore(%run_scoped3A : memref<!tpu.dma_semaphore, #tpu.memory_space<semaphore_mem>>)
      %dma_wait3A = arith.constant 0 : i32
      %dma_wait3A_52 = tpu.memref_slice %arg6[%arg0, %add3A_42, %dma_wait3A] : memref<2x10240x128xf32, #tpu.memory_space<hbm>> -> memref<1x128x128xf32, #tpu.memory_space<hbm>>
      %dma_wait3A_53 = tpu.memref_squeeze %dma_wait3A_52 : memref<1x128x128xf32, #tpu.memory_space<hbm>> -> memref<128x128xf32, #tpu.memory_space<hbm>>
      %dma_wait3A_54 = arith.constant 0 : i32
      %dma_wait3A_55 = tpu.memref_slice %arg6[%arg0, %add3A_42, %dma_wait3A_54] : memref<2x10240x128xf32, #tpu.memory_space<hbm>> -> memref<1x128x128xf32, #tpu.memory_space<hbm>>
      %dma_wait3A_56 = tpu.memref_squeeze %dma_wait3A_55 : memref<1x128x128xf32, #tpu.memory_space<hbm>> -> memref<128x128xf32, #tpu.memory_space<hbm>>
      tpu.wait_dma2 semaphore(%run_scoped3A : memref<!tpu.dma_semaphore, #tpu.memory_space<semaphore_mem>>) src(%arg9 : memref<128x128xf32, #tpu.memory_space<vmem>>) dst(%dma_wait3A_56 : memref<128x128xf32, #tpu.memory_space<hbm>>)
      tpu.yield
    }) : () -> ()
    %mul3A_43 = arith.constant 640 : i32
    %mul3A_44 = arith.muli %arg1, %mul3A_43 : i32
    %add3A_45 = arith.constant 512 : i32
    %add3A_46 = arith.addi %mul3A_44, %add3A_45 : i32
    "tpu.region"() ({
      %run_scoped3A = tpu.sem_alloc : memref<!tpu.dma_semaphore, #tpu.memory_space<semaphore_mem>>
      %dma_start3A = arith.constant 0 : i32
      %dma_start3A_47 = tpu.memref_slice %arg11[%add3A_46, %dma_start3A] : memref<10240x128xf32, #tpu.memory_space<vmem_shared>> -> memref<128x128xf32, #tpu.memory_space<vmem_shared>>
      %dma_start3A_48 = arith.constant 0 : i32
      %dma_start3A_49 = tpu.memref_slice %arg11[%add3A_46, %dma_start3A_48] : memref<10240x128xf32, #tpu.memory_space<vmem_shared>> -> memref<128x128xf32, #tpu.memory_space<vmem_shared>>
      tpu.enqueue_dma source(%dma_start3A_49 : memref<128x128xf32, #tpu.memory_space<vmem_shared>>) target(%arg9 : memref<128x128xf32, #tpu.memory_space<vmem>>) target_semaphore(%run_scoped3A : memref<!tpu.dma_semaphore, #tpu.memory_space<semaphore_mem>>)
      %dma_wait3A = arith.constant 0 : i32
      %dma_wait3A_50 = tpu.memref_slice %arg11[%add3A_46, %dma_wait3A] : memref<10240x128xf32, #tpu.memory_space<vmem_shared>> -> memref<128x128xf32, #tpu.memory_space<vmem_shared>>
      %dma_wait3A_51 = arith.constant 0 : i32
      %dma_wait3A_52 = tpu.memref_slice %arg11[%add3A_46, %dma_wait3A_51] : memref<10240x128xf32, #tpu.memory_space<vmem_shared>> -> memref<128x128xf32, #tpu.memory_space<vmem_shared>>
      tpu.wait_dma2 semaphore(%run_scoped3A : memref<!tpu.dma_semaphore, #tpu.memory_space<semaphore_mem>>) src(%dma_wait3A_52 : memref<128x128xf32, #tpu.memory_space<vmem_shared>>) dst(%arg9 : memref<128x128xf32, #tpu.memory_space<vmem>>)
      tpu.yield
    }) : () -> ()
    "tpu.region"() ({
      %run_scoped3A = tpu.sem_alloc : memref<!tpu.dma_semaphore, #tpu.memory_space<semaphore_mem>>
      %dma_start3A = arith.constant 0 : i32
      %dma_start3A_47 = tpu.memref_slice %arg6[%arg0, %add3A_46, %dma_start3A] : memref<2x10240x128xf32, #tpu.memory_space<hbm>> -> memref<1x128x128xf32, #tpu.memory_space<hbm>>
      %dma_start3A_48 = tpu.memref_squeeze %dma_start3A_47 : memref<1x128x128xf32, #tpu.memory_space<hbm>> -> memref<128x128xf32, #tpu.memory_space<hbm>>
      %dma_start3A_49 = arith.constant 0 : i32
      %dma_start3A_50 = tpu.memref_slice %arg6[%arg0, %add3A_46, %dma_start3A_49] : memref<2x10240x128xf32, #tpu.memory_space<hbm>> -> memref<1x128x128xf32, #tpu.memory_space<hbm>>
      %dma_start3A_51 = tpu.memref_squeeze %dma_start3A_50 : memref<1x128x128xf32, #tpu.memory_space<hbm>> -> memref<128x128xf32, #tpu.memory_space<hbm>>
      tpu.enqueue_dma source(%arg9 : memref<128x128xf32, #tpu.memory_space<vmem>>) target(%dma_start3A_51 : memref<128x128xf32, #tpu.memory_space<hbm>>) target_semaphore(%run_scoped3A : memref<!tpu.dma_semaphore, #tpu.memory_space<semaphore_mem>>)
      %dma_wait3A = arith.constant 0 : i32
      %dma_wait3A_52 = tpu.memref_slice %arg6[%arg0, %add3A_46, %dma_wait3A] : memref<2x10240x128xf32, #tpu.memory_space<hbm>> -> memref<1x128x128xf32, #tpu.memory_space<hbm>>
      %dma_wait3A_53 = tpu.memref_squeeze %dma_wait3A_52 : memref<1x128x128xf32, #tpu.memory_space<hbm>> -> memref<128x128xf32, #tpu.memory_space<hbm>>
      %dma_wait3A_54 = arith.constant 0 : i32
      %dma_wait3A_55 = tpu.memref_slice %arg6[%arg0, %add3A_46, %dma_wait3A_54] : memref<2x10240x128xf32, #tpu.memory_space<hbm>> -> memref<1x128x128xf32, #tpu.memory_space<hbm>>
      %dma_wait3A_56 = tpu.memref_squeeze %dma_wait3A_55 : memref<1x128x128xf32, #tpu.memory_space<hbm>> -> memref<128x128xf32, #tpu.memory_space<hbm>>
      tpu.wait_dma2 semaphore(%run_scoped3A : memref<!tpu.dma_semaphore, #tpu.memory_space<semaphore_mem>>) src(%arg9 : memref<128x128xf32, #tpu.memory_space<vmem>>) dst(%dma_wait3A_56 : memref<128x128xf32, #tpu.memory_space<hbm>>)
      tpu.yield
    }) : () -> ()
    return
  }
}

#map = affine_map<(d0, d1) -> (0, 0, 0)>
#map1 = affine_map<(d0, d1) -> (0, 0)>
module attributes {stable_mosaic.version = 14 : i64} {
  func.func @_sc_body(%arg0: i32, %arg1: i32, %arg2: memref<32x80x125xi32, #tpu.memory_space<hbm>>, %arg3: memref<32x80x125xi32, #tpu.memory_space<hbm>>, %arg4: memref<10000x128xf32, #tpu.memory_space<hbm>>, %arg5: memref<128x128xf32, #tpu.memory_space<hbm>>, %arg6: memref<2x10240x128xf32, #tpu.memory_space<hbm>>, %arg7: memref<80x125xi32, #tpu.memory_space<vmem>>, %arg8: memref<80x125xi32, #tpu.memory_space<vmem>>, %arg9: memref<128x128xf32, #tpu.memory_space<vmem>>, %arg10: memref<!tpu.dma_semaphore, #tpu.memory_space<semaphore_mem>>, %arg11: memref<10240x128xf32, #tpu.memory_space<vmem_shared>>) attributes {dimension_semantics = [#tpu.dimension_semantics<core_parallel>, #tpu.dimension_semantics<subcore_parallel>], iteration_bounds = array<i64: 2, 16>, scalar_prefetch = 0 : i64, scratch_operands = 5 : i64, tpu.core_type = #tpu.core_type<sc_vector_subcore>, window_params = [{transform_indices = #map}, {transform_indices = #map}, {transform_indices = #map1}, {transform_indices = #map1}, {transform_indices = #map}]} {
    %mul3A = arith.constant 16 : i32
    %mul3A_0 = arith.muli %arg0, %mul3A : i32
    %add3A = arith.addi %mul3A_0, %arg1 : i32
    "tpu.region"() ({
      %run_scoped3A = tpu.sem_alloc : memref<!tpu.dma_semaphore, #tpu.memory_space<semaphore_mem>>
      tpu.enqueue_dma source(%arg5 : memref<128x128xf32, #tpu.memory_space<hbm>>) target(%arg9 : memref<128x128xf32, #tpu.memory_space<vmem>>) target_semaphore(%run_scoped3A : memref<!tpu.dma_semaphore, #tpu.memory_space<semaphore_mem>>)
      tpu.wait_dma2 semaphore(%run_scoped3A : memref<!tpu.dma_semaphore, #tpu.memory_space<semaphore_mem>>) src(%arg5 : memref<128x128xf32, #tpu.memory_space<hbm>>) dst(%arg9 : memref<128x128xf32, #tpu.memory_space<vmem>>)
      tpu.yield
    }) : () -> ()
    %mul3A_1 = arith.constant 640 : i32
    %mul3A_2 = arith.muli %arg1, %mul3A_1 : i32
    %add3A_3 = arith.constant 0 : i32
    %add3A_4 = arith.addi %mul3A_2, %add3A_3 : i32
    "tpu.region"() ({
      %run_scoped3A = tpu.sem_alloc : memref<!tpu.dma_semaphore, #tpu.memory_space<semaphore_mem>>
      %dma_start3A = arith.constant 0 : i32
      %dma_start3A_47 = tpu.memref_slice %arg11[%add3A_4, %dma_start3A] : memref<10240x128xf32, #tpu.memory_space<vmem_shared>> -> memref<128x128xf32, #tpu.memory_space<vmem_shared>>
      %dma_start3A_48 = arith.constant 0 : i32
      %dma_start3A_49 = tpu.memref_slice %arg11[%add3A_4, %dma_start3A_48] : memref<10240x128xf32, #tpu.memory_space<vmem_shared>> -> memref<128x128xf32, #tpu.memory_space<vmem_shared>>
      tpu.enqueue_dma source(%arg9 : memref<128x128xf32, #tpu.memory_space<vmem>>) target(%dma_start3A_49 : memref<128x128xf32, #tpu.memory_space<vmem_shared>>) target_semaphore(%run_scoped3A : memref<!tpu.dma_semaphore, #tpu.memory_space<semaphore_mem>>)
      %dma_wait3A = arith.constant 0 : i32
      %dma_wait3A_50 = tpu.memref_slice %arg11[%add3A_4, %dma_wait3A] : memref<10240x128xf32, #tpu.memory_space<vmem_shared>> -> memref<128x128xf32, #tpu.memory_space<vmem_shared>>
      %dma_wait3A_51 = arith.constant 0 : i32
      %dma_wait3A_52 = tpu.memref_slice %arg11[%add3A_4, %dma_wait3A_51] : memref<10240x128xf32, #tpu.memory_space<vmem_shared>> -> memref<128x128xf32, #tpu.memory_space<vmem_shared>>
      tpu.wait_dma2 semaphore(%run_scoped3A : memref<!tpu.dma_semaphore, #tpu.memory_space<semaphore_mem>>) src(%arg9 : memref<128x128xf32, #tpu.memory_space<vmem>>) dst(%dma_wait3A_52 : memref<128x128xf32, #tpu.memory_space<vmem_shared>>)
      tpu.yield
    }) : () -> ()
    %mul3A_5 = arith.constant 640 : i32
    %mul3A_6 = arith.muli %arg1, %mul3A_5 : i32
    %add3A_7 = arith.constant 128 : i32
    %add3A_8 = arith.addi %mul3A_6, %add3A_7 : i32
    "tpu.region"() ({
      %run_scoped3A = tpu.sem_alloc : memref<!tpu.dma_semaphore, #tpu.memory_space<semaphore_mem>>
      %dma_start3A = arith.constant 0 : i32
      %dma_start3A_47 = tpu.memref_slice %arg11[%add3A_8, %dma_start3A] : memref<10240x128xf32, #tpu.memory_space<vmem_shared>> -> memref<128x128xf32, #tpu.memory_space<vmem_shared>>
      %dma_start3A_48 = arith.constant 0 : i32
      %dma_start3A_49 = tpu.memref_slice %arg11[%add3A_8, %dma_start3A_48] : memref<10240x128xf32, #tpu.memory_space<vmem_shared>> -> memref<128x128xf32, #tpu.memory_space<vmem_shared>>
      tpu.enqueue_dma source(%arg9 : memref<128x128xf32, #tpu.memory_space<vmem>>) target(%dma_start3A_49 : memref<128x128xf32, #tpu.memory_space<vmem_shared>>) target_semaphore(%run_scoped3A : memref<!tpu.dma_semaphore, #tpu.memory_space<semaphore_mem>>)
      %dma_wait3A = arith.constant 0 : i32
      %dma_wait3A_50 = tpu.memref_slice %arg11[%add3A_8, %dma_wait3A] : memref<10240x128xf32, #tpu.memory_space<vmem_shared>> -> memref<128x128xf32, #tpu.memory_space<vmem_shared>>
      %dma_wait3A_51 = arith.constant 0 : i32
      %dma_wait3A_52 = tpu.memref_slice %arg11[%add3A_8, %dma_wait3A_51] : memref<10240x128xf32, #tpu.memory_space<vmem_shared>> -> memref<128x128xf32, #tpu.memory_space<vmem_shared>>
      tpu.wait_dma2 semaphore(%run_scoped3A : memref<!tpu.dma_semaphore, #tpu.memory_space<semaphore_mem>>) src(%arg9 : memref<128x128xf32, #tpu.memory_space<vmem>>) dst(%dma_wait3A_52 : memref<128x128xf32, #tpu.memory_space<vmem_shared>>)
      tpu.yield
    }) : () -> ()
    %mul3A_9 = arith.constant 640 : i32
    %mul3A_10 = arith.muli %arg1, %mul3A_9 : i32
    %add3A_11 = arith.constant 256 : i32
    %add3A_12 = arith.addi %mul3A_10, %add3A_11 : i32
    "tpu.region"() ({
      %run_scoped3A = tpu.sem_alloc : memref<!tpu.dma_semaphore, #tpu.memory_space<semaphore_mem>>
      %dma_start3A = arith.constant 0 : i32
      %dma_start3A_47 = tpu.memref_slice %arg11[%add3A_12, %dma_start3A] : memref<10240x128xf32, #tpu.memory_space<vmem_shared>> -> memref<128x128xf32, #tpu.memory_space<vmem_shared>>
      %dma_start3A_48 = arith.constant 0 : i32
      %dma_start3A_49 = tpu.memref_slice %arg11[%add3A_12, %dma_start3A_48] : memref<10240x128xf32, #tpu.memory_space<vmem_shared>> -> memref<128x128xf32, #tpu.memory_space<vmem_shared>>
      tpu.enqueue_dma source(%arg9 : memref<128x128xf32, #tpu.memory_space<vmem>>) target(%dma_start3A_49 : memref<128x128xf32, #tpu.memory_space<vmem_shared>>) target_semaphore(%run_scoped3A : memref<!tpu.dma_semaphore, #tpu.memory_space<semaphore_mem>>)
      %dma_wait3A = arith.constant 0 : i32
      %dma_wait3A_50 = tpu.memref_slice %arg11[%add3A_12, %dma_wait3A] : memref<10240x128xf32, #tpu.memory_space<vmem_shared>> -> memref<128x128xf32, #tpu.memory_space<vmem_shared>>
      %dma_wait3A_51 = arith.constant 0 : i32
      %dma_wait3A_52 = tpu.memref_slice %arg11[%add3A_12, %dma_wait3A_51] : memref<10240x128xf32, #tpu.memory_space<vmem_shared>> -> memref<128x128xf32, #tpu.memory_space<vmem_shared>>
      tpu.wait_dma2 semaphore(%run_scoped3A : memref<!tpu.dma_semaphore, #tpu.memory_space<semaphore_mem>>) src(%arg9 : memref<128x128xf32, #tpu.memory_space<vmem>>) dst(%dma_wait3A_52 : memref<128x128xf32, #tpu.memory_space<vmem_shared>>)
      tpu.yield
    }) : () -> ()
    %mul3A_13 = arith.constant 640 : i32
    %mul3A_14 = arith.muli %arg1, %mul3A_13 : i32
    %add3A_15 = arith.constant 384 : i32
    %add3A_16 = arith.addi %mul3A_14, %add3A_15 : i32
    "tpu.region"() ({
      %run_scoped3A = tpu.sem_alloc : memref<!tpu.dma_semaphore, #tpu.memory_space<semaphore_mem>>
      %dma_start3A = arith.constant 0 : i32
      %dma_start3A_47 = tpu.memref_slice %arg11[%add3A_16, %dma_start3A] : memref<10240x128xf32, #tpu.memory_space<vmem_shared>> -> memref<128x128xf32, #tpu.memory_space<vmem_shared>>
      %dma_start3A_48 = arith.constant 0 : i32
      %dma_start3A_49 = tpu.memref_slice %arg11[%add3A_16, %dma_start3A_48] : memref<10240x128xf32, #tpu.memory_space<vmem_shared>> -> memref<128x128xf32, #tpu.memory_space<vmem_shared>>
      tpu.enqueue_dma source(%arg9 : memref<128x128xf32, #tpu.memory_space<vmem>>) target(%dma_start3A_49 : memref<128x128xf32, #tpu.memory_space<vmem_shared>>) target_semaphore(%run_scoped3A : memref<!tpu.dma_semaphore, #tpu.memory_space<semaphore_mem>>)
      %dma_wait3A = arith.constant 0 : i32
      %dma_wait3A_50 = tpu.memref_slice %arg11[%add3A_16, %dma_wait3A] : memref<10240x128xf32, #tpu.memory_space<vmem_shared>> -> memref<128x128xf32, #tpu.memory_space<vmem_shared>>
      %dma_wait3A_51 = arith.constant 0 : i32
      %dma_wait3A_52 = tpu.memref_slice %arg11[%add3A_16, %dma_wait3A_51] : memref<10240x128xf32, #tpu.memory_space<vmem_shared>> -> memref<128x128xf32, #tpu.memory_space<vmem_shared>>
      tpu.wait_dma2 semaphore(%run_scoped3A : memref<!tpu.dma_semaphore, #tpu.memory_space<semaphore_mem>>) src(%arg9 : memref<128x128xf32, #tpu.memory_space<vmem>>) dst(%dma_wait3A_52 : memref<128x128xf32, #tpu.memory_space<vmem_shared>>)
      tpu.yield
    }) : () -> ()
    %mul3A_17 = arith.constant 640 : i32
    %mul3A_18 = arith.muli %arg1, %mul3A_17 : i32
    %add3A_19 = arith.constant 512 : i32
    %add3A_20 = arith.addi %mul3A_18, %add3A_19 : i32
    "tpu.region"() ({
      %run_scoped3A = tpu.sem_alloc : memref<!tpu.dma_semaphore, #tpu.memory_space<semaphore_mem>>
      %dma_start3A = arith.constant 0 : i32
      %dma_start3A_47 = tpu.memref_slice %arg11[%add3A_20, %dma_start3A] : memref<10240x128xf32, #tpu.memory_space<vmem_shared>> -> memref<128x128xf32, #tpu.memory_space<vmem_shared>>
      %dma_start3A_48 = arith.constant 0 : i32
      %dma_start3A_49 = tpu.memref_slice %arg11[%add3A_20, %dma_start3A_48] : memref<10240x128xf32, #tpu.memory_space<vmem_shared>> -> memref<128x128xf32, #tpu.memory_space<vmem_shared>>
      tpu.enqueue_dma source(%arg9 : memref<128x128xf32, #tpu.memory_space<vmem>>) target(%dma_start3A_49 : memref<128x128xf32, #tpu.memory_space<vmem_shared>>) target_semaphore(%run_scoped3A : memref<!tpu.dma_semaphore, #tpu.memory_space<semaphore_mem>>)
      %dma_wait3A = arith.constant 0 : i32
      %dma_wait3A_50 = tpu.memref_slice %arg11[%add3A_20, %dma_wait3A] : memref<10240x128xf32, #tpu.memory_space<vmem_shared>> -> memref<128x128xf32, #tpu.memory_space<vmem_shared>>
      %dma_wait3A_51 = arith.constant 0 : i32
      %dma_wait3A_52 = tpu.memref_slice %arg11[%add3A_20, %dma_wait3A_51] : memref<10240x128xf32, #tpu.memory_space<vmem_shared>> -> memref<128x128xf32, #tpu.memory_space<vmem_shared>>
      tpu.wait_dma2 semaphore(%run_scoped3A : memref<!tpu.dma_semaphore, #tpu.memory_space<semaphore_mem>>) src(%arg9 : memref<128x128xf32, #tpu.memory_space<vmem>>) dst(%dma_wait3A_52 : memref<128x128xf32, #tpu.memory_space<vmem_shared>>)
      tpu.yield
    }) : () -> ()
    "tpu.region"() ({
      %run_scoped3A = tpu.sem_alloc : memref<!tpu.dma_semaphore, #tpu.memory_space<semaphore_mem>>
      %dma_start3A = arith.constant 0 : i32
      %dma_start3A_47 = arith.constant 0 : i32
      %dma_start3A_48 = tpu.memref_slice %arg2[%add3A, %dma_start3A, %dma_start3A_47] : memref<32x80x125xi32, #tpu.memory_space<hbm>> -> memref<1x80x125xi32, #tpu.memory_space<hbm>>
      %dma_start3A_49 = tpu.memref_squeeze %dma_start3A_48 : memref<1x80x125xi32, #tpu.memory_space<hbm>> -> memref<80x125xi32, #tpu.memory_space<hbm>>
      %dma_start3A_50 = arith.constant 0 : i32
      %dma_start3A_51 = arith.constant 0 : i32
      %dma_start3A_52 = tpu.memref_slice %arg2[%add3A, %dma_start3A_50, %dma_start3A_51] : memref<32x80x125xi32, #tpu.memory_space<hbm>> -> memref<1x80x125xi32, #tpu.memory_space<hbm>>
      %dma_start3A_53 = tpu.memref_squeeze %dma_start3A_52 : memref<1x80x125xi32, #tpu.memory_space<hbm>> -> memref<80x125xi32, #tpu.memory_space<hbm>>
      tpu.enqueue_dma source(%dma_start3A_53 : memref<80x125xi32, #tpu.memory_space<hbm>>) target(%arg7 : memref<80x125xi32, #tpu.memory_space<vmem>>) target_semaphore(%run_scoped3A : memref<!tpu.dma_semaphore, #tpu.memory_space<semaphore_mem>>)
      %dma_wait3A = arith.constant 0 : i32
      %dma_wait3A_54 = arith.constant 0 : i32
      %dma_wait3A_55 = tpu.memref_slice %arg2[%add3A, %dma_wait3A, %dma_wait3A_54] : memref<32x80x125xi32, #tpu.memory_space<hbm>> -> memref<1x80x125xi32, #tpu.memory_space<hbm>>
      %dma_wait3A_56 = tpu.memref_squeeze %dma_wait3A_55 : memref<1x80x125xi32, #tpu.memory_space<hbm>> -> memref<80x125xi32, #tpu.memory_space<hbm>>
      %dma_wait3A_57 = arith.constant 0 : i32
      %dma_wait3A_58 = arith.constant 0 : i32
      %dma_wait3A_59 = tpu.memref_slice %arg2[%add3A, %dma_wait3A_57, %dma_wait3A_58] : memref<32x80x125xi32, #tpu.memory_space<hbm>> -> memref<1x80x125xi32, #tpu.memory_space<hbm>>
      %dma_wait3A_60 = tpu.memref_squeeze %dma_wait3A_59 : memref<1x80x125xi32, #tpu.memory_space<hbm>> -> memref<80x125xi32, #tpu.memory_space<hbm>>
      tpu.wait_dma2 semaphore(%run_scoped3A : memref<!tpu.dma_semaphore, #tpu.memory_space<semaphore_mem>>) src(%dma_wait3A_60 : memref<80x125xi32, #tpu.memory_space<hbm>>) dst(%arg7 : memref<80x125xi32, #tpu.memory_space<vmem>>)
      tpu.yield
    }) : () -> ()
    "tpu.region"() ({
      %run_scoped3A = tpu.sem_alloc : memref<!tpu.dma_semaphore, #tpu.memory_space<semaphore_mem>>
      %dma_start3A = arith.constant 0 : i32
      %dma_start3A_47 = arith.constant 0 : i32
      %dma_start3A_48 = tpu.memref_slice %arg3[%add3A, %dma_start3A, %dma_start3A_47] : memref<32x80x125xi32, #tpu.memory_space<hbm>> -> memref<1x80x125xi32, #tpu.memory_space<hbm>>
      %dma_start3A_49 = tpu.memref_squeeze %dma_start3A_48 : memref<1x80x125xi32, #tpu.memory_space<hbm>> -> memref<80x125xi32, #tpu.memory_space<hbm>>
      %dma_start3A_50 = arith.constant 0 : i32
      %dma_start3A_51 = arith.constant 0 : i32
      %dma_start3A_52 = tpu.memref_slice %arg3[%add3A, %dma_start3A_50, %dma_start3A_51] : memref<32x80x125xi32, #tpu.memory_space<hbm>> -> memref<1x80x125xi32, #tpu.memory_space<hbm>>
      %dma_start3A_53 = tpu.memref_squeeze %dma_start3A_52 : memref<1x80x125xi32, #tpu.memory_space<hbm>> -> memref<80x125xi32, #tpu.memory_space<hbm>>
      tpu.enqueue_dma source(%dma_start3A_53 : memref<80x125xi32, #tpu.memory_space<hbm>>) target(%arg8 : memref<80x125xi32, #tpu.memory_space<vmem>>) target_semaphore(%run_scoped3A : memref<!tpu.dma_semaphore, #tpu.memory_space<semaphore_mem>>)
      %dma_wait3A = arith.constant 0 : i32
      %dma_wait3A_54 = arith.constant 0 : i32
      %dma_wait3A_55 = tpu.memref_slice %arg3[%add3A, %dma_wait3A, %dma_wait3A_54] : memref<32x80x125xi32, #tpu.memory_space<hbm>> -> memref<1x80x125xi32, #tpu.memory_space<hbm>>
      %dma_wait3A_56 = tpu.memref_squeeze %dma_wait3A_55 : memref<1x80x125xi32, #tpu.memory_space<hbm>> -> memref<80x125xi32, #tpu.memory_space<hbm>>
      %dma_wait3A_57 = arith.constant 0 : i32
      %dma_wait3A_58 = arith.constant 0 : i32
      %dma_wait3A_59 = tpu.memref_slice %arg3[%add3A, %dma_wait3A_57, %dma_wait3A_58] : memref<32x80x125xi32, #tpu.memory_space<hbm>> -> memref<1x80x125xi32, #tpu.memory_space<hbm>>
      %dma_wait3A_60 = tpu.memref_squeeze %dma_wait3A_59 : memref<1x80x125xi32, #tpu.memory_space<hbm>> -> memref<80x125xi32, #tpu.memory_space<hbm>>
      tpu.wait_dma2 semaphore(%run_scoped3A : memref<!tpu.dma_semaphore, #tpu.memory_space<semaphore_mem>>) src(%dma_wait3A_60 : memref<80x125xi32, #tpu.memory_space<hbm>>) dst(%arg8 : memref<80x125xi32, #tpu.memory_space<vmem>>)
      tpu.yield
    }) : () -> ()
    %barrier3A = arith.constant 0 : index
    tpu.barrier barrier_id(%barrier3A)
    %scan3A = arith.constant 0 : i32
    %scan3A_21 = arith.constant 0 : i32
    %scan3A_22 = arith.constant 80 : i32
    %scan3A_23 = arith.addi %scan3A_21, %scan3A_22 : i32
    %scan3A_24 = arith.constant 1 : i32
    scf.for %scan3A_47 = %scan3A_21 to %scan3A_23 step %scan3A_24  : i32 {
      %dma_start3A = arith.constant 0 : i32
      %dma_start3A_48 = arith.constant 0 : i32
      %dma_start3A_49 = tpu.memref_slice %arg9[%dma_start3A, %dma_start3A_48] : memref<128x128xf32, #tpu.memory_space<vmem>> -> memref<125x128xf32, #tpu.memory_space<vmem>>
      %dma_start3A_50 = arith.constant 0 : i32
      %dma_start3A_51 = tpu.memref_slice %arg7[%scan3A_47, %dma_start3A_50] : memref<80x125xi32, #tpu.memory_space<vmem>> -> memref<1x125xi32, #tpu.memory_space<vmem>>
      %dma_start3A_52 = tpu.memref_squeeze %dma_start3A_51 : memref<1x125xi32, #tpu.memory_space<vmem>> -> memref<125xi32, #tpu.memory_space<vmem>>
      %dma_start3A_53 = arith.constant 0 : i32
      %dma_start3A_54 = arith.constant 0 : i32
      %dma_start3A_55 = tpu.memref_slice %arg4[%dma_start3A_53, %dma_start3A_54] : memref<10000x128xf32, #tpu.memory_space<hbm>> -> memref<10000x128xf32, #tpu.memory_space<hbm>>
      tpu.enqueue_indirect_dma source(%dma_start3A_55 : memref<10000x128xf32, #tpu.memory_space<hbm>>) target(%dma_start3A_49 : memref<125x128xf32, #tpu.memory_space<vmem>>) offsets(%dma_start3A_52 : memref<125xi32, #tpu.memory_space<vmem>>) semaphore(%arg10 : memref<!tpu.dma_semaphore, #tpu.memory_space<semaphore_mem>>)
      %dma_wait3A = arith.constant 0 : i32
      %dma_wait3A_56 = arith.constant 0 : i32
      %dma_wait3A_57 = tpu.memref_slice %arg9[%dma_wait3A, %dma_wait3A_56] : memref<128x128xf32, #tpu.memory_space<vmem>> -> memref<125x128xf32, #tpu.memory_space<vmem>>
      %dma_wait3A_58 = arith.constant 0 : i32
      %dma_wait3A_59 = tpu.memref_slice %arg7[%scan3A_47, %dma_wait3A_58] : memref<80x125xi32, #tpu.memory_space<vmem>> -> memref<1x125xi32, #tpu.memory_space<vmem>>
      %dma_wait3A_60 = tpu.memref_squeeze %dma_wait3A_59 : memref<1x125xi32, #tpu.memory_space<vmem>> -> memref<125xi32, #tpu.memory_space<vmem>>
      %dma_wait3A_61 = arith.constant 0 : i32
      %dma_wait3A_62 = arith.constant 0 : i32
      %dma_wait3A_63 = tpu.memref_slice %arg4[%dma_wait3A_61, %dma_wait3A_62] : memref<10000x128xf32, #tpu.memory_space<hbm>> -> memref<10000x128xf32, #tpu.memory_space<hbm>>
      tpu.wait_indirect_dma semaphore(%arg10 : memref<!tpu.dma_semaphore, #tpu.memory_space<semaphore_mem>>) src(%dma_wait3A_63 : memref<10000x128xf32, #tpu.memory_space<hbm>>) dst(%dma_wait3A_57 : memref<125x128xf32, #tpu.memory_space<vmem>>)
      "tpu.region"() ({
        %run_scoped3A = tpu.sem_alloc : memref<!tpu.dma_semaphore, #tpu.memory_space<semaphore_mem>>
        %dma_start3A_64 = arith.constant 0 : i32
        %dma_start3A_65 = arith.constant 0 : i32
        %dma_start3A_66 = tpu.memref_slice %arg9[%dma_start3A_64, %dma_start3A_65] : memref<128x128xf32, #tpu.memory_space<vmem>> -> memref<125x128xf32, #tpu.memory_space<vmem>>
        %dma_start3A_67 = arith.constant 0 : i32
        %dma_start3A_68 = tpu.memref_slice %arg8[%scan3A_47, %dma_start3A_67] : memref<80x125xi32, #tpu.memory_space<vmem>> -> memref<1x125xi32, #tpu.memory_space<vmem>>
        %dma_start3A_69 = tpu.memref_squeeze %dma_start3A_68 : memref<1x125xi32, #tpu.memory_space<vmem>> -> memref<125xi32, #tpu.memory_space<vmem>>
        %dma_start3A_70 = arith.constant 0 : i32
        %dma_start3A_71 = arith.constant 0 : i32
        %dma_start3A_72 = tpu.memref_slice %arg11[%dma_start3A_70, %dma_start3A_71] : memref<10240x128xf32, #tpu.memory_space<vmem_shared>> -> memref<10240x128xf32, #tpu.memory_space<vmem_shared>>
        tpu.enqueue_indirect_dma source(%dma_start3A_66 : memref<125x128xf32, #tpu.memory_space<vmem>>) target(%dma_start3A_72 : memref<10240x128xf32, #tpu.memory_space<vmem_shared>>) offsets(%dma_start3A_69 : memref<125xi32, #tpu.memory_space<vmem>>) semaphore(%run_scoped3A : memref<!tpu.dma_semaphore, #tpu.memory_space<semaphore_mem>>) {add = true}
        %dma_wait3A_73 = arith.constant 0 : i32
        %dma_wait3A_74 = arith.constant 0 : i32
        %dma_wait3A_75 = tpu.memref_slice %arg9[%dma_wait3A_73, %dma_wait3A_74] : memref<128x128xf32, #tpu.memory_space<vmem>> -> memref<125x128xf32, #tpu.memory_space<vmem>>
        %dma_wait3A_76 = arith.constant 0 : i32
        %dma_wait3A_77 = tpu.memref_slice %arg8[%scan3A_47, %dma_wait3A_76] : memref<80x125xi32, #tpu.memory_space<vmem>> -> memref<1x125xi32, #tpu.memory_space<vmem>>
        %dma_wait3A_78 = tpu.memref_squeeze %dma_wait3A_77 : memref<1x125xi32, #tpu.memory_space<vmem>> -> memref<125xi32, #tpu.memory_space<vmem>>
        %dma_wait3A_79 = arith.constant 0 : i32
        %dma_wait3A_80 = arith.constant 0 : i32
        %dma_wait3A_81 = tpu.memref_slice %arg11[%dma_wait3A_79, %dma_wait3A_80] : memref<10240x128xf32, #tpu.memory_space<vmem_shared>> -> memref<10240x128xf32, #tpu.memory_space<vmem_shared>>
        tpu.wait_indirect_dma semaphore(%run_scoped3A : memref<!tpu.dma_semaphore, #tpu.memory_space<semaphore_mem>>) src(%dma_wait3A_75 : memref<125x128xf32, #tpu.memory_space<vmem>>) dst(%dma_wait3A_81 : memref<10240x128xf32, #tpu.memory_space<vmem_shared>>)
        tpu.yield
      }) : () -> ()
    }
    %scan3A_25 = arith.constant 80 : i32
    %barrier3A_26 = arith.constant 0 : index
    tpu.barrier barrier_id(%barrier3A_26)
    %mul3A_27 = arith.constant 640 : i32
    %mul3A_28 = arith.muli %arg1, %mul3A_27 : i32
    %add3A_29 = arith.constant 0 : i32
    %add3A_30 = arith.addi %mul3A_28, %add3A_29 : i32
    "tpu.region"() ({
      %run_scoped3A = tpu.sem_alloc : memref<!tpu.dma_semaphore, #tpu.memory_space<semaphore_mem>>
      %dma_start3A = arith.constant 0 : i32
      %dma_start3A_47 = tpu.memref_slice %arg11[%add3A_30, %dma_start3A] : memref<10240x128xf32, #tpu.memory_space<vmem_shared>> -> memref<128x128xf32, #tpu.memory_space<vmem_shared>>
      %dma_start3A_48 = arith.constant 0 : i32
      %dma_start3A_49 = tpu.memref_slice %arg11[%add3A_30, %dma_start3A_48] : memref<10240x128xf32, #tpu.memory_space<vmem_shared>> -> memref<128x128xf32, #tpu.memory_space<vmem_shared>>
      tpu.enqueue_dma source(%dma_start3A_49 : memref<128x128xf32, #tpu.memory_space<vmem_shared>>) target(%arg9 : memref<128x128xf32, #tpu.memory_space<vmem>>) target_semaphore(%run_scoped3A : memref<!tpu.dma_semaphore, #tpu.memory_space<semaphore_mem>>)
      %dma_wait3A = arith.constant 0 : i32
      %dma_wait3A_50 = tpu.memref_slice %arg11[%add3A_30, %dma_wait3A] : memref<10240x128xf32, #tpu.memory_space<vmem_shared>> -> memref<128x128xf32, #tpu.memory_space<vmem_shared>>
      %dma_wait3A_51 = arith.constant 0 : i32
      %dma_wait3A_52 = tpu.memref_slice %arg11[%add3A_30, %dma_wait3A_51] : memref<10240x128xf32, #tpu.memory_space<vmem_shared>> -> memref<128x128xf32, #tpu.memory_space<vmem_shared>>
      tpu.wait_dma2 semaphore(%run_scoped3A : memref<!tpu.dma_semaphore, #tpu.memory_space<semaphore_mem>>) src(%dma_wait3A_52 : memref<128x128xf32, #tpu.memory_space<vmem_shared>>) dst(%arg9 : memref<128x128xf32, #tpu.memory_space<vmem>>)
      tpu.yield
    }) : () -> ()
    "tpu.region"() ({
      %run_scoped3A = tpu.sem_alloc : memref<!tpu.dma_semaphore, #tpu.memory_space<semaphore_mem>>
      %dma_start3A = arith.constant 0 : i32
      %dma_start3A_47 = tpu.memref_slice %arg6[%arg0, %add3A_30, %dma_start3A] : memref<2x10240x128xf32, #tpu.memory_space<hbm>> -> memref<1x128x128xf32, #tpu.memory_space<hbm>>
      %dma_start3A_48 = tpu.memref_squeeze %dma_start3A_47 : memref<1x128x128xf32, #tpu.memory_space<hbm>> -> memref<128x128xf32, #tpu.memory_space<hbm>>
      %dma_start3A_49 = arith.constant 0 : i32
      %dma_start3A_50 = tpu.memref_slice %arg6[%arg0, %add3A_30, %dma_start3A_49] : memref<2x10240x128xf32, #tpu.memory_space<hbm>> -> memref<1x128x128xf32, #tpu.memory_space<hbm>>
      %dma_start3A_51 = tpu.memref_squeeze %dma_start3A_50 : memref<1x128x128xf32, #tpu.memory_space<hbm>> -> memref<128x128xf32, #tpu.memory_space<hbm>>
      tpu.enqueue_dma source(%arg9 : memref<128x128xf32, #tpu.memory_space<vmem>>) target(%dma_start3A_51 : memref<128x128xf32, #tpu.memory_space<hbm>>) target_semaphore(%run_scoped3A : memref<!tpu.dma_semaphore, #tpu.memory_space<semaphore_mem>>)
      %dma_wait3A = arith.constant 0 : i32
      %dma_wait3A_52 = tpu.memref_slice %arg6[%arg0, %add3A_30, %dma_wait3A] : memref<2x10240x128xf32, #tpu.memory_space<hbm>> -> memref<1x128x128xf32, #tpu.memory_space<hbm>>
      %dma_wait3A_53 = tpu.memref_squeeze %dma_wait3A_52 : memref<1x128x128xf32, #tpu.memory_space<hbm>> -> memref<128x128xf32, #tpu.memory_space<hbm>>
      %dma_wait3A_54 = arith.constant 0 : i32
      %dma_wait3A_55 = tpu.memref_slice %arg6[%arg0, %add3A_30, %dma_wait3A_54] : memref<2x10240x128xf32, #tpu.memory_space<hbm>> -> memref<1x128x128xf32, #tpu.memory_space<hbm>>
      %dma_wait3A_56 = tpu.memref_squeeze %dma_wait3A_55 : memref<1x128x128xf32, #tpu.memory_space<hbm>> -> memref<128x128xf32, #tpu.memory_space<hbm>>
      tpu.wait_dma2 semaphore(%run_scoped3A : memref<!tpu.dma_semaphore, #tpu.memory_space<semaphore_mem>>) src(%arg9 : memref<128x128xf32, #tpu.memory_space<vmem>>) dst(%dma_wait3A_56 : memref<128x128xf32, #tpu.memory_space<hbm>>)
      tpu.yield
    }) : () -> ()
    %mul3A_31 = arith.constant 640 : i32
    %mul3A_32 = arith.muli %arg1, %mul3A_31 : i32
    %add3A_33 = arith.constant 128 : i32
    %add3A_34 = arith.addi %mul3A_32, %add3A_33 : i32
    "tpu.region"() ({
      %run_scoped3A = tpu.sem_alloc : memref<!tpu.dma_semaphore, #tpu.memory_space<semaphore_mem>>
      %dma_start3A = arith.constant 0 : i32
      %dma_start3A_47 = tpu.memref_slice %arg11[%add3A_34, %dma_start3A] : memref<10240x128xf32, #tpu.memory_space<vmem_shared>> -> memref<128x128xf32, #tpu.memory_space<vmem_shared>>
      %dma_start3A_48 = arith.constant 0 : i32
      %dma_start3A_49 = tpu.memref_slice %arg11[%add3A_34, %dma_start3A_48] : memref<10240x128xf32, #tpu.memory_space<vmem_shared>> -> memref<128x128xf32, #tpu.memory_space<vmem_shared>>
      tpu.enqueue_dma source(%dma_start3A_49 : memref<128x128xf32, #tpu.memory_space<vmem_shared>>) target(%arg9 : memref<128x128xf32, #tpu.memory_space<vmem>>) target_semaphore(%run_scoped3A : memref<!tpu.dma_semaphore, #tpu.memory_space<semaphore_mem>>)
      %dma_wait3A = arith.constant 0 : i32
      %dma_wait3A_50 = tpu.memref_slice %arg11[%add3A_34, %dma_wait3A] : memref<10240x128xf32, #tpu.memory_space<vmem_shared>> -> memref<128x128xf32, #tpu.memory_space<vmem_shared>>
      %dma_wait3A_51 = arith.constant 0 : i32
      %dma_wait3A_52 = tpu.memref_slice %arg11[%add3A_34, %dma_wait3A_51] : memref<10240x128xf32, #tpu.memory_space<vmem_shared>> -> memref<128x128xf32, #tpu.memory_space<vmem_shared>>
      tpu.wait_dma2 semaphore(%run_scoped3A : memref<!tpu.dma_semaphore, #tpu.memory_space<semaphore_mem>>) src(%dma_wait3A_52 : memref<128x128xf32, #tpu.memory_space<vmem_shared>>) dst(%arg9 : memref<128x128xf32, #tpu.memory_space<vmem>>)
      tpu.yield
    }) : () -> ()
    "tpu.region"() ({
      %run_scoped3A = tpu.sem_alloc : memref<!tpu.dma_semaphore, #tpu.memory_space<semaphore_mem>>
      %dma_start3A = arith.constant 0 : i32
      %dma_start3A_47 = tpu.memref_slice %arg6[%arg0, %add3A_34, %dma_start3A] : memref<2x10240x128xf32, #tpu.memory_space<hbm>> -> memref<1x128x128xf32, #tpu.memory_space<hbm>>
      %dma_start3A_48 = tpu.memref_squeeze %dma_start3A_47 : memref<1x128x128xf32, #tpu.memory_space<hbm>> -> memref<128x128xf32, #tpu.memory_space<hbm>>
      %dma_start3A_49 = arith.constant 0 : i32
      %dma_start3A_50 = tpu.memref_slice %arg6[%arg0, %add3A_34, %dma_start3A_49] : memref<2x10240x128xf32, #tpu.memory_space<hbm>> -> memref<1x128x128xf32, #tpu.memory_space<hbm>>
      %dma_start3A_51 = tpu.memref_squeeze %dma_start3A_50 : memref<1x128x128xf32, #tpu.memory_space<hbm>> -> memref<128x128xf32, #tpu.memory_space<hbm>>
      tpu.enqueue_dma source(%arg9 : memref<128x128xf32, #tpu.memory_space<vmem>>) target(%dma_start3A_51 : memref<128x128xf32, #tpu.memory_space<hbm>>) target_semaphore(%run_scoped3A : memref<!tpu.dma_semaphore, #tpu.memory_space<semaphore_mem>>)
      %dma_wait3A = arith.constant 0 : i32
      %dma_wait3A_52 = tpu.memref_slice %arg6[%arg0, %add3A_34, %dma_wait3A] : memref<2x10240x128xf32, #tpu.memory_space<hbm>> -> memref<1x128x128xf32, #tpu.memory_space<hbm>>
      %dma_wait3A_53 = tpu.memref_squeeze %dma_wait3A_52 : memref<1x128x128xf32, #tpu.memory_space<hbm>> -> memref<128x128xf32, #tpu.memory_space<hbm>>
      %dma_wait3A_54 = arith.constant 0 : i32
      %dma_wait3A_55 = tpu.memref_slice %arg6[%arg0, %add3A_34, %dma_wait3A_54] : memref<2x10240x128xf32, #tpu.memory_space<hbm>> -> memref<1x128x128xf32, #tpu.memory_space<hbm>>
      %dma_wait3A_56 = tpu.memref_squeeze %dma_wait3A_55 : memref<1x128x128xf32, #tpu.memory_space<hbm>> -> memref<128x128xf32, #tpu.memory_space<hbm>>
      tpu.wait_dma2 semaphore(%run_scoped3A : memref<!tpu.dma_semaphore, #tpu.memory_space<semaphore_mem>>) src(%arg9 : memref<128x128xf32, #tpu.memory_space<vmem>>) dst(%dma_wait3A_56 : memref<128x128xf32, #tpu.memory_space<hbm>>)
      tpu.yield
    }) : () -> ()
    %mul3A_35 = arith.constant 640 : i32
    %mul3A_36 = arith.muli %arg1, %mul3A_35 : i32
    %add3A_37 = arith.constant 256 : i32
    %add3A_38 = arith.addi %mul3A_36, %add3A_37 : i32
    "tpu.region"() ({
      %run_scoped3A = tpu.sem_alloc : memref<!tpu.dma_semaphore, #tpu.memory_space<semaphore_mem>>
      %dma_start3A = arith.constant 0 : i32
      %dma_start3A_47 = tpu.memref_slice %arg11[%add3A_38, %dma_start3A] : memref<10240x128xf32, #tpu.memory_space<vmem_shared>> -> memref<128x128xf32, #tpu.memory_space<vmem_shared>>
      %dma_start3A_48 = arith.constant 0 : i32
      %dma_start3A_49 = tpu.memref_slice %arg11[%add3A_38, %dma_start3A_48] : memref<10240x128xf32, #tpu.memory_space<vmem_shared>> -> memref<128x128xf32, #tpu.memory_space<vmem_shared>>
      tpu.enqueue_dma source(%dma_start3A_49 : memref<128x128xf32, #tpu.memory_space<vmem_shared>>) target(%arg9 : memref<128x128xf32, #tpu.memory_space<vmem>>) target_semaphore(%run_scoped3A : memref<!tpu.dma_semaphore, #tpu.memory_space<semaphore_mem>>)
      %dma_wait3A = arith.constant 0 : i32
      %dma_wait3A_50 = tpu.memref_slice %arg11[%add3A_38, %dma_wait3A] : memref<10240x128xf32, #tpu.memory_space<vmem_shared>> -> memref<128x128xf32, #tpu.memory_space<vmem_shared>>
      %dma_wait3A_51 = arith.constant 0 : i32
      %dma_wait3A_52 = tpu.memref_slice %arg11[%add3A_38, %dma_wait3A_51] : memref<10240x128xf32, #tpu.memory_space<vmem_shared>> -> memref<128x128xf32, #tpu.memory_space<vmem_shared>>
      tpu.wait_dma2 semaphore(%run_scoped3A : memref<!tpu.dma_semaphore, #tpu.memory_space<semaphore_mem>>) src(%dma_wait3A_52 : memref<128x128xf32, #tpu.memory_space<vmem_shared>>) dst(%arg9 : memref<128x128xf32, #tpu.memory_space<vmem>>)
      tpu.yield
    }) : () -> ()
    "tpu.region"() ({
      %run_scoped3A = tpu.sem_alloc : memref<!tpu.dma_semaphore, #tpu.memory_space<semaphore_mem>>
      %dma_start3A = arith.constant 0 : i32
      %dma_start3A_47 = tpu.memref_slice %arg6[%arg0, %add3A_38, %dma_start3A] : memref<2x10240x128xf32, #tpu.memory_space<hbm>> -> memref<1x128x128xf32, #tpu.memory_space<hbm>>
      %dma_start3A_48 = tpu.memref_squeeze %dma_start3A_47 : memref<1x128x128xf32, #tpu.memory_space<hbm>> -> memref<128x128xf32, #tpu.memory_space<hbm>>
      %dma_start3A_49 = arith.constant 0 : i32
      %dma_start3A_50 = tpu.memref_slice %arg6[%arg0, %add3A_38, %dma_start3A_49] : memref<2x10240x128xf32, #tpu.memory_space<hbm>> -> memref<1x128x128xf32, #tpu.memory_space<hbm>>
      %dma_start3A_51 = tpu.memref_squeeze %dma_start3A_50 : memref<1x128x128xf32, #tpu.memory_space<hbm>> -> memref<128x128xf32, #tpu.memory_space<hbm>>
      tpu.enqueue_dma source(%arg9 : memref<128x128xf32, #tpu.memory_space<vmem>>) target(%dma_start3A_51 : memref<128x128xf32, #tpu.memory_space<hbm>>) target_semaphore(%run_scoped3A : memref<!tpu.dma_semaphore, #tpu.memory_space<semaphore_mem>>)
      %dma_wait3A = arith.constant 0 : i32
      %dma_wait3A_52 = tpu.memref_slice %arg6[%arg0, %add3A_38, %dma_wait3A] : memref<2x10240x128xf32, #tpu.memory_space<hbm>> -> memref<1x128x128xf32, #tpu.memory_space<hbm>>
      %dma_wait3A_53 = tpu.memref_squeeze %dma_wait3A_52 : memref<1x128x128xf32, #tpu.memory_space<hbm>> -> memref<128x128xf32, #tpu.memory_space<hbm>>
      %dma_wait3A_54 = arith.constant 0 : i32
      %dma_wait3A_55 = tpu.memref_slice %arg6[%arg0, %add3A_38, %dma_wait3A_54] : memref<2x10240x128xf32, #tpu.memory_space<hbm>> -> memref<1x128x128xf32, #tpu.memory_space<hbm>>
      %dma_wait3A_56 = tpu.memref_squeeze %dma_wait3A_55 : memref<1x128x128xf32, #tpu.memory_space<hbm>> -> memref<128x128xf32, #tpu.memory_space<hbm>>
      tpu.wait_dma2 semaphore(%run_scoped3A : memref<!tpu.dma_semaphore, #tpu.memory_space<semaphore_mem>>) src(%arg9 : memref<128x128xf32, #tpu.memory_space<vmem>>) dst(%dma_wait3A_56 : memref<128x128xf32, #tpu.memory_space<hbm>>)
      tpu.yield
    }) : () -> ()
    %mul3A_39 = arith.constant 640 : i32
    %mul3A_40 = arith.muli %arg1, %mul3A_39 : i32
    %add3A_41 = arith.constant 384 : i32
    %add3A_42 = arith.addi %mul3A_40, %add3A_41 : i32
    "tpu.region"() ({
      %run_scoped3A = tpu.sem_alloc : memref<!tpu.dma_semaphore, #tpu.memory_space<semaphore_mem>>
      %dma_start3A = arith.constant 0 : i32
      %dma_start3A_47 = tpu.memref_slice %arg11[%add3A_42, %dma_start3A] : memref<10240x128xf32, #tpu.memory_space<vmem_shared>> -> memref<128x128xf32, #tpu.memory_space<vmem_shared>>
      %dma_start3A_48 = arith.constant 0 : i32
      %dma_start3A_49 = tpu.memref_slice %arg11[%add3A_42, %dma_start3A_48] : memref<10240x128xf32, #tpu.memory_space<vmem_shared>> -> memref<128x128xf32, #tpu.memory_space<vmem_shared>>
      tpu.enqueue_dma source(%dma_start3A_49 : memref<128x128xf32, #tpu.memory_space<vmem_shared>>) target(%arg9 : memref<128x128xf32, #tpu.memory_space<vmem>>) target_semaphore(%run_scoped3A : memref<!tpu.dma_semaphore, #tpu.memory_space<semaphore_mem>>)
      %dma_wait3A = arith.constant 0 : i32
      %dma_wait3A_50 = tpu.memref_slice %arg11[%add3A_42, %dma_wait3A] : memref<10240x128xf32, #tpu.memory_space<vmem_shared>> -> memref<128x128xf32, #tpu.memory_space<vmem_shared>>
      %dma_wait3A_51 = arith.constant 0 : i32
      %dma_wait3A_52 = tpu.memref_slice %arg11[%add3A_42, %dma_wait3A_51] : memref<10240x128xf32, #tpu.memory_space<vmem_shared>> -> memref<128x128xf32, #tpu.memory_space<vmem_shared>>
      tpu.wait_dma2 semaphore(%run_scoped3A : memref<!tpu.dma_semaphore, #tpu.memory_space<semaphore_mem>>) src(%dma_wait3A_52 : memref<128x128xf32, #tpu.memory_space<vmem_shared>>) dst(%arg9 : memref<128x128xf32, #tpu.memory_space<vmem>>)
      tpu.yield
    }) : () -> ()
    "tpu.region"() ({
      %run_scoped3A = tpu.sem_alloc : memref<!tpu.dma_semaphore, #tpu.memory_space<semaphore_mem>>
      %dma_start3A = arith.constant 0 : i32
      %dma_start3A_47 = tpu.memref_slice %arg6[%arg0, %add3A_42, %dma_start3A] : memref<2x10240x128xf32, #tpu.memory_space<hbm>> -> memref<1x128x128xf32, #tpu.memory_space<hbm>>
      %dma_start3A_48 = tpu.memref_squeeze %dma_start3A_47 : memref<1x128x128xf32, #tpu.memory_space<hbm>> -> memref<128x128xf32, #tpu.memory_space<hbm>>
      %dma_start3A_49 = arith.constant 0 : i32
      %dma_start3A_50 = tpu.memref_slice %arg6[%arg0, %add3A_42, %dma_start3A_49] : memref<2x10240x128xf32, #tpu.memory_space<hbm>> -> memref<1x128x128xf32, #tpu.memory_space<hbm>>
      %dma_start3A_51 = tpu.memref_squeeze %dma_start3A_50 : memref<1x128x128xf32, #tpu.memory_space<hbm>> -> memref<128x128xf32, #tpu.memory_space<hbm>>
      tpu.enqueue_dma source(%arg9 : memref<128x128xf32, #tpu.memory_space<vmem>>) target(%dma_start3A_51 : memref<128x128xf32, #tpu.memory_space<hbm>>) target_semaphore(%run_scoped3A : memref<!tpu.dma_semaphore, #tpu.memory_space<semaphore_mem>>)
      %dma_wait3A = arith.constant 0 : i32
      %dma_wait3A_52 = tpu.memref_slice %arg6[%arg0, %add3A_42, %dma_wait3A] : memref<2x10240x128xf32, #tpu.memory_space<hbm>> -> memref<1x128x128xf32, #tpu.memory_space<hbm>>
      %dma_wait3A_53 = tpu.memref_squeeze %dma_wait3A_52 : memref<1x128x128xf32, #tpu.memory_space<hbm>> -> memref<128x128xf32, #tpu.memory_space<hbm>>
      %dma_wait3A_54 = arith.constant 0 : i32
      %dma_wait3A_55 = tpu.memref_slice %arg6[%arg0, %add3A_42, %dma_wait3A_54] : memref<2x10240x128xf32, #tpu.memory_space<hbm>> -> memref<1x128x128xf32, #tpu.memory_space<hbm>>
      %dma_wait3A_56 = tpu.memref_squeeze %dma_wait3A_55 : memref<1x128x128xf32, #tpu.memory_space<hbm>> -> memref<128x128xf32, #tpu.memory_space<hbm>>
      tpu.wait_dma2 semaphore(%run_scoped3A : memref<!tpu.dma_semaphore, #tpu.memory_space<semaphore_mem>>) src(%arg9 : memref<128x128xf32, #tpu.memory_space<vmem>>) dst(%dma_wait3A_56 : memref<128x128xf32, #tpu.memory_space<hbm>>)
      tpu.yield
    }) : () -> ()
    %mul3A_43 = arith.constant 640 : i32
    %mul3A_44 = arith.muli %arg1, %mul3A_43 : i32
    %add3A_45 = arith.constant 512 : i32
    %add3A_46 = arith.addi %mul3A_44, %add3A_45 : i32
    "tpu.region"() ({
      %run_scoped3A = tpu.sem_alloc : memref<!tpu.dma_semaphore, #tpu.memory_space<semaphore_mem>>
      %dma_start3A = arith.constant 0 : i32
      %dma_start3A_47 = tpu.memref_slice %arg11[%add3A_46, %dma_start3A] : memref<10240x128xf32, #tpu.memory_space<vmem_shared>> -> memref<128x128xf32, #tpu.memory_space<vmem_shared>>
      %dma_start3A_48 = arith.constant 0 : i32
      %dma_start3A_49 = tpu.memref_slice %arg11[%add3A_46, %dma_start3A_48] : memref<10240x128xf32, #tpu.memory_space<vmem_shared>> -> memref<128x128xf32, #tpu.memory_space<vmem_shared>>
      tpu.enqueue_dma source(%dma_start3A_49 : memref<128x128xf32, #tpu.memory_space<vmem_shared>>) target(%arg9 : memref<128x128xf32, #tpu.memory_space<vmem>>) target_semaphore(%run_scoped3A : memref<!tpu.dma_semaphore, #tpu.memory_space<semaphore_mem>>)
      %dma_wait3A = arith.constant 0 : i32
      %dma_wait3A_50 = tpu.memref_slice %arg11[%add3A_46, %dma_wait3A] : memref<10240x128xf32, #tpu.memory_space<vmem_shared>> -> memref<128x128xf32, #tpu.memory_space<vmem_shared>>
      %dma_wait3A_51 = arith.constant 0 : i32
      %dma_wait3A_52 = tpu.memref_slice %arg11[%add3A_46, %dma_wait3A_51] : memref<10240x128xf32, #tpu.memory_space<vmem_shared>> -> memref<128x128xf32, #tpu.memory_space<vmem_shared>>
      tpu.wait_dma2 semaphore(%run_scoped3A : memref<!tpu.dma_semaphore, #tpu.memory_space<semaphore_mem>>) src(%dma_wait3A_52 : memref<128x128xf32, #tpu.memory_space<vmem_shared>>) dst(%arg9 : memref<128x128xf32, #tpu.memory_space<vmem>>)
      tpu.yield
    }) : () -> ()
    "tpu.region"() ({
      %run_scoped3A = tpu.sem_alloc : memref<!tpu.dma_semaphore, #tpu.memory_space<semaphore_mem>>
      %dma_start3A = arith.constant 0 : i32
      %dma_start3A_47 = tpu.memref_slice %arg6[%arg0, %add3A_46, %dma_start3A] : memref<2x10240x128xf32, #tpu.memory_space<hbm>> -> memref<1x128x128xf32, #tpu.memory_space<hbm>>
      %dma_start3A_48 = tpu.memref_squeeze %dma_start3A_47 : memref<1x128x128xf32, #tpu.memory_space<hbm>> -> memref<128x128xf32, #tpu.memory_space<hbm>>
      %dma_start3A_49 = arith.constant 0 : i32
      %dma_start3A_50 = tpu.memref_slice %arg6[%arg0, %add3A_46, %dma_start3A_49] : memref<2x10240x128xf32, #tpu.memory_space<hbm>> -> memref<1x128x128xf32, #tpu.memory_space<hbm>>
      %dma_start3A_51 = tpu.memref_squeeze %dma_start3A_50 : memref<1x128x128xf32, #tpu.memory_space<hbm>> -> memref<128x128xf32, #tpu.memory_space<hbm>>
      tpu.enqueue_dma source(%arg9 : memref<128x128xf32, #tpu.memory_space<vmem>>) target(%dma_start3A_51 : memref<128x128xf32, #tpu.memory_space<hbm>>) target_semaphore(%run_scoped3A : memref<!tpu.dma_semaphore, #tpu.memory_space<semaphore_mem>>)
      %dma_wait3A = arith.constant 0 : i32
      %dma_wait3A_52 = tpu.memref_slice %arg6[%arg0, %add3A_46, %dma_wait3A] : memref<2x10240x128xf32, #tpu.memory_space<hbm>> -> memref<1x128x128xf32, #tpu.memory_space<hbm>>
      %dma_wait3A_53 = tpu.memref_squeeze %dma_wait3A_52 : memref<1x128x128xf32, #tpu.memory_space<hbm>> -> memref<128x128xf32, #tpu.memory_space<hbm>>
      %dma_wait3A_54 = arith.constant 0 : i32
      %dma_wait3A_55 = tpu.memref_slice %arg6[%arg0, %add3A_46, %dma_wait3A_54] : memref<2x10240x128xf32, #tpu.memory_space<hbm>> -> memref<1x128x128xf32, #tpu.memory_space<hbm>>
      %dma_wait3A_56 = tpu.memref_squeeze %dma_wait3A_55 : memref<1x128x128xf32, #tpu.memory_space<hbm>> -> memref<128x128xf32, #tpu.memory_space<hbm>>
      tpu.wait_dma2 semaphore(%run_scoped3A : memref<!tpu.dma_semaphore, #tpu.memory_space<semaphore_mem>>) src(%arg9 : memref<128x128xf32, #tpu.memory_space<vmem>>) dst(%dma_wait3A_56 : memref<128x128xf32, #tpu.memory_space<hbm>>)
      tpu.yield
    }) : () -> ()
    return
  }
}

module attributes {stable_mosaic.version = 14 : i64} {
  func.func @_tc0_body(%arg0: i32, %arg1: memref<1000x1xi32, #tpu.memory_space<vmem>>, %arg2: memref<128x128xf32, #tpu.memory_space<vmem>>, %arg3: memref<128x128xf32, #tpu.memory_space<vmem>>, %arg4: memref<128x128xf32, #tpu.memory_space<vmem>>, %arg5: memref<1x128xf32, #tpu.memory_space<vmem>>, %arg6: memref<1000x128xf32, #tpu.memory_space<vmem>>, %arg7: memref<1000x128xf32, #tpu.memory_space<vmem>>, %arg8: memref<1000x128xf32, #tpu.memory_space<vmem>>) attributes {dimension_semantics = [#tpu.dimension_semantics<arbitrary>], iteration_bounds = array<i64: 10>, scalar_prefetch = 0 : i64, scratch_operands = 0 : i64, tpu.core_type = #tpu.core_type<tc>, window_params = [{transform_indices = @transform_0, window_bounds = array<i64: 1000, 1>}, {pipeline_mode = #tpu.pipeline_mode<synchronous>, transform_indices = @transform_1, window_bounds = array<i64: 128, 128>}, {pipeline_mode = #tpu.pipeline_mode<synchronous>, transform_indices = @transform_2, window_bounds = array<i64: 128, 128>}, {pipeline_mode = #tpu.pipeline_mode<synchronous>, transform_indices = @transform_3, window_bounds = array<i64: 128, 128>}, {pipeline_mode = #tpu.pipeline_mode<synchronous>, transform_indices = @transform_4, window_bounds = array<i64: 1, 128>}, {transform_indices = @transform_5, window_bounds = array<i64: 1000, 128>}, {transform_indices = @transform_6, window_bounds = array<i64: 1000, 128>}, {transform_indices = @transform_7, window_bounds = array<i64: 1000, 128>}]} {
    %iota3A = tpu.iota {dimensions = array<i32: 1>} : vector<1000x128xi32>
    %get3A = arith.constant 0 : index
    %get3A_0 = arith.constant 0 : index
    %get3A_1 = vector.load %arg1[%get3A, %get3A_0] : memref<1000x1xi32, #tpu.memory_space<vmem>>, vector<1000x1xi32>
    %eq3A = vector.broadcast %get3A_1 : vector<1000x1xi32> to vector<1000x128xi32>
    %eq3A_2 = arith.cmpi eq, %eq3A, %iota3A : vector<1000x128xi32>
    %convert_element_type3A = arith.extui %eq3A_2 : vector<1000x128xi1> to vector<1000x128xi32>
    %convert_element_type3A_3 = arith.sitofp %convert_element_type3A : vector<1000x128xi32> to vector<1000x128xf32>
    %get3A_4 = arith.constant 0 : index
    %get3A_5 = arith.constant 0 : index
    %get3A_6 = vector.load %arg2[%get3A_4, %get3A_5] : memref<128x128xf32, #tpu.memory_space<vmem>>, vector<128x128xf32>
    %dot_general3A = arith.constant dense<0.000000e+00> : vector<1000x128xf32>
    %dot_general3A_7 = tpu.matmul %convert_element_type3A_3, %get3A_6, %dot_general3A {dimension_numbers = #tpu.dot_dimension_numbers<[1], [0], [0], [1], [0, 0, 1, 1], [], []>, transpose_lhs_hint = false} : vector<1000x128xf32>, vector<128x128xf32>, vector<1000x128xf32> -> vector<1000x128xf32>
    %swap3A = arith.constant 0 : index
    %swap3A_8 = arith.constant 0 : index
    %swap3A_9 = vector.load %arg6[%swap3A, %swap3A_8] : memref<1000x128xf32, #tpu.memory_space<vmem>>, vector<1000x128xf32>
    tpu.vector_store %arg6[%swap3A, %swap3A_8], %dot_general3A_7 {strides = array<i32>} : memref<1000x128xf32, #tpu.memory_space<vmem>>, vector<1000x128xf32>,
    %get3A_10 = arith.constant 0 : index
    %get3A_11 = arith.constant 0 : index
    %get3A_12 = vector.load %arg3[%get3A_10, %get3A_11] : memref<128x128xf32, #tpu.memory_space<vmem>>, vector<128x128xf32>
    %dot_general3A_13 = arith.constant dense<0.000000e+00> : vector<1000x128xf32>
    %dot_general3A_14 = tpu.matmul %dot_general3A_7, %get3A_12, %dot_general3A_13 {dimension_numbers = #tpu.dot_dimension_numbers<[1], [0], [0], [1], [0, 0, 1, 1], [], []>, transpose_lhs_hint = false} : vector<1000x128xf32>, vector<128x128xf32>, vector<1000x128xf32> -> vector<1000x128xf32>
    %get3A_15 = arith.constant 0 : index
    %get3A_16 = arith.constant 0 : index
    %get3A_17 = vector.load %arg5[%get3A_15, %get3A_16] : memref<1x128xf32, #tpu.memory_space<vmem>>, vector<1x128xf32>
    %add3A = vector.broadcast %get3A_17 : vector<1x128xf32> to vector<1000x128xf32>
    %add3A_18 = arith.addf %dot_general3A_14, %add3A : vector<1000x128xf32>
    %swap3A_19 = arith.constant 0 : index
    %swap3A_20 = arith.constant 0 : index
    %swap3A_21 = vector.load %arg7[%swap3A_19, %swap3A_20] : memref<1000x128xf32, #tpu.memory_space<vmem>>, vector<1000x128xf32>
    tpu.vector_store %arg7[%swap3A_19, %swap3A_20], %add3A_18 {strides = array<i32>} : memref<1000x128xf32, #tpu.memory_space<vmem>>, vector<1000x128xf32>,
    %get3A_22 = arith.constant 0 : index
    %get3A_23 = arith.constant 0 : index
    %get3A_24 = vector.load %arg4[%get3A_22, %get3A_23] : memref<128x128xf32, #tpu.memory_space<vmem>>, vector<128x128xf32>
    %dot_general3A_25 = arith.constant dense<0.000000e+00> : vector<1000x128xf32>
    %dot_general3A_26 = tpu.matmul %dot_general3A_7, %get3A_24, %dot_general3A_25 {dimension_numbers = #tpu.dot_dimension_numbers<[1], [0], [0], [1], [0, 0, 1, 1], [], []>, transpose_lhs_hint = false} : vector<1000x128xf32>, vector<128x128xf32>, vector<1000x128xf32> -> vector<1000x128xf32>
    %swap3A_27 = arith.constant 0 : index
    %swap3A_28 = arith.constant 0 : index
    %swap3A_29 = vector.load %arg8[%swap3A_27, %swap3A_28] : memref<1000x128xf32, #tpu.memory_space<vmem>>, vector<1000x128xf32>
    tpu.vector_store %arg8[%swap3A_27, %swap3A_28], %dot_general3A_26 {strides = array<i32>} : memref<1000x128xf32, #tpu.memory_space<vmem>>, vector<1000x128xf32>,
    return
  }
  func.func @transform_0(%arg0: i32) -> (i32, i32) {
    %c0_i32 = arith.constant 0 : i32
    %c0_i32_0 = arith.constant 0 : i32
    return %arg0, %c0_i32 : i32, i32
  }
  func.func @transform_1(%arg0: i32) -> (i32, i32) {
    %c0_i32 = arith.constant 0 : i32
    %c0_i32_0 = arith.constant 0 : i32
    %c0_i32_1 = arith.constant 0 : i32
    return %c0_i32, %c0_i32_0 : i32, i32
  }
  func.func @transform_2(%arg0: i32) -> (i32, i32) {
    %c0_i32 = arith.constant 0 : i32
    %c0_i32_0 = arith.constant 0 : i32
    %c0_i32_1 = arith.constant 0 : i32
    return %c0_i32, %c0_i32_0 : i32, i32
  }
  func.func @transform_3(%arg0: i32) -> (i32, i32) {
    %c0_i32 = arith.constant 0 : i32
    %c0_i32_0 = arith.constant 0 : i32
    %c0_i32_1 = arith.constant 0 : i32
    return %c0_i32, %c0_i32_0 : i32, i32
  }
  func.func @transform_4(%arg0: i32) -> (i32, i32) {
    %c0_i32 = arith.constant 0 : i32
    %c0_i32_0 = arith.constant 0 : i32
    %c0_i32_1 = arith.constant 0 : i32
    return %c0_i32, %c0_i32_0 : i32, i32
  }
  func.func @transform_5(%arg0: i32) -> (i32, i32) {
    %c0_i32 = arith.constant 0 : i32
    %c0_i32_0 = arith.constant 0 : i32
    return %arg0, %c0_i32 : i32, i32
  }
  func.func @transform_6(%arg0: i32) -> (i32, i32) {
    %c0_i32 = arith.constant 0 : i32
    %c0_i32_0 = arith.constant 0 : i32
    return %arg0, %c0_i32 : i32, i32
  }
  func.func @transform_7(%arg0: i32) -> (i32, i32) {
    %c0_i32 = arith.constant 0 : i32
    %c0_i32_0 = arith.constant 0 : i32
    return %arg0, %c0_i32 : i32, i32
  }
}

module attributes {stable_mosaic.version = 14 : i64} {
  func.func @_tc_step_body(%arg0: i32, %arg1: memref<1000x128xf32, #tpu.memory_space<vmem>>, %arg2: memref<1000x128xf32, #tpu.memory_space<vmem>>, %arg3: memref<1x1000x128xf32, #tpu.memory_space<vmem>>, %arg4: memref<1x1000x128xf32, #tpu.memory_space<vmem>>, %arg5: memref<128x128xf32, #tpu.memory_space<vmem>>, %arg6: memref<128x128xf32, #tpu.memory_space<vmem>>, %arg7: memref<1x128xf32, #tpu.memory_space<vmem>>, %arg8: memref<1000x128xf32, #tpu.memory_space<vmem>>, %arg9: memref<1000x128xf32, #tpu.memory_space<vmem>>, %arg10: memref<1000x128xf32, #tpu.memory_space<vmem>>) attributes {dimension_semantics = [#tpu.dimension_semantics<arbitrary>], iteration_bounds = array<i64: 10>, scalar_prefetch = 0 : i64, scratch_operands = 0 : i64, tpu.core_type = #tpu.core_type<tc>, window_params = [{transform_indices = @transform_0, window_bounds = array<i64: 1000, 128>}, {transform_indices = @transform_1, window_bounds = array<i64: 1000, 128>}, {transform_indices = @transform_2, window_bounds = array<i64: 1, 1000, 128>}, {transform_indices = @transform_3, window_bounds = array<i64: 1, 1000, 128>}, {pipeline_mode = #tpu.pipeline_mode<synchronous>, transform_indices = @transform_4, window_bounds = array<i64: 128, 128>}, {pipeline_mode = #tpu.pipeline_mode<synchronous>, transform_indices = @transform_5, window_bounds = array<i64: 128, 128>}, {pipeline_mode = #tpu.pipeline_mode<synchronous>, transform_indices = @transform_6, window_bounds = array<i64: 1, 128>}, {transform_indices = @transform_7, window_bounds = array<i64: 1000, 128>}, {transform_indices = @transform_8, window_bounds = array<i64: 1000, 128>}, {transform_indices = @transform_9, window_bounds = array<i64: 1000, 128>}]} {
    %get3A = arith.constant 0 : index
    %get3A_0 = arith.constant 0 : index
    %get3A_1 = vector.load %arg2[%get3A, %get3A_0] : memref<1000x128xf32, #tpu.memory_space<vmem>>, vector<1000x128xf32>
    %get3A_2 = arith.constant 0 : index
    %get3A_3 = arith.constant 0 : index
    %get3A_4 = arith.constant 0 : index
    %get3A_5 = vector.load %arg3[%get3A_2, %get3A_3, %get3A_4] : memref<1x1000x128xf32, #tpu.memory_space<vmem>>, vector<1x1000x128xf32>
    %get3A_6 = vector.shape_cast %get3A_5 : vector<1x1000x128xf32> to vector<1000x128xf32>
    %add3A = arith.addf %get3A_1, %get3A_6 : vector<1000x128xf32>
    %get3A_7 = arith.constant 0 : index
    %get3A_8 = arith.constant 0 : index
    %get3A_9 = arith.constant 0 : index
    %get3A_10 = vector.load %arg4[%get3A_7, %get3A_8, %get3A_9] : memref<1x1000x128xf32, #tpu.memory_space<vmem>>, vector<1x1000x128xf32>
    %get3A_11 = vector.shape_cast %get3A_10 : vector<1x1000x128xf32> to vector<1000x128xf32>
    %add3A_12 = arith.addf %add3A, %get3A_11 : vector<1000x128xf32>
    %ge3A = arith.constant 0.000000e+00 : f32
    %ge3A_13 = vector.broadcast %ge3A : f32 to vector<1000x128xf32>
    %ge3A_14 = arith.cmpf oge, %add3A_12, %ge3A_13 : vector<1000x128xf32>
    %mul3A = arith.constant 2.000000e-01 : f32
    %mul3A_15 = vector.broadcast %mul3A : f32 to vector<1000x128xf32>
    %mul3A_16 = arith.mulf %mul3A_15, %add3A_12 : vector<1000x128xf32>
    %select_n3A = arith.select %ge3A_14, %add3A_12, %mul3A_16 : vector<1000x128xi1>, vector<1000x128xf32>
    %get3A_17 = arith.constant 0 : index
    %get3A_18 = arith.constant 0 : index
    %get3A_19 = vector.load %arg1[%get3A_17, %get3A_18] : memref<1000x128xf32, #tpu.memory_space<vmem>>, vector<1000x128xf32>
    %add3A_20 = arith.addf %select_n3A, %get3A_19 : vector<1000x128xf32>
    %swap3A = arith.constant 0 : index
    %swap3A_21 = arith.constant 0 : index
    %swap3A_22 = vector.load %arg8[%swap3A, %swap3A_21] : memref<1000x128xf32, #tpu.memory_space<vmem>>, vector<1000x128xf32>
    tpu.vector_store %arg8[%swap3A, %swap3A_21], %add3A_20 {strides = array<i32>} : memref<1000x128xf32, #tpu.memory_space<vmem>>, vector<1000x128xf32>,
    %get3A_23 = arith.constant 0 : index
    %get3A_24 = arith.constant 0 : index
    %get3A_25 = vector.load %arg5[%get3A_23, %get3A_24] : memref<128x128xf32, #tpu.memory_space<vmem>>, vector<128x128xf32>
    %dot_general3A = arith.constant dense<0.000000e+00> : vector<1000x128xf32>
    %dot_general3A_26 = tpu.matmul %add3A_20, %get3A_25, %dot_general3A {dimension_numbers = #tpu.dot_dimension_numbers<[1], [0], [0], [1], [0, 0, 1, 1], [], []>, transpose_lhs_hint = false} : vector<1000x128xf32>, vector<128x128xf32>, vector<1000x128xf32> -> vector<1000x128xf32>
    %get3A_27 = arith.constant 0 : index
    %get3A_28 = arith.constant 0 : index
    %get3A_29 = vector.load %arg7[%get3A_27, %get3A_28] : memref<1x128xf32, #tpu.memory_space<vmem>>, vector<1x128xf32>
    %add3A_30 = vector.broadcast %get3A_29 : vector<1x128xf32> to vector<1000x128xf32>
    %add3A_31 = arith.addf %dot_general3A_26, %add3A_30 : vector<1000x128xf32>
    %swap3A_32 = arith.constant 0 : index
    %swap3A_33 = arith.constant 0 : index
    %swap3A_34 = vector.load %arg9[%swap3A_32, %swap3A_33] : memref<1000x128xf32, #tpu.memory_space<vmem>>, vector<1000x128xf32>
    tpu.vector_store %arg9[%swap3A_32, %swap3A_33], %add3A_31 {strides = array<i32>} : memref<1000x128xf32, #tpu.memory_space<vmem>>, vector<1000x128xf32>,
    %get3A_35 = arith.constant 0 : index
    %get3A_36 = arith.constant 0 : index
    %get3A_37 = vector.load %arg6[%get3A_35, %get3A_36] : memref<128x128xf32, #tpu.memory_space<vmem>>, vector<128x128xf32>
    %dot_general3A_38 = arith.constant dense<0.000000e+00> : vector<1000x128xf32>
    %dot_general3A_39 = tpu.matmul %add3A_20, %get3A_37, %dot_general3A_38 {dimension_numbers = #tpu.dot_dimension_numbers<[1], [0], [0], [1], [0, 0, 1, 1], [], []>, transpose_lhs_hint = false} : vector<1000x128xf32>, vector<128x128xf32>, vector<1000x128xf32> -> vector<1000x128xf32>
    %swap3A_40 = arith.constant 0 : index
    %swap3A_41 = arith.constant 0 : index
    %swap3A_42 = vector.load %arg10[%swap3A_40, %swap3A_41] : memref<1000x128xf32, #tpu.memory_space<vmem>>, vector<1000x128xf32>
    tpu.vector_store %arg10[%swap3A_40, %swap3A_41], %dot_general3A_39 {strides = array<i32>} : memref<1000x128xf32, #tpu.memory_space<vmem>>, vector<1000x128xf32>,
    return
  }
  func.func @transform_0(%arg0: i32) -> (i32, i32) {
    %c0_i32 = arith.constant 0 : i32
    %c0_i32_0 = arith.constant 0 : i32
    return %arg0, %c0_i32 : i32, i32
  }
  func.func @transform_1(%arg0: i32) -> (i32, i32) {
    %c0_i32 = arith.constant 0 : i32
    %c0_i32_0 = arith.constant 0 : i32
    return %arg0, %c0_i32 : i32, i32
  }
  func.func @transform_2(%arg0: i32) -> (i32, i32, i32) {
    %c0_i32 = arith.constant 0 : i32
    %c0_i32_0 = arith.constant 0 : i32
    %c0_i32_1 = arith.constant 0 : i32
    return %c0_i32, %arg0, %c0_i32_0 : i32, i32, i32
  }
  func.func @transform_3(%arg0: i32) -> (i32, i32, i32) {
    %c1_i32 = arith.constant 1 : i32
    %c0_i32 = arith.constant 0 : i32
    %c0_i32_0 = arith.constant 0 : i32
    return %c1_i32, %arg0, %c0_i32 : i32, i32, i32
  }
  func.func @transform_4(%arg0: i32) -> (i32, i32) {
    %c0_i32 = arith.constant 0 : i32
    %c0_i32_0 = arith.constant 0 : i32
    %c0_i32_1 = arith.constant 0 : i32
    return %c0_i32, %c0_i32_0 : i32, i32
  }
  func.func @transform_5(%arg0: i32) -> (i32, i32) {
    %c0_i32 = arith.constant 0 : i32
    %c0_i32_0 = arith.constant 0 : i32
    %c0_i32_1 = arith.constant 0 : i32
    return %c0_i32, %c0_i32_0 : i32, i32
  }
  func.func @transform_6(%arg0: i32) -> (i32, i32) {
    %c0_i32 = arith.constant 0 : i32
    %c0_i32_0 = arith.constant 0 : i32
    %c0_i32_1 = arith.constant 0 : i32
    return %c0_i32, %c0_i32_0 : i32, i32
  }
  func.func @transform_7(%arg0: i32) -> (i32, i32) {
    %c0_i32 = arith.constant 0 : i32
    %c0_i32_0 = arith.constant 0 : i32
    return %arg0, %c0_i32 : i32, i32
  }
  func.func @transform_8(%arg0: i32) -> (i32, i32) {
    %c0_i32 = arith.constant 0 : i32
    %c0_i32_0 = arith.constant 0 : i32
    return %arg0, %c0_i32 : i32, i32
  }
  func.func @transform_9(%arg0: i32) -> (i32, i32) {
    %c0_i32 = arith.constant 0 : i32
    %c0_i32_0 = arith.constant 0 : i32
    return %arg0, %c0_i32 : i32, i32
  }
}

module attributes {stable_mosaic.version = 14 : i64} {
  func.func @_tc_final_body(%arg0: i32, %arg1: memref<1000x128xf32, #tpu.memory_space<vmem>>, %arg2: memref<1000x128xf32, #tpu.memory_space<vmem>>, %arg3: memref<1x1000x128xf32, #tpu.memory_space<vmem>>, %arg4: memref<1x1000x128xf32, #tpu.memory_space<vmem>>, %arg5: memref<128x128xf32, #tpu.memory_space<vmem>>, %arg6: memref<1x128xf32, #tpu.memory_space<vmem>>, %arg7: memref<128x128xf32, #tpu.memory_space<vmem>>, %arg8: memref<1x128xf32, #tpu.memory_space<vmem>>, %arg9: memref<128x128xf32, #tpu.memory_space<vmem>>, %arg10: memref<1x128xf32, #tpu.memory_space<vmem>>, %arg11: memref<1x128xf32, #tpu.memory_space<vmem>>, %arg12: memref<1x128xf32, #tpu.memory_space<vmem>>) attributes {dimension_semantics = [#tpu.dimension_semantics<arbitrary>], iteration_bounds = array<i64: 10>, scalar_prefetch = 0 : i64, scratch_operands = 1 : i64, tpu.core_type = #tpu.core_type<tc>, window_params = [{transform_indices = @transform_0, window_bounds = array<i64: 1000, 128>}, {transform_indices = @transform_1, window_bounds = array<i64: 1000, 128>}, {transform_indices = @transform_2, window_bounds = array<i64: 1, 1000, 128>}, {transform_indices = @transform_3, window_bounds = array<i64: 1, 1000, 128>}, {pipeline_mode = #tpu.pipeline_mode<synchronous>, transform_indices = @transform_4, window_bounds = array<i64: 128, 128>}, {pipeline_mode = #tpu.pipeline_mode<synchronous>, transform_indices = @transform_5, window_bounds = array<i64: 1, 128>}, {pipeline_mode = #tpu.pipeline_mode<synchronous>, transform_indices = @transform_6, window_bounds = array<i64: 128, 128>}, {pipeline_mode = #tpu.pipeline_mode<synchronous>, transform_indices = @transform_7, window_bounds = array<i64: 1, 128>}, {pipeline_mode = #tpu.pipeline_mode<synchronous>, transform_indices = @transform_8, window_bounds = array<i64: 128, 128>}, {pipeline_mode = #tpu.pipeline_mode<synchronous>, transform_indices = @transform_9, window_bounds = array<i64: 1, 128>}, {pipeline_mode = #tpu.pipeline_mode<synchronous>, transform_indices = @transform_10, window_bounds = array<i64: 1, 128>}]} {
    %get3A = arith.constant 0 : index
    %get3A_0 = arith.constant 0 : index
    %get3A_1 = vector.load %arg2[%get3A, %get3A_0] : memref<1000x128xf32, #tpu.memory_space<vmem>>, vector<1000x128xf32>
    %get3A_2 = arith.constant 0 : index
    %get3A_3 = arith.constant 0 : index
    %get3A_4 = arith.constant 0 : index
    %get3A_5 = vector.load %arg3[%get3A_2, %get3A_3, %get3A_4] : memref<1x1000x128xf32, #tpu.memory_space<vmem>>, vector<1x1000x128xf32>
    %get3A_6 = vector.shape_cast %get3A_5 : vector<1x1000x128xf32> to vector<1000x128xf32>
    %add3A = arith.addf %get3A_1, %get3A_6 : vector<1000x128xf32>
    %get3A_7 = arith.constant 0 : index
    %get3A_8 = arith.constant 0 : index
    %get3A_9 = arith.constant 0 : index
    %get3A_10 = vector.load %arg4[%get3A_7, %get3A_8, %get3A_9] : memref<1x1000x128xf32, #tpu.memory_space<vmem>>, vector<1x1000x128xf32>
    %get3A_11 = vector.shape_cast %get3A_10 : vector<1x1000x128xf32> to vector<1000x128xf32>
    %add3A_12 = arith.addf %add3A, %get3A_11 : vector<1000x128xf32>
    %ge3A = arith.constant 0.000000e+00 : f32
    %ge3A_13 = vector.broadcast %ge3A : f32 to vector<1000x128xf32>
    %ge3A_14 = arith.cmpf oge, %add3A_12, %ge3A_13 : vector<1000x128xf32>
    %mul3A = arith.constant 2.000000e-01 : f32
    %mul3A_15 = vector.broadcast %mul3A : f32 to vector<1000x128xf32>
    %mul3A_16 = arith.mulf %mul3A_15, %add3A_12 : vector<1000x128xf32>
    %select_n3A = arith.select %ge3A_14, %add3A_12, %mul3A_16 : vector<1000x128xi1>, vector<1000x128xf32>
    %get3A_17 = arith.constant 0 : index
    %get3A_18 = arith.constant 0 : index
    %get3A_19 = vector.load %arg1[%get3A_17, %get3A_18] : memref<1000x128xf32, #tpu.memory_space<vmem>>, vector<1000x128xf32>
    %add3A_20 = arith.addf %select_n3A, %get3A_19 : vector<1000x128xf32>
    %reduce_sum3A = arith.constant dense<0.000000e+00> : vector<128xf32>
    %reduce_sum3A_21 = vector.multi_reduction <add>, %add3A_20, %reduce_sum3A [0] : vector<1000x128xf32> to vector<128xf32>
    %broadcast_in_dim3A = vector.shape_cast %reduce_sum3A_21 : vector<128xf32> to vector<1x128xf32>
    %eq3A = arith.constant 0 : i32
    %eq3A_22 = arith.cmpi eq, %arg0, %eq3A : i32
    %convert_element_type3A = arith.extui %eq3A_22 : i1 to i32
    %cond3A = arith.constant 0 : i32
    %cond3A_23 = arith.cmpi ne, %convert_element_type3A, %cond3A : i32
    scf.if %cond3A_23 {
      %swap3A = arith.constant 0 : index
      %swap3A_33 = arith.constant 0 : index
      %swap3A_34 = vector.load %arg12[%swap3A, %swap3A_33] : memref<1x128xf32, #tpu.memory_space<vmem>>, vector<1x128xf32>
      tpu.vector_store %arg12[%swap3A, %swap3A_33], %broadcast_in_dim3A {strides = array<i32>} : memref<1x128xf32, #tpu.memory_space<vmem>>, vector<1x128xf32>,
    } else {
    }
    %gt3A = arith.constant 0 : i32
    %gt3A_24 = arith.cmpi sgt, %arg0, %gt3A : i32
    %convert_element_type3A_25 = arith.extui %gt3A_24 : i1 to i32
    %cond3A_26 = arith.constant 0 : i32
    %cond3A_27 = arith.cmpi ne, %convert_element_type3A_25, %cond3A_26 : i32
    scf.if %cond3A_27 {
      %get3A_33 = arith.constant 0 : index
      %get3A_34 = arith.constant 0 : index
      %get3A_35 = vector.load %arg12[%get3A_33, %get3A_34] : memref<1x128xf32, #tpu.memory_space<vmem>>, vector<1x128xf32>
      %add3A_36 = arith.addf %get3A_35, %broadcast_in_dim3A : vector<1x128xf32>
      %swap3A = arith.constant 0 : index
      %swap3A_37 = arith.constant 0 : index
      %swap3A_38 = vector.load %arg12[%swap3A, %swap3A_37] : memref<1x128xf32, #tpu.memory_space<vmem>>, vector<1x128xf32>
      tpu.vector_store %arg12[%swap3A, %swap3A_37], %add3A_36 {strides = array<i32>} : memref<1x128xf32, #tpu.memory_space<vmem>>, vector<1x128xf32>,
    } else {
    }
    %eq3A_28 = arith.constant 9 : i32
    %eq3A_29 = arith.cmpi eq, %arg0, %eq3A_28 : i32
    %convert_element_type3A_30 = arith.extui %eq3A_29 : i1 to i32
    %cond3A_31 = arith.constant 0 : i32
    %cond3A_32 = arith.cmpi ne, %convert_element_type3A_30, %cond3A_31 : i32
    scf.if %cond3A_32 {
      %get3A_33 = arith.constant 0 : index
      %get3A_34 = arith.constant 0 : index
      %get3A_35 = vector.load %arg12[%get3A_33, %get3A_34] : memref<1x128xf32, #tpu.memory_space<vmem>>, vector<1x128xf32>
      %get3A_36 = arith.constant 0 : index
      %get3A_37 = arith.constant 0 : index
      %get3A_38 = vector.load %arg5[%get3A_36, %get3A_37] : memref<128x128xf32, #tpu.memory_space<vmem>>, vector<128x128xf32>
      %dot_general3A = arith.constant dense<0.000000e+00> : vector<1x128xf32>
      %dot_general3A_39 = tpu.matmul %get3A_35, %get3A_38, %dot_general3A {dimension_numbers = #tpu.dot_dimension_numbers<[1], [0], [0], [1], [0, 0, 1, 1], [], []>, transpose_lhs_hint = false} : vector<1x128xf32>, vector<128x128xf32>, vector<1x128xf32> -> vector<1x128xf32>
      %get3A_40 = arith.constant 0 : index
      %get3A_41 = arith.constant 0 : index
      %get3A_42 = vector.load %arg6[%get3A_40, %get3A_41] : memref<1x128xf32, #tpu.memory_space<vmem>>, vector<1x128xf32>
      %add3A_43 = arith.addf %dot_general3A_39, %get3A_42 : vector<1x128xf32>
      %ge3A_44 = arith.constant 0.000000e+00 : f32
      %ge3A_45 = vector.broadcast %ge3A_44 : f32 to vector<1x128xf32>
      %ge3A_46 = arith.cmpf oge, %add3A_43, %ge3A_45 : vector<1x128xf32>
      %mul3A_47 = arith.constant 2.000000e-01 : f32
      %mul3A_48 = vector.broadcast %mul3A_47 : f32 to vector<1x128xf32>
      %mul3A_49 = arith.mulf %mul3A_48, %add3A_43 : vector<1x128xf32>
      %select_n3A_50 = arith.select %ge3A_46, %add3A_43, %mul3A_49 : vector<1x128xi1>, vector<1x128xf32>
      %get3A_51 = arith.constant 0 : index
      %get3A_52 = arith.constant 0 : index
      %get3A_53 = vector.load %arg7[%get3A_51, %get3A_52] : memref<128x128xf32, #tpu.memory_space<vmem>>, vector<128x128xf32>
      %dot_general3A_54 = arith.constant dense<0.000000e+00> : vector<1x128xf32>
      %dot_general3A_55 = tpu.matmul %select_n3A_50, %get3A_53, %dot_general3A_54 {dimension_numbers = #tpu.dot_dimension_numbers<[1], [0], [0], [1], [0, 0, 1, 1], [], []>, transpose_lhs_hint = false} : vector<1x128xf32>, vector<128x128xf32>, vector<1x128xf32> -> vector<1x128xf32>
      %get3A_56 = arith.constant 0 : index
      %get3A_57 = arith.constant 0 : index
      %get3A_58 = vector.load %arg8[%get3A_56, %get3A_57] : memref<1x128xf32, #tpu.memory_space<vmem>>, vector<1x128xf32>
      %add3A_59 = arith.addf %dot_general3A_55, %get3A_58 : vector<1x128xf32>
      %ge3A_60 = arith.constant 0.000000e+00 : f32
      %ge3A_61 = vector.broadcast %ge3A_60 : f32 to vector<1x128xf32>
      %ge3A_62 = arith.cmpf oge, %add3A_59, %ge3A_61 : vector<1x128xf32>
      %mul3A_63 = arith.constant 2.000000e-01 : f32
      %mul3A_64 = vector.broadcast %mul3A_63 : f32 to vector<1x128xf32>
      %mul3A_65 = arith.mulf %mul3A_64, %add3A_59 : vector<1x128xf32>
      %select_n3A_66 = arith.select %ge3A_62, %add3A_59, %mul3A_65 : vector<1x128xi1>, vector<1x128xf32>
      %get3A_67 = arith.constant 0 : index
      %get3A_68 = arith.constant 0 : index
      %get3A_69 = vector.load %arg9[%get3A_67, %get3A_68] : memref<128x128xf32, #tpu.memory_space<vmem>>, vector<128x128xf32>
      %dot_general3A_70 = arith.constant dense<0.000000e+00> : vector<1x128xf32>
      %dot_general3A_71 = tpu.matmul %select_n3A_66, %get3A_69, %dot_general3A_70 {dimension_numbers = #tpu.dot_dimension_numbers<[1], [0], [0], [1], [0, 0, 1, 1], [], []>, transpose_lhs_hint = false} : vector<1x128xf32>, vector<128x128xf32>, vector<1x128xf32> -> vector<1x128xf32>
      %get3A_72 = arith.constant 0 : index
      %get3A_73 = arith.constant 0 : index
      %get3A_74 = vector.load %arg10[%get3A_72, %get3A_73] : memref<1x128xf32, #tpu.memory_space<vmem>>, vector<1x128xf32>
      %add3A_75 = arith.addf %dot_general3A_71, %get3A_74 : vector<1x128xf32>
      %swap3A = arith.constant 0 : index
      %swap3A_76 = arith.constant 0 : index
      %swap3A_77 = vector.load %arg11[%swap3A, %swap3A_76] : memref<1x128xf32, #tpu.memory_space<vmem>>, vector<1x128xf32>
      tpu.vector_store %arg11[%swap3A, %swap3A_76], %add3A_75 {strides = array<i32>} : memref<1x128xf32, #tpu.memory_space<vmem>>, vector<1x128xf32>,
    } else {
    }
    return
  }
  func.func @transform_0(%arg0: i32) -> (i32, i32) {
    %c0_i32 = arith.constant 0 : i32
    %c0_i32_0 = arith.constant 0 : i32
    return %arg0, %c0_i32 : i32, i32
  }
  func.func @transform_1(%arg0: i32) -> (i32, i32) {
    %c0_i32 = arith.constant 0 : i32
    %c0_i32_0 = arith.constant 0 : i32
    return %arg0, %c0_i32 : i32, i32
  }
  func.func @transform_2(%arg0: i32) -> (i32, i32, i32) {
    %c0_i32 = arith.constant 0 : i32
    %c0_i32_0 = arith.constant 0 : i32
    %c0_i32_1 = arith.constant 0 : i32
    return %c0_i32, %arg0, %c0_i32_0 : i32, i32, i32
  }
  func.func @transform_3(%arg0: i32) -> (i32, i32, i32) {
    %c1_i32 = arith.constant 1 : i32
    %c0_i32 = arith.constant 0 : i32
    %c0_i32_0 = arith.constant 0 : i32
    return %c1_i32, %arg0, %c0_i32 : i32, i32, i32
  }
  func.func @transform_4(%arg0: i32) -> (i32, i32) {
    %c0_i32 = arith.constant 0 : i32
    %c0_i32_0 = arith.constant 0 : i32
    %c0_i32_1 = arith.constant 0 : i32
    return %c0_i32, %c0_i32_0 : i32, i32
  }
  func.func @transform_5(%arg0: i32) -> (i32, i32) {
    %c0_i32 = arith.constant 0 : i32
    %c0_i32_0 = arith.constant 0 : i32
    %c0_i32_1 = arith.constant 0 : i32
    return %c0_i32, %c0_i32_0 : i32, i32
  }
  func.func @transform_6(%arg0: i32) -> (i32, i32) {
    %c0_i32 = arith.constant 0 : i32
    %c0_i32_0 = arith.constant 0 : i32
    %c0_i32_1 = arith.constant 0 : i32
    return %c0_i32, %c0_i32_0 : i32, i32
  }
  func.func @transform_7(%arg0: i32) -> (i32, i32) {
    %c0_i32 = arith.constant 0 : i32
    %c0_i32_0 = arith.constant 0 : i32
    %c0_i32_1 = arith.constant 0 : i32
    return %c0_i32, %c0_i32_0 : i32, i32
  }
  func.func @transform_8(%arg0: i32) -> (i32, i32) {
    %c0_i32 = arith.constant 0 : i32
    %c0_i32_0 = arith.constant 0 : i32
    %c0_i32_1 = arith.constant 0 : i32
    return %c0_i32, %c0_i32_0 : i32, i32
  }
  func.func @transform_9(%arg0: i32) -> (i32, i32) {
    %c0_i32 = arith.constant 0 : i32
    %c0_i32_0 = arith.constant 0 : i32
    %c0_i32_1 = arith.constant 0 : i32
    return %c0_i32, %c0_i32_0 : i32, i32
  }
  func.func @transform_10(%arg0: i32) -> (i32, i32) {
    %c0_i32 = arith.constant 0 : i32
    %c0_i32_0 = arith.constant 0 : i32
    %c0_i32_1 = arith.constant 0 : i32
    return %c0_i32, %c0_i32_0 : i32, i32
  }
}

</mosaic_0001>

<sc_bundles>
// kernel: kernel.12.cloned.1.call-start
scs
__scs_entry_jumppad:
0x0: {  	(pc) =	sbr.rel $0x88, $3  }
0x1: {  	(tag) =	ssettag $0x0;
	lr =	simm.s32 $0x1  }
0x2: {  	[smem:$0x3F8F] =	sst lr;
	_ =	strace $0xD0000000  }
0x3: {  	_ = 	snop  }
0x4: {  	_ = 	snop  }
0x5: {  	_ = 	snop  }
0x6: {  	_ = 	snop  }
0x7: {  	_ = 	snop  }
__scs_overlays_trampoline_lowered:
0x8: {  	[smem:$0x3F9E] =	sst s0  }
0x9: {  	[smem:$0x3F9F] =	sst s1  }
0xa: {  	[smem:$0x3FA0] =	sst s2  }
0xb: {  	[smem:$0x3FA1] =	sst s3  }
0xc: {  	[smem:$0x3FA2] =	sst s4  }
0xd: {  	[smem:$0x3FA3] =	sst s5  }
0xe: {  	[smem:$0x3FA4] =	sst s6  }
0xf: {  	[smem:$0x3FA5] =	sst s7  }
0x10: {  	[smem:$0x3FA6] =	sst s8  }
0x11: {  	[smem:$0x3FA7] =	sst s9;
	s0 =	simm.s32 @!p0 $0x0  }
0x12: {  	s1 =	sld [smem:$0x3F8D];
	s0 =	simm.s32 @p0 $0x1  }
0x13: {  	[smem:$0x3FA8] =	sst s0;
	s0 =	simm.s32 @!p1 $0x0  }
0x14: {  	s2 =	sld [smem:$0x3F8C];
	s0 =	simm.s32 @p1 $0x1  }
0x15: {  	[smem:$0x3FA9] =	sst s0;
	s0 =	simm.s32 @!p2 $0x0  }
0x16: {  	s3 =	sld [smem:$0x3FDB];
	s0 =	simm.s32 @p2 $0x1  }
0x17: {  	s4 =	simm.s32 $0x1BF5;
	[smem:$0x3FAB] =	sst s0  }
0x18: {  	s0 =	sld [smem:$0x3F8E];
	_ =	swait.ge [sflag:s4], $0x0  }
0x19: {  	s7 =	sld [smem:$0x3F8F]  }
0x1a: {  	s8 =	sadd.s32 $0xFFFFE003, lr  }
0x1b: {  	s9 =	sadd.s32 $0xFFFFFEF7, lr;
	s5 =	simm.s32 $0xFFFFFFFF;
	p2 =	slt.u32 s8, $0xFFFFF086  }
0x1c: {  	p1 =	slt.u32 s9, $0xF7A;
	s5 =	simm.s32 @!p2 $0x0  }
0x1d: {  	s5 =	simm.s32 @p1 $0x1;
	p0 =	seq.s32 s7, s2  }
0x1e: {  	s7 =	smul.u32 @!p0 $0xF7A, s2;
	p2 =	seq.s32 @!p0 s5, $0x0  }
0x1f: {  	s9 =	smul.u32 $0xF7A, s1;
	s8 =	simm.s32 @!p0 $0x1BF5;
	p2 =	por !p2, p0  }
0x20: {  	[sflag:s8] =	ssyncset.s32 @!p0 $0xFFFFF086;
	s6 =	sadd.s32 @!p0 s3, s7;
	s7 =	simm.s32 @!p0 $0x108  }
0x21: {  	s3 =	sadd.s32 s3, s9;
	s6 =	sadd.s32 @!p0 $0x88, s6;
	s7 =	simm.s32 @p2 $0x1082  }
0x22: {  	[simem:s7], [sflag:s8] =	dma.local @!p0 [hbm:s6], $0xF7A  }
0x23: {  	s9 =	sor.u32 $0xD0000000, s2;
	s6 =	simm.s32 $0x108;
	_ =	swait.ge @!p0 [sflag:s8], $0x0  }
0x24: {  	s3 =	sadd.s32 $0x88, s3;
	s6 =	simm.s32 @!p1 $0x1082;
	[sflag:s4] =	ssyncset.s32 $0xFFFFF086  }
0x25: {  	[simem:s6], [sflag:s4] =	dma.local [hbm:s3], $0xF7A  }
0x26: {  	[smem:$0x3F8F] =	sst s1;
	(tag) =	ssettag s2;
	_ =	strace s9  }
0x27: {  	s1 =	sld [smem:$0x3F9F]  }
0x28: {  	s2 =	sld [smem:$0x3FA0]  }
0x29: {  	s4 =	sld [smem:$0x3FA2]  }
0x2a: {  	p0 =	seq.s32 s5, $0x0;
	s5 =	sld [smem:$0x3FA3]  }
0x2b: {  	s6 =	sld [smem:$0x3FA4]  }
0x2c: {  	s7 =	sld [smem:$0x3FA5]  }
0x2d: {  	s3 =	simm.s32 $0x108;
	s8 =	sld [smem:$0x3FA6]  }
0x2e: {  	s3 =	simm.s32 @!p0 $0x1082;
	s9 =	sld [smem:$0x3FA7]  }
0x2f: {  	lr =	sadd.s32 s0, s3;
	s0 =	sld [smem:$0x3F9E]  }
0x30: {  	s3 =	sld [smem:$0x3FA1]  }
0x31: {  	[smem:$0x3FAA] =	sst s10  }
0x32: {  	s10 =	sld [smem:$0x3FA8];
	_ =	sdelay $0x3  }
0x33: {  	p0 =	seq.s32 s10, $0x1;
	s10 =	sld [smem:$0x3FAA];
	_ =	sdelay $0x3  }
0x34: {  	[smem:$0x3FAA] =	sst s10  }
0x35: {  	s10 =	sld [smem:$0x3FA9];
	_ =	sdelay $0x3  }
0x36: {  	p1 =	seq.s32 s10, $0x1;
	s10 =	sld [smem:$0x3FAA];
	_ =	sdelay $0x3  }
0x37: {  	[smem:$0x3FAA] =	sst s10  }
0x38: {  	s10 =	sld [smem:$0x3FAB]  }
0x39: {  	_ = 	snop;
	(pc) =	sbr.ind lr, $3  }
0x3a: {  	_ = 	snop  }
0x3b: {  	_ = 	snop  }
0x3c: {  	p2 =	seq.s32 s10, $0x1;
	s10 =	sld [smem:$0x3FAA]  }
0x3d: {  	_ =	shalt  }
0x3e: {  	_ =	shalt  }
0x3f: {  	_ =	shalt  }
0x40: {  	_ =	shalt  }
0x41: {  	_ =	shalt  }
0x42: {  	_ =	shalt  }
0x43: {  	_ =	shalt  }
0x44: {  	_ =	shalt  }
0x45: {  	_ =	shalt  }
0x46: {  	_ =	shalt  }
0x47: {  	_ =	shalt  }
0x48: {  	_ =	shalt  }
0x49: {  	_ =	shalt  }
0x4a: {  	_ =	shalt  }
0x4b: {  	_ =	shalt  }
0x4c: {  	_ =	shalt  }
0x4d: {  	_ =	shalt  }
0x4e: {  	_ =	shalt  }
0x4f: {  	_ =	shalt  }
0x50: {  	_ =	shalt  }
0x51: {  	_ =	shalt  }
0x52: {  	_ =	shalt  }
0x53: {  	_ =	shalt  }
0x54: {  	_ =	shalt  }
0x55: {  	_ =	shalt  }
0x56: {  	_ =	shalt  }
0x57: {  	_ =	shalt  }
0x58: {  	_ =	shalt  }
0x59: {  	_ =	shalt  }
0x5a: {  	_ =	shalt  }
0x5b: {  	_ =	shalt  }
0x5c: {  	_ =	shalt  }
0x5d: {  	_ =	shalt  }
0x5e: {  	_ =	shalt  }
0x5f: {  	_ =	shalt  }
0x60: {  	_ =	shalt  }
0x61: {  	_ =	shalt  }
0x62: {  	_ =	shalt  }
0x63: {  	_ =	shalt  }
0x64: {  	_ =	shalt  }
0x65: {  	_ =	shalt  }
0x66: {  	_ =	shalt  }
0x67: {  	_ =	shalt  }
0x68: {  	_ =	shalt  }
0x69: {  	_ =	shalt  }
0x6a: {  	_ =	shalt  }
0x6b: {  	_ =	shalt  }
0x6c: {  	_ =	shalt  }
0x6d: {  	_ =	shalt  }
0x6e: {  	_ =	shalt  }
0x6f: {  	_ =	shalt  }
0x70: {  	_ =	shalt  }
0x71: {  	_ =	shalt  }
0x72: {  	_ =	shalt  }
0x73: {  	_ =	shalt  }
0x74: {  	_ =	shalt  }
0x75: {  	_ =	shalt  }
0x76: {  	_ =	shalt  }
0x77: {  	_ =	shalt  }
0x78: {  	_ =	shalt  }
0x79: {  	_ =	shalt  }
0x7a: {  	_ =	shalt  }
0x7b: {  	_ =	shalt  }
0x7c: {  	_ =	shalt  }
0x7d: {  	_ =	shalt  }
0x7e: {  	_ =	shalt  }
0x7f: {  	_ =	shalt  }
0x80: {  	_ =	shalt  }
0x81: {  	_ =	shalt  }
0x82: {  	_ =	shalt  }
0x83: {  	_ =	shalt  }
0x84: {  	_ =	shalt  }
0x85: {  	_ =	shalt  }
0x86: {  	_ =	shalt  }
0x87: {  	_ =	shalt  }
.Lfunc_end0:
.L_simem_size_0:
called_computation.1_lowered:
.L_overlay_start_0:
0x88: {  	s2 =	sld [smem:$0x3FD9]  }
0x89: {  	s3 =	sld [smem:$0x3FFE];
	_ =	sdelay $0x1  }
0x8a: {  	s1 =	srdreg.scid  }
0x8b: {  	s0 =	sand.u32 $0x1, s1  }
0x8c: {  	s16 =	sshll.u32 s0, $0xA;
	s2 =	sadd.s32 s3, s2  }
0x8d: {  	s2 =	sadd.s32 s2, s16  }
0x8e: {  	[smem:$0x3FB6] =	sst s2  }
0x8f: {  	_ = 	snop  }
0x90: {  	(tm) =	ssettm $0x1  }
0x91: {  	s17 =	sld [smem:$0x3FFB];
	_ =	sdelay $0x3  }
0x92: {  	_ =	strace s17  }
0x93: {  	s2 =	sld [smem:$0x3FFC];
	_ =	sdelay $0x3  }
0x94: {  	_ =	strace s2  }
0x95: {  	s2 =	sld [smem:$0x3FFD];
	_ =	sdelay $0x3  }
0x96: {  	_ =	strace s2  }
0x97: {  	_ =	strace $0x8FFFFFFF  }
0x98: {  	s18 =	sld [smem:$0x3FDB];
	_ =	sdelay $0x1  }
0x99: {  	s19 =	simm.s32 $_scs_section_size  }
0x9a: {  	s4 =	simm.s32 $_size__tile_overlayer_lowered;
	s5 =	simm.s32 $_tile_overlayer_lowered  }
0x9b: {  	s22 =	simm.s32 $0x1BFF;
	s21 =	sshll.u32 s5, $0x1;
	s2 =	sadd.s32 s19, s18  }
0x9c: {  	s6 =	simm.s32 $0x0;
	s20 =	sshll.u32 s4, $0x1;
	s4 =	sadd.s32 s21, s2  }
0x9d: {  	[timem:s6], [sflag:s22] =	dma.local [hbm:s4], s20  }
0x9e: {  	_ =	swait.ge [sflag:s22], s20  }
0x9f: {  	s3 =	ssub.s32 $0x0, s20;
	[sflag:s22] =	ssyncset.done $0x0  }
0xa0: {  	[sflag:s22] =	ssyncadd.s32 s3;
	_ =	sdelay $0x1  }
0xa1: {  	s23 =	simm.s32 $0x1B8B  }
0xa2: {  	_ =	swait.ge [sflag:s23], $0x1  }
0xa3: {  	[sflag:s23] =	ssyncset.done $0x0  }
0xa4: {  	s25 =	simm.s32 $0x1B8E;
	s24 =	sld [smem:$0x3FFE];
	[sflag:s23] =	ssyncadd.s32 $0xFFFFFFFF  }
0xa5: {  	s26 =	simm.s32 $execute0_lowered;
	[smem:$0x3FD2] =	sst s25  }
0xa6: {  	s4 =	sshll.u32 s26, $0x1;
	_ =	strace $0x80000049;
	[dreg:$0x1] =	wrdreg $0xFFFFFFFF  }
0xa7: {  	s28 =	simm.s32 $_size_execute0_lowered;
	s2 =	sadd.s32 s2, s4;
	[dreg:$0x0] =	wrdreg $0x0  }
0xa8: {  	s4 =	sshll.u32 s28, $0x1;
	[dreg:$0x2] =	wrdreg s2  }
0xa9: {  	[dreg:$0x3] =	wrdreg s4  }
0xaa: {  	[dreg:$0x4] =	wrdreg $0xC0  }
0xab: {  	_ =	task [dreg:s6], $0x5FFFF  }
0xac: {  	[dreg:$0x1] =	wrdreg $0xFFFFFFFF  }
0xad: {  	[dreg:$0x0] =	wrdreg $0x60  }
0xae: {  	[dreg:$0x2] =	wrdreg s24  }
0xaf: {  	[dreg:$0x3] =	wrdreg $0x90000  }
0xb0: {  	[dreg:$0x4] =	wrdreg $0x9  }
0xb1: {  	_ =	task.clear_ibuf [dreg:s6], $0x5FFFF;
	_ =	strace $0x90000049  }
0xb2: {  	s29 =	simm.s32 $0x9;
	_ =	strace $0x8000004B  }
0xb3: {  	_ =	swait.ge [sflag:s29], $0x1  }
0xb4: {  	[sflag:s29] =	ssyncadd.s32 $0xFFFFFFFF  }
0xb5: {  	_ =	strace $0x9000004B  }
0xb6: {  	_ =	sfence  }
0xb7: {  	s30 =	sld [smem:$0x0];
	_ =	sdelay $0x2  }
0xb8: {  	s31 =	sshll.u32 s1, $0xD;
	s1 =	sshrl.u32 s1, $0x2  }
0xb9: {  	s3 =	sand.u32 $0x4000, s31;
	s1 =	sadd.s32 s1, s30  }
0xba: {  	s0 =	sor.u32 s3, s0;
	s1 =	sshll.u32 s1, $0x11  }
0xbb: {  	s0 =	sor.u32 s1, s0  }
0xbc: {  	s0 =	sadd.s32 $0x8F2B, s0  }
0xbd: {  	[sflag:s0] =	ssyncadd.remote.s32 $0x1  }
0xbe: {  	_ =	sfence.sel $0xFFFF  }
0xbf: {  	[dreg:$0x0] =	wrdreg $0xFFFFFFFF;
	(pc) =	sbr.abs _section_cstart, $3  }
0xc0: {  	[dreg:$0x1] =	wrdreg $0xFFFFFFFF  }
0xc1: {  	_ =	task.clear_ibuf [dreg:s6], $0x2FFFF;
	_ =	strace $0x9FFFFFFF  }
0xc2: {  	(tm) =	ssettm $0x7FFFFFFF  }
0xc3: {  	_ =	shalt  }
tec
execute0_lowered:
.L_overlay_start_1:
0x0: {  	(tag) =	ssettag $0x1  }
0x1: {  	s0 =	srdreg.scid;
	s6 =	rddreg [dreg:$0x0]  }
0x2: {  	s2 =	rddreg [dreg:$0x1];
	s3 =	simm.s32 $0x0;
	s21 =	simm.s32 $0x2800  }
0x3: {  	s22 =	simm.s32 $0x7D;
	s23 =	simm.s32 $0x1;
	s24 =	simm.s32 $0x0  }
0x4: {  	s8 =	sand.u32 $0x1, s0;
	s0 =	stileid.u32;
	[smem:$0x7FF] =	sst s3  }
0x5: {  	s5 =	sadd.s32 $0x65000, s6;
	s17 =	sadd.s32 $0x65800, s6;
	s7 =	smul.u32 $0x50000, s0  }
0x6: {  	s1 =	sshll.u32 s8, $0x4;
	s9 =	ssub.s32 $0x2, s8;
	s13 =	smul.u32 $0x14000, s0  }
0x7: {  	s20 =	smul.u32 $0x140000, s8;
	s4 =	sor.u32 s0, s1;
	s1 =	rddreg [dreg:$0x2]  }
0x8: {  	_ =	strace $0x8000004A;
	s30 =	sshrl.u32 s9, $0x1;
	s4 =	smul.u32 $0x500, s4  }
0x9: {  	s18 =	ssub.s32 s9, s30;
	s31 =	sshrl.u32 s7, $0x2;
	s14 =	sadd.s32 $0x4000, s13  }
0xa: {  	s15 =	sadd.s32 $0x8000, s13;
	s16 =	sadd.s32 $0xC000, s13;
	s19 =	sadd.s32 $0x10000, s13  }
0xb: {  	s13 =	sadd.s32 s13, s20;
	s7 =	sadd.s32 s14, s2;
	s8 =	sadd.s32 s15, s2  }
0xc: {  	s9 =	sadd.s32 s16, s2;
	s10 =	sadd.s32 s19, s2;
	s14 =	sadd.s32 s20, s14  }
0xd: {  	s13 =	sshrl.u32 s13, $0x3;
	s15 =	sadd.s32 s20, s15;
	s16 =	sadd.s32 s20, s16  }
0xe: {  	s19 =	sadd.s32 s20, s19;
	s18 =	smax.u32 s18, $0x1;
	s20 =	simm.s32 $0x2  }
0xf: {  	s12 =	sadd.s32 s4, s6;
	s4 =	sadd.s32 $0x16C00, s6;
	s6 =	sadd.s32 s31, s2  }
0x10: {  	s14 =	sshrl.u32 s14, $0x3;
	s13 =	sadd.s32 s17, s13;
	s15 =	sshrl.u32 s15, $0x3  }
0x11: {  	s16 =	sshrl.u32 s16, $0x3;
	s19 =	sshrl.u32 s19, $0x3;
	s11 =	sadd.s32 $0x2C00, s12  }
0x12: {  	s12 =	sadd.s32 $0xCC00, s12;
	s14 =	sadd.s32 s17, s14;
	s15 =	sadd.s32 s17, s15  }
0x13: {  	s16 =	sadd.s32 s17, s16;
	s17 =	sadd.s32 s17, s19;
	s19 =	simm.s32 $0x5000  }
.LBB2_1:
0x14: {  	[tilespmem:s19], [sflag:$0x2] =	stream.linear.gather [hbm4b:s5+s3], $0x4000, $0x38;
	[tilespmem:$0x1D000] =	vst v63  }
0x15: {  	_ =	swait.ge [sflag:s20], $0x4000  }
0x16: {  	[sflag:s20] =	ssyncset.done $0x0  }
0x17: {  	[sflag:s20] =	ssyncadd.s32 $0xFFFFC000  }
0x18: {  	[spmem:s6] =	stream.linear.scatter [tilespmem:s19], [sflag:$0x2], $0x4000, $0x38;
	[tilespmem:$0x1D000] =	vst v63  }
0x19: {  	_ =	swait.ge [sflag:s20], $0x4000  }
0x1a: {  	[sflag:s20] =	ssyncset.done $0x0  }
0x1b: {  	[sflag:s20] =	ssyncadd.s32 $0xFFFFC000  }
0x1c: {  	[spmem:s7] =	stream.linear.scatter [tilespmem:s19], [sflag:$0x2], $0x4000, $0x38;
	[tilespmem:$0x1D000] =	vst v63  }
0x1d: {  	_ =	swait.ge [sflag:s20], $0x4000  }
0x1e: {  	[sflag:s20] =	ssyncset.done $0x0  }
0x1f: {  	[sflag:s20] =	ssyncadd.s32 $0xFFFFC000  }
0x20: {  	[spmem:s8] =	stream.linear.scatter [tilespmem:s19], [sflag:$0x2], $0x4000, $0x38;
	[tilespmem:$0x1D000] =	vst v63  }
0x21: {  	_ =	swait.ge [sflag:s20], $0x4000  }
0x22: {  	[sflag:s20] =	ssyncset.done $0x0  }
0x23: {  	[sflag:s20] =	ssyncadd.s32 $0xFFFFC000  }
0x24: {  	[spmem:s9] =	stream.linear.scatter [tilespmem:s19], [sflag:$0x2], $0x4000, $0x38;
	[tilespmem:$0x1D000] =	vst v63  }
0x25: {  	_ =	swait.ge [sflag:s20], $0x4000  }
0x26: {  	[sflag:s20] =	ssyncset.done $0x0  }
0x27: {  	[sflag:s20] =	ssyncadd.s32 $0xFFFFC000  }
0x28: {  	[spmem:s10] =	stream.linear.scatter [tilespmem:s19], [sflag:$0x2], $0x4000, $0x38;
	[tilespmem:$0x1D000] =	vst v63  }
0x29: {  	_ =	swait.ge [sflag:s20], $0x4000  }
0x2a: {  	[sflag:s20] =	ssyncset.done $0x0  }
0x2b: {  	[sflag:s20] =	ssyncadd.s32 $0xFFFFC000  }
0x2c: {  	[tilespmem:s3], [sflag:$0x2] =	stream.linear.gather [hbm4b:s11+s3], $0x2800, $0x38;
	[tilespmem:$0x1D000] =	vst v63  }
0x2d: {  	_ =	swait.ge [sflag:s20], $0x2800  }
0x2e: {  	[sflag:s20] =	ssyncset.done $0x0  }
0x2f: {  	[sflag:s20] =	ssyncadd.s32 $0xFFFFD800  }
0x30: {  	[tilespmem:s21], [sflag:$0x2] =	stream.linear.gather [hbm4b:s12+s3], $0x2800, $0x38;
	[tilespmem:$0x1D000] =	vst v63  }
0x31: {  	_ =	swait.ge [sflag:s20], $0x2800  }
0x32: {  	[sflag:s20] =	ssyncset.done $0x0  }
0x33: {  	[sflag:s20] =	ssyncadd.s32 $0xFFFFD800  }
0x34: {  	s25 =	simm.s32 $0x0;
	[bflag:$0x0] =	sbarrier.arrive $0xFFFF  }
0x35: {  	[tilespmem:s19], [sflag:$0x1] =	stream.indirect.gather [hbm4b:s4+s22], $0x80, s25, s22, $0xb8;
	[tilespmem:$0x1D000] =	vst v63  }
0x36: {  	_ =	swait.ge [sflag:s23], $0x3E80  }
0x37: {  	[sflag:s23] =	ssyncset.done $0x0  }
0x38: {  	s31 =	simm.s32 $0x2800;
	[sflag:s23] =	ssyncadd.s32 $0xFFFFC180  }
0x39: {  	[spmem:s2] =	stream.indirect.scatter.add.f32 [tilespmem:s19], [sflag:$0x2], $0x80, s31, s22, $0xb8;
	[tilespmem:$0x1D000] =	vst v63  }
0x3a: {  	_ =	swait.ge [sflag:s20], $0x3E80  }
0x3b: {  	s26 =	simm.s32 $0x400;
	s25 =	simm.s32 $0x200;
	[sflag:s20] =	ssyncset.done $0x0  }
.LBB2_2:
0x3c: {  	s28 =	sshra.s32 s25, $0x2  }
0x3d: {  	[sflag:s20] =	ssyncadd.s32 $0xFFFFC180;
	s25 =	smov.u32 s26;
	s29 =	sadd.s32 $0x200, s26  }
0x3e: {  	[tilespmem:s19], [sflag:$0x1] =	stream.indirect.gather [hbm4b:s4+s22], $0x80, s28, s22, $0xb8;
	[tilespmem:$0x1D000] =	vst v63  }
0x3f: {  	p0 =	sne.s32 s26, $0x9E00;
	_ =	swait.ge [sflag:s23], $0x3E80  }
.Ltmp0:
0x40: {  	[sflag:s23] =	ssyncset.done $0x0;
	(pc) =	sbr.rel @p0 .LBB2_2-.Ltmp0, $4  }
0x41: {  	s26 =	sadd.s32 $0x2800, s28;
	[sflag:s23] =	ssyncadd.s32 $0xFFFFC180  }
0x42: {  	[spmem:s2] =	stream.indirect.scatter.add.f32 [tilespmem:s19], [sflag:$0x2], $0x80, s26, s22, $0xb8;
	[tilespmem:$0x1D000] =	vst v63  }
0x43: {  	_ =	swait.ge [sflag:s20], $0x3E80  }
0x44: {  	s26 =	smov.u32 s29;
	[sflag:s20] =	ssyncset.done $0x0  }
0x45: {  	s25 =	sshra.s32 s25, $0x2;
	[sflag:s20] =	ssyncadd.s32 $0xFFFFC180  }
0x46: {  	[tilespmem:s19], [sflag:$0x1] =	stream.indirect.gather [hbm4b:s4+s22], $0x80, s25, s22, $0xb8;
	[tilespmem:$0x1D000] =	vst v63  }
0x47: {  	_ =	swait.ge [sflag:s23], $0x3E80  }
0x48: {  	[sflag:s23] =	ssyncset.done $0x0  }
0x49: {  	s25 =	sadd.s32 $0x2800, s25;
	[sflag:s23] =	ssyncadd.s32 $0xFFFFC180  }
0x4a: {  	[spmem:s2] =	stream.indirect.scatter.add.f32 [tilespmem:s19], [sflag:$0x2], $0x80, s25, s22, $0xb8;
	[tilespmem:$0x1D000] =	vst v63  }
0x4b: {  	_ =	swait.ge [sflag:s20], $0x3E80  }
0x4c: {  	[sflag:s20] =	ssyncset.done $0x0  }
0x4d: {  	[sflag:s20] =	ssyncadd.s32 $0xFFFFC180  }
0x4e: {  	[bflag:$0x0] =	sbarrier.arrive $0xFFFF  }
0x4f: {  	[tilespmem:s19], [sflag:$0x2] =	stream.linear.gather [spmem:s6], $0x4000, $0x38;
	[tilespmem:$0x1D000] =	vst v63  }
0x50: {  	_ =	swait.ge [sflag:s20], $0x4000  }
0x51: {  	[sflag:s20] =	ssyncset.done $0x0  }
0x52: {  	[sflag:s20] =	ssyncadd.s32 $0xFFFFC000  }
0x53: {  	[hbm4b:s13+s3] =	stream.linear.scatter [tilespmem:s19], [sflag:$0x2], $0x4000, $0x38;
	[tilespmem:$0x1D000] =	vst v63  }
0x54: {  	_ =	swait.ge [sflag:s20], $0x4000  }
0x55: {  	[sflag:s20] =	ssyncset.done $0x0  }
0x56: {  	[sflag:s20] =	ssyncadd.s32 $0xFFFFC000  }
0x57: {  	[tilespmem:s19], [sflag:$0x2] =	stream.linear.gather [spmem:s7], $0x4000, $0x38;
	[tilespmem:$0x1D000] =	vst v63  }
0x58: {  	_ =	swait.ge [sflag:s20], $0x4000  }
0x59: {  	[sflag:s20] =	ssyncset.done $0x0  }
0x5a: {  	[sflag:s20] =	ssyncadd.s32 $0xFFFFC000  }
0x5b: {  	[hbm4b:s14+s3] =	stream.linear.scatter [tilespmem:s19], [sflag:$0x2], $0x4000, $0x38;
	[tilespmem:$0x1D000] =	vst v63  }
0x5c: {  	_ =	swait.ge [sflag:s20], $0x4000  }
0x5d: {  	[sflag:s20] =	ssyncset.done $0x0  }
0x5e: {  	[sflag:s20] =	ssyncadd.s32 $0xFFFFC000  }
0x5f: {  	[tilespmem:s19], [sflag:$0x2] =	stream.linear.gather [spmem:s8], $0x4000, $0x38;
	[tilespmem:$0x1D000] =	vst v63  }
0x60: {  	_ =	swait.ge [sflag:s20], $0x4000  }
0x61: {  	[sflag:s20] =	ssyncset.done $0x0  }
0x62: {  	[sflag:s20] =	ssyncadd.s32 $0xFFFFC000  }
0x63: {  	[hbm4b:s15+s3] =	stream.linear.scatter [tilespmem:s19], [sflag:$0x2], $0x4000, $0x38;
	[tilespmem:$0x1D000] =	vst v63  }
0x64: {  	_ =	swait.ge [sflag:s20], $0x4000  }
0x65: {  	[sflag:s20] =	ssyncset.done $0x0  }
0x66: {  	[sflag:s20] =	ssyncadd.s32 $0xFFFFC000  }
0x67: {  	[tilespmem:s19], [sflag:$0x2] =	stream.linear.gather [spmem:s9], $0x4000, $0x38;
	[tilespmem:$0x1D000] =	vst v63  }
0x68: {  	_ =	swait.ge [sflag:s20], $0x4000  }
0x69: {  	[sflag:s20] =	ssyncset.done $0x0  }
0x6a: {  	[sflag:s20] =	ssyncadd.s32 $0xFFFFC000  }
0x6b: {  	[hbm4b:s16+s3] =	stream.linear.scatter [tilespmem:s19], [sflag:$0x2], $0x4000, $0x38;
	[tilespmem:$0x1D000] =	vst v63  }
0x6c: {  	_ =	swait.ge [sflag:s20], $0x4000  }
0x6d: {  	[sflag:s20] =	ssyncset.done $0x0  }
0x6e: {  	[sflag:s20] =	ssyncadd.s32 $0xFFFFC000  }
0x6f: {  	[tilespmem:s19], [sflag:$0x2] =	stream.linear.gather [spmem:s10], $0x4000, $0x38;
	[tilespmem:$0x1D000] =	vst v63  }
0x70: {  	s24 =	sadd.s32 $0x1, s24;
	_ =	swait.ge [sflag:s20], $0x4000  }
0x71: {  	p0 =	sne.s32 s24, s18;
	[sflag:s20] =	ssyncset.done $0x0  }
.Ltmp1:
0x72: {  	[sflag:s20] =	ssyncadd.s32 $0xFFFFC000;
	(pc) =	sbr.rel @p0 .LBB2_1-.Ltmp1, $4  }
0x73: {  	[hbm4b:s17+s3] =	stream.linear.scatter [tilespmem:s19], [sflag:$0x2], $0x4000, $0x38;
	[tilespmem:$0x1D000] =	vst v63  }
0x74: {  	_ =	swait.ge [sflag:s20], $0x4000  }
0x75: {  	[sflag:s20] =	ssyncset.done $0x0  }
0x76: {  	[sflag:s20] =	ssyncadd.s32 $0xFFFFC000  }
0x77: {  	_ =	sfence.sel $0x180000  }
0x78: {  	[bflag:$0x0] =	sbarrier.arrive $0xFFFF  }
0x79: {  	p0 =	sne.s32 s0, $0x0;
	_ =	strace $0x9000004A  }
0x7a: {  	s0 =	sadd.s32 @!p0 $0x100000, s1;
	[bflag:$0x2] =	sbarrier.arrive $0xFFFF  }
0x7b: {  	[sflag:s0] =	ssyncadd.tile.s32 @!p0 $0x1;
	_ =	shalt  }
.Lfunc_end2:
_tile_overlayer_lowered:
.L_overlay_start_2:
0x7c: {  	(tag) =	ssettag $0x2  }
0x7d: {  	s0 =	rddreg [dreg:$0x0];
	s2 =	stileid.u32  }
0x7e: {  	s1 =	rddreg [dreg:$0x1];
	p0 =	sne.s32 s2, $0x0  }
0x7f: {  	s3 =	rddreg [dreg:$0x2];
	[bflag:$0x3] =	sbarrier.arrive $0xFFFF;
	s2 =	simm.s32 @!p0 $0x1C02  }
0x80: {  	[timem:s3], [sflag:s2] =	dma.local @!p0 [hbm:s0], s1  }
0x81: {  	s0 =	simm.s32 @!p0 $0x2  }
0x82: {  	_ =	swait.ge @!p0 [sflag:s0], s1  }
0x83: {  	s1 =	ssub.s32 @!p0 $0x0, s1;
	[sflag:s0] =	ssyncset.done @!p0 $0x0  }
0x84: {  	[sflag:s0] =	ssyncadd.s32 @!p0 s1  }
0x85: {  	[bflag:$0x3] =	sbarrier.arrive $0xFFFF  }
0x86: {  	_ =	shalt  }

// kernel: kernel.15.cloned.1.call-start
scs
__scs_entry_jumppad:
0x0: {  	(pc) =	sbr.rel $0x88, $3  }
0x1: {  	(tag) =	ssettag $0x0;
	lr =	simm.s32 $0x1  }
0x2: {  	[smem:$0x3F8F] =	sst lr;
	_ =	strace $0xD0000000  }
0x3: {  	_ = 	snop  }
0x4: {  	_ = 	snop  }
0x5: {  	_ = 	snop  }
0x6: {  	_ = 	snop  }
0x7: {  	_ = 	snop  }
__scs_overlays_trampoline_lowered:
0x8: {  	[smem:$0x3F9E] =	sst s0  }
0x9: {  	[smem:$0x3F9F] =	sst s1  }
0xa: {  	[smem:$0x3FA0] =	sst s2  }
0xb: {  	[smem:$0x3FA1] =	sst s3  }
0xc: {  	[smem:$0x3FA2] =	sst s4  }
0xd: {  	[smem:$0x3FA3] =	sst s5  }
0xe: {  	[smem:$0x3FA4] =	sst s6  }
0xf: {  	[smem:$0x3FA5] =	sst s7  }
0x10: {  	[smem:$0x3FA6] =	sst s8  }
0x11: {  	[smem:$0x3FA7] =	sst s9;
	s0 =	simm.s32 @!p0 $0x0  }
0x12: {  	s1 =	sld [smem:$0x3F8D];
	s0 =	simm.s32 @p0 $0x1  }
0x13: {  	[smem:$0x3FA8] =	sst s0;
	s0 =	simm.s32 @!p1 $0x0  }
0x14: {  	s2 =	sld [smem:$0x3F8C];
	s0 =	simm.s32 @p1 $0x1  }
0x15: {  	[smem:$0x3FA9] =	sst s0;
	s0 =	simm.s32 @!p2 $0x0  }
0x16: {  	s3 =	sld [smem:$0x3FDB];
	s0 =	simm.s32 @p2 $0x1  }
0x17: {  	s4 =	simm.s32 $0x1BF5;
	[smem:$0x3FAB] =	sst s0  }
0x18: {  	s0 =	sld [smem:$0x3F8E];
	_ =	swait.ge [sflag:s4], $0x0  }
0x19: {  	s7 =	sld [smem:$0x3F8F]  }
0x1a: {  	s8 =	sadd.s32 $0xFFFFE003, lr  }
0x1b: {  	s9 =	sadd.s32 $0xFFFFFEF7, lr;
	s5 =	simm.s32 $0xFFFFFFFF;
	p2 =	slt.u32 s8, $0xFFFFF086  }
0x1c: {  	p1 =	slt.u32 s9, $0xF7A;
	s5 =	simm.s32 @!p2 $0x0  }
0x1d: {  	s5 =	simm.s32 @p1 $0x1;
	p0 =	seq.s32 s7, s2  }
0x1e: {  	s7 =	smul.u32 @!p0 $0xF7A, s2;
	p2 =	seq.s32 @!p0 s5, $0x0  }
0x1f: {  	s9 =	smul.u32 $0xF7A, s1;
	s8 =	simm.s32 @!p0 $0x1BF5;
	p2 =	por !p2, p0  }
0x20: {  	[sflag:s8] =	ssyncset.s32 @!p0 $0xFFFFF086;
	s6 =	sadd.s32 @!p0 s3, s7;
	s7 =	simm.s32 @!p0 $0x108  }
0x21: {  	s3 =	sadd.s32 s3, s9;
	s6 =	sadd.s32 @!p0 $0x88, s6;
	s7 =	simm.s32 @p2 $0x1082  }
0x22: {  	[simem:s7], [sflag:s8] =	dma.local @!p0 [hbm:s6], $0xF7A  }
0x23: {  	s9 =	sor.u32 $0xD0000000, s2;
	s6 =	simm.s32 $0x108;
	_ =	swait.ge @!p0 [sflag:s8], $0x0  }
0x24: {  	s3 =	sadd.s32 $0x88, s3;
	s6 =	simm.s32 @!p1 $0x1082;
	[sflag:s4] =	ssyncset.s32 $0xFFFFF086  }
0x25: {  	[simem:s6], [sflag:s4] =	dma.local [hbm:s3], $0xF7A  }
0x26: {  	[smem:$0x3F8F] =	sst s1;
	(tag) =	ssettag s2;
	_ =	strace s9  }
0x27: {  	s1 =	sld [smem:$0x3F9F]  }
0x28: {  	s2 =	sld [smem:$0x3FA0]  }
0x29: {  	s4 =	sld [smem:$0x3FA2]  }
0x2a: {  	p0 =	seq.s32 s5, $0x0;
	s5 =	sld [smem:$0x3FA3]  }
0x2b: {  	s6 =	sld [smem:$0x3FA4]  }
0x2c: {  	s7 =	sld [smem:$0x3FA5]  }
0x2d: {  	s3 =	simm.s32 $0x108;
	s8 =	sld [smem:$0x3FA6]  }
0x2e: {  	s3 =	simm.s32 @!p0 $0x1082;
	s9 =	sld [smem:$0x3FA7]  }
0x2f: {  	lr =	sadd.s32 s0, s3;
	s0 =	sld [smem:$0x3F9E]  }
0x30: {  	s3 =	sld [smem:$0x3FA1]  }
0x31: {  	[smem:$0x3FAA] =	sst s10  }
0x32: {  	s10 =	sld [smem:$0x3FA8];
	_ =	sdelay $0x3  }
0x33: {  	p0 =	seq.s32 s10, $0x1;
	s10 =	sld [smem:$0x3FAA];
	_ =	sdelay $0x3  }
0x34: {  	[smem:$0x3FAA] =	sst s10  }
0x35: {  	s10 =	sld [smem:$0x3FA9];
	_ =	sdelay $0x3  }
0x36: {  	p1 =	seq.s32 s10, $0x1;
	s10 =	sld [smem:$0x3FAA];
	_ =	sdelay $0x3  }
0x37: {  	[smem:$0x3FAA] =	sst s10  }
0x38: {  	s10 =	sld [smem:$0x3FAB]  }
0x39: {  	_ = 	snop;
	(pc) =	sbr.ind lr, $3  }
0x3a: {  	_ = 	snop  }
0x3b: {  	_ = 	snop  }
0x3c: {  	p2 =	seq.s32 s10, $0x1;
	s10 =	sld [smem:$0x3FAA]  }
0x3d: {  	_ =	shalt  }
0x3e: {  	_ =	shalt  }
0x3f: {  	_ =	shalt  }
0x40: {  	_ =	shalt  }
0x41: {  	_ =	shalt  }
0x42: {  	_ =	shalt  }
0x43: {  	_ =	shalt  }
0x44: {  	_ =	shalt  }
0x45: {  	_ =	shalt  }
0x46: {  	_ =	shalt  }
0x47: {  	_ =	shalt  }
0x48: {  	_ =	shalt  }
0x49: {  	_ =	shalt  }
0x4a: {  	_ =	shalt  }
0x4b: {  	_ =	shalt  }
0x4c: {  	_ =	shalt  }
0x4d: {  	_ =	shalt  }
0x4e: {  	_ =	shalt  }
0x4f: {  	_ =	shalt  }
0x50: {  	_ =	shalt  }
0x51: {  	_ =	shalt  }
0x52: {  	_ =	shalt  }
0x53: {  	_ =	shalt  }
0x54: {  	_ =	shalt  }
0x55: {  	_ =	shalt  }
0x56: {  	_ =	shalt  }
0x57: {  	_ =	shalt  }
0x58: {  	_ =	shalt  }
0x59: {  	_ =	shalt  }
0x5a: {  	_ =	shalt  }
0x5b: {  	_ =	shalt  }
0x5c: {  	_ =	shalt  }
0x5d: {  	_ =	shalt  }
0x5e: {  	_ =	shalt  }
0x5f: {  	_ =	shalt  }
0x60: {  	_ =	shalt  }
0x61: {  	_ =	shalt  }
0x62: {  	_ =	shalt  }
0x63: {  	_ =	shalt  }
0x64: {  	_ =	shalt  }
0x65: {  	_ =	shalt  }
0x66: {  	_ =	shalt  }
0x67: {  	_ =	shalt  }
0x68: {  	_ =	shalt  }
0x69: {  	_ =	shalt  }
0x6a: {  	_ =	shalt  }
0x6b: {  	_ =	shalt  }
0x6c: {  	_ =	shalt  }
0x6d: {  	_ =	shalt  }
0x6e: {  	_ =	shalt  }
0x6f: {  	_ =	shalt  }
0x70: {  	_ =	shalt  }
0x71: {  	_ =	shalt  }
0x72: {  	_ =	shalt  }
0x73: {  	_ =	shalt  }
0x74: {  	_ =	shalt  }
0x75: {  	_ =	shalt  }
0x76: {  	_ =	shalt  }
0x77: {  	_ =	shalt  }
0x78: {  	_ =	shalt  }
0x79: {  	_ =	shalt  }
0x7a: {  	_ =	shalt  }
0x7b: {  	_ =	shalt  }
0x7c: {  	_ =	shalt  }
0x7d: {  	_ =	shalt  }
0x7e: {  	_ =	shalt  }
0x7f: {  	_ =	shalt  }
0x80: {  	_ =	shalt  }
0x81: {  	_ =	shalt  }
0x82: {  	_ =	shalt  }
0x83: {  	_ =	shalt  }
0x84: {  	_ =	shalt  }
0x85: {  	_ =	shalt  }
0x86: {  	_ =	shalt  }
0x87: {  	_ =	shalt  }
.Lfunc_end0:
.L_simem_size_0:
called_computation.2_lowered:
.L_overlay_start_0:
0x88: {  	s2 =	sld [smem:$0x3FD9]  }
0x89: {  	s3 =	sld [smem:$0x3FFE];
	_ =	sdelay $0x1  }
0x8a: {  	s1 =	srdreg.scid  }
0x8b: {  	s0 =	sand.u32 $0x1, s1  }
0x8c: {  	s16 =	sshll.u32 s0, $0xA;
	s2 =	sadd.s32 s3, s2  }
0x8d: {  	s2 =	sadd.s32 s2, s16  }
0x8e: {  	[smem:$0x3FB6] =	sst s2  }
0x8f: {  	_ = 	snop  }
0x90: {  	(tm) =	ssettm $0x1  }
0x91: {  	s17 =	sld [smem:$0x3FFB];
	_ =	sdelay $0x3  }
0x92: {  	_ =	strace s17  }
0x93: {  	s2 =	sld [smem:$0x3FFC];
	_ =	sdelay $0x3  }
0x94: {  	_ =	strace s2  }
0x95: {  	s2 =	sld [smem:$0x3FFD];
	_ =	sdelay $0x3  }
0x96: {  	_ =	strace s2  }
0x97: {  	_ =	strace $0x8FFFFFFF  }
0x98: {  	s18 =	sld [smem:$0x3FDB];
	_ =	sdelay $0x1  }
0x99: {  	s19 =	simm.s32 $_scs_section_size  }
0x9a: {  	s4 =	simm.s32 $_size__tile_overlayer_lowered;
	s5 =	simm.s32 $_tile_overlayer_lowered  }
0x9b: {  	s22 =	simm.s32 $0x1BFF;
	s21 =	sshll.u32 s5, $0x1;
	s2 =	sadd.s32 s19, s18  }
0x9c: {  	s6 =	simm.s32 $0x0;
	s20 =	sshll.u32 s4, $0x1;
	s4 =	sadd.s32 s21, s2  }
0x9d: {  	[timem:s6], [sflag:s22] =	dma.local [hbm:s4], s20  }
0x9e: {  	_ =	swait.ge [sflag:s22], s20  }
0x9f: {  	s3 =	ssub.s32 $0x0, s20;
	[sflag:s22] =	ssyncset.done $0x0  }
0xa0: {  	[sflag:s22] =	ssyncadd.s32 s3;
	_ =	sdelay $0x1  }
0xa1: {  	s23 =	simm.s32 $0x1B8B  }
0xa2: {  	_ =	swait.ge [sflag:s23], $0x1  }
0xa3: {  	[sflag:s23] =	ssyncset.done $0x0  }
0xa4: {  	s25 =	simm.s32 $0x1B8E;
	s24 =	sld [smem:$0x3FFE];
	[sflag:s23] =	ssyncadd.s32 $0xFFFFFFFF  }
0xa5: {  	s26 =	simm.s32 $execute0_lowered;
	[smem:$0x3FD2] =	sst s25  }
0xa6: {  	s4 =	sshll.u32 s26, $0x1;
	_ =	strace $0x8000004C;
	[dreg:$0x1] =	wrdreg $0xFFFFFFFF  }
0xa7: {  	s28 =	simm.s32 $_size_execute0_lowered;
	s2 =	sadd.s32 s2, s4;
	[dreg:$0x0] =	wrdreg $0x0  }
0xa8: {  	s4 =	sshll.u32 s28, $0x1;
	[dreg:$0x2] =	wrdreg s2  }
0xa9: {  	[dreg:$0x3] =	wrdreg s4  }
0xaa: {  	[dreg:$0x4] =	wrdreg $0xC0  }
0xab: {  	_ =	task [dreg:s6], $0x5FFFF  }
0xac: {  	[dreg:$0x1] =	wrdreg $0xFFFFFFFF  }
0xad: {  	[dreg:$0x0] =	wrdreg $0x60  }
0xae: {  	[dreg:$0x2] =	wrdreg s24  }
0xaf: {  	[dreg:$0x3] =	wrdreg $0x90000  }
0xb0: {  	[dreg:$0x4] =	wrdreg $0x9  }
0xb1: {  	_ =	task.clear_ibuf [dreg:s6], $0x5FFFF;
	_ =	strace $0x9000004C  }
0xb2: {  	s29 =	simm.s32 $0x9;
	_ =	strace $0x8000004E  }
0xb3: {  	_ =	swait.ge [sflag:s29], $0x1  }
0xb4: {  	[sflag:s29] =	ssyncadd.s32 $0xFFFFFFFF  }
0xb5: {  	_ =	strace $0x9000004E  }
0xb6: {  	_ =	sfence  }
0xb7: {  	s30 =	sld [smem:$0x0];
	_ =	sdelay $0x2  }
0xb8: {  	s31 =	sshll.u32 s1, $0xD;
	s1 =	sshrl.u32 s1, $0x2  }
0xb9: {  	s3 =	sand.u32 $0x4000, s31;
	s1 =	sadd.s32 s1, s30  }
0xba: {  	s0 =	sor.u32 s3, s0;
	s1 =	sshll.u32 s1, $0x11  }
0xbb: {  	s0 =	sor.u32 s1, s0  }
0xbc: {  	s0 =	sadd.s32 $0x8F2B, s0  }
0xbd: {  	[sflag:s0] =	ssyncadd.remote.s32 $0x1  }
0xbe: {  	_ =	sfence.sel $0xFFFF  }
0xbf: {  	[dreg:$0x0] =	wrdreg $0xFFFFFFFF;
	(pc) =	sbr.abs _section_cstart, $3  }
0xc0: {  	[dreg:$0x1] =	wrdreg $0xFFFFFFFF  }
0xc1: {  	_ =	task.clear_ibuf [dreg:s6], $0x2FFFF;
	_ =	strace $0x9FFFFFFF  }
0xc2: {  	(tm) =	ssettm $0x7FFFFFFF  }
0xc3: {  	_ =	shalt  }
tec
execute0_lowered:
.L_overlay_start_1:
0x0: {  	(tag) =	ssettag $0x1  }
0x1: {  	s0 =	srdreg.scid;
	s6 =	rddreg [dreg:$0x0]  }
0x2: {  	s2 =	rddreg [dreg:$0x1];
	s3 =	simm.s32 $0x0;
	s21 =	simm.s32 $0x2800  }
0x3: {  	s22 =	simm.s32 $0x7D;
	s23 =	simm.s32 $0x1;
	s24 =	simm.s32 $0x0  }
0x4: {  	s8 =	sand.u32 $0x1, s0;
	s0 =	stileid.u32;
	[smem:$0x7FF] =	sst s3  }
0x5: {  	s5 =	sadd.s32 $0x65000, s6;
	s17 =	sadd.s32 $0x65800, s6;
	s7 =	smul.u32 $0x50000, s0  }
0x6: {  	s1 =	sshll.u32 s8, $0x4;
	s9 =	ssub.s32 $0x2, s8;
	s13 =	smul.u32 $0x14000, s0  }
0x7: {  	s20 =	smul.u32 $0x140000, s8;
	s4 =	sor.u32 s0, s1;
	s1 =	rddreg [dreg:$0x2]  }
0x8: {  	_ =	strace $0x8000004D;
	s30 =	sshrl.u32 s9, $0x1;
	s4 =	smul.u32 $0x500, s4  }
0x9: {  	s18 =	ssub.s32 s9, s30;
	s31 =	sshrl.u32 s7, $0x2;
	s14 =	sadd.s32 $0x4000, s13  }
0xa: {  	s15 =	sadd.s32 $0x8000, s13;
	s16 =	sadd.s32 $0xC000, s13;
	s19 =	sadd.s32 $0x10000, s13  }
0xb: {  	s13 =	sadd.s32 s13, s20;
	s7 =	sadd.s32 s14, s2;
	s8 =	sadd.s32 s15, s2  }
0xc: {  	s9 =	sadd.s32 s16, s2;
	s10 =	sadd.s32 s19, s2;
	s14 =	sadd.s32 s20, s14  }
0xd: {  	s13 =	sshrl.u32 s13, $0x3;
	s15 =	sadd.s32 s20, s15;
	s16 =	sadd.s32 s20, s16  }
0xe: {  	s19 =	sadd.s32 s20, s19;
	s18 =	smax.u32 s18, $0x1;
	s20 =	simm.s32 $0x2  }
0xf: {  	s12 =	sadd.s32 s4, s6;
	s4 =	sadd.s32 $0x16C00, s6;
	s6 =	sadd.s32 s31, s2  }
0x10: {  	s14 =	sshrl.u32 s14, $0x3;
	s13 =	sadd.s32 s17, s13;
	s15 =	sshrl.u32 s15, $0x3  }
0x11: {  	s16 =	sshrl.u32 s16, $0x3;
	s19 =	sshrl.u32 s19, $0x3;
	s11 =	sadd.s32 $0x2C00, s12  }
0x12: {  	s12 =	sadd.s32 $0xCC00, s12;
	s14 =	sadd.s32 s17, s14;
	s15 =	sadd.s32 s17, s15  }
0x13: {  	s16 =	sadd.s32 s17, s16;
	s17 =	sadd.s32 s17, s19;
	s19 =	simm.s32 $0x5000  }
.LBB2_1:
0x14: {  	[tilespmem:s19], [sflag:$0x2] =	stream.linear.gather [hbm4b:s5+s3], $0x4000, $0x38;
	[tilespmem:$0x1D000] =	vst v63  }
0x15: {  	_ =	swait.ge [sflag:s20], $0x4000  }
0x16: {  	[sflag:s20] =	ssyncset.done $0x0  }
0x17: {  	[sflag:s20] =	ssyncadd.s32 $0xFFFFC000  }
0x18: {  	[spmem:s6] =	stream.linear.scatter [tilespmem:s19], [sflag:$0x2], $0x4000, $0x38;
	[tilespmem:$0x1D000] =	vst v63  }
0x19: {  	_ =	swait.ge [sflag:s20], $0x4000  }
0x1a: {  	[sflag:s20] =	ssyncset.done $0x0  }
0x1b: {  	[sflag:s20] =	ssyncadd.s32 $0xFFFFC000  }
0x1c: {  	[spmem:s7] =	stream.linear.scatter [tilespmem:s19], [sflag:$0x2], $0x4000, $0x38;
	[tilespmem:$0x1D000] =	vst v63  }
0x1d: {  	_ =	swait.ge [sflag:s20], $0x4000  }
0x1e: {  	[sflag:s20] =	ssyncset.done $0x0  }
0x1f: {  	[sflag:s20] =	ssyncadd.s32 $0xFFFFC000  }
0x20: {  	[spmem:s8] =	stream.linear.scatter [tilespmem:s19], [sflag:$0x2], $0x4000, $0x38;
	[tilespmem:$0x1D000] =	vst v63  }
0x21: {  	_ =	swait.ge [sflag:s20], $0x4000  }
0x22: {  	[sflag:s20] =	ssyncset.done $0x0  }
0x23: {  	[sflag:s20] =	ssyncadd.s32 $0xFFFFC000  }
0x24: {  	[spmem:s9] =	stream.linear.scatter [tilespmem:s19], [sflag:$0x2], $0x4000, $0x38;
	[tilespmem:$0x1D000] =	vst v63  }
0x25: {  	_ =	swait.ge [sflag:s20], $0x4000  }
0x26: {  	[sflag:s20] =	ssyncset.done $0x0  }
0x27: {  	[sflag:s20] =	ssyncadd.s32 $0xFFFFC000  }
0x28: {  	[spmem:s10] =	stream.linear.scatter [tilespmem:s19], [sflag:$0x2], $0x4000, $0x38;
	[tilespmem:$0x1D000] =	vst v63  }
0x29: {  	_ =	swait.ge [sflag:s20], $0x4000  }
0x2a: {  	[sflag:s20] =	ssyncset.done $0x0  }
0x2b: {  	[sflag:s20] =	ssyncadd.s32 $0xFFFFC000  }
0x2c: {  	[tilespmem:s3], [sflag:$0x2] =	stream.linear.gather [hbm4b:s11+s3], $0x2800, $0x38;
	[tilespmem:$0x1D000] =	vst v63  }
0x2d: {  	_ =	swait.ge [sflag:s20], $0x2800  }
0x2e: {  	[sflag:s20] =	ssyncset.done $0x0  }
0x2f: {  	[sflag:s20] =	ssyncadd.s32 $0xFFFFD800  }
0x30: {  	[tilespmem:s21], [sflag:$0x2] =	stream.linear.gather [hbm4b:s12+s3], $0x2800, $0x38;
	[tilespmem:$0x1D000] =	vst v63  }
0x31: {  	_ =	swait.ge [sflag:s20], $0x2800  }
0x32: {  	[sflag:s20] =	ssyncset.done $0x0  }
0x33: {  	[sflag:s20] =	ssyncadd.s32 $0xFFFFD800  }
0x34: {  	s25 =	simm.s32 $0x0;
	[bflag:$0x0] =	sbarrier.arrive $0xFFFF  }
0x35: {  	[tilespmem:s19], [sflag:$0x1] =	stream.indirect.gather [hbm4b:s4+s22], $0x80, s25, s22, $0xb8;
	[tilespmem:$0x1D000] =	vst v63  }
0x36: {  	_ =	swait.ge [sflag:s23], $0x3E80  }
0x37: {  	[sflag:s23] =	ssyncset.done $0x0  }
0x38: {  	s31 =	simm.s32 $0x2800;
	[sflag:s23] =	ssyncadd.s32 $0xFFFFC180  }
0x39: {  	[spmem:s2] =	stream.indirect.scatter.add.f32 [tilespmem:s19], [sflag:$0x2], $0x80, s31, s22, $0xb8;
	[tilespmem:$0x1D000] =	vst v63  }
0x3a: {  	_ =	swait.ge [sflag:s20], $0x3E80  }
0x3b: {  	s26 =	simm.s32 $0x400;
	s25 =	simm.s32 $0x200;
	[sflag:s20] =	ssyncset.done $0x0  }
.LBB2_2:
0x3c: {  	s28 =	sshra.s32 s25, $0x2  }
0x3d: {  	[sflag:s20] =	ssyncadd.s32 $0xFFFFC180;
	s25 =	smov.u32 s26;
	s29 =	sadd.s32 $0x200, s26  }
0x3e: {  	[tilespmem:s19], [sflag:$0x1] =	stream.indirect.gather [hbm4b:s4+s22], $0x80, s28, s22, $0xb8;
	[tilespmem:$0x1D000] =	vst v63  }
0x3f: {  	p0 =	sne.s32 s26, $0x9E00;
	_ =	swait.ge [sflag:s23], $0x3E80  }
.Ltmp0:
0x40: {  	[sflag:s23] =	ssyncset.done $0x0;
	(pc) =	sbr.rel @p0 .LBB2_2-.Ltmp0, $4  }
0x41: {  	s26 =	sadd.s32 $0x2800, s28;
	[sflag:s23] =	ssyncadd.s32 $0xFFFFC180  }
0x42: {  	[spmem:s2] =	stream.indirect.scatter.add.f32 [tilespmem:s19], [sflag:$0x2], $0x80, s26, s22, $0xb8;
	[tilespmem:$0x1D000] =	vst v63  }
0x43: {  	_ =	swait.ge [sflag:s20], $0x3E80  }
0x44: {  	s26 =	smov.u32 s29;
	[sflag:s20] =	ssyncset.done $0x0  }
0x45: {  	s25 =	sshra.s32 s25, $0x2;
	[sflag:s20] =	ssyncadd.s32 $0xFFFFC180  }
0x46: {  	[tilespmem:s19], [sflag:$0x1] =	stream.indirect.gather [hbm4b:s4+s22], $0x80, s25, s22, $0xb8;
	[tilespmem:$0x1D000] =	vst v63  }
0x47: {  	_ =	swait.ge [sflag:s23], $0x3E80  }
0x48: {  	[sflag:s23] =	ssyncset.done $0x0  }
0x49: {  	s25 =	sadd.s32 $0x2800, s25;
	[sflag:s23] =	ssyncadd.s32 $0xFFFFC180  }
0x4a: {  	[spmem:s2] =	stream.indirect.scatter.add.f32 [tilespmem:s19], [sflag:$0x2], $0x80, s25, s22, $0xb8;
	[tilespmem:$0x1D000] =	vst v63  }
0x4b: {  	_ =	swait.ge [sflag:s20], $0x3E80  }
0x4c: {  	[sflag:s20] =	ssyncset.done $0x0  }
0x4d: {  	[sflag:s20] =	ssyncadd.s32 $0xFFFFC180  }
0x4e: {  	[bflag:$0x0] =	sbarrier.arrive $0xFFFF  }
0x4f: {  	[tilespmem:s19], [sflag:$0x2] =	stream.linear.gather [spmem:s6], $0x4000, $0x38;
	[tilespmem:$0x1D000] =	vst v63  }
0x50: {  	_ =	swait.ge [sflag:s20], $0x4000  }
0x51: {  	[sflag:s20] =	ssyncset.done $0x0  }
0x52: {  	[sflag:s20] =	ssyncadd.s32 $0xFFFFC000  }
0x53: {  	[hbm4b:s13+s3] =	stream.linear.scatter [tilespmem:s19], [sflag:$0x2], $0x4000, $0x38;
	[tilespmem:$0x1D000] =	vst v63  }
0x54: {  	_ =	swait.ge [sflag:s20], $0x4000  }
0x55: {  	[sflag:s20] =	ssyncset.done $0x0  }
0x56: {  	[sflag:s20] =	ssyncadd.s32 $0xFFFFC000  }
0x57: {  	[tilespmem:s19], [sflag:$0x2] =	stream.linear.gather [spmem:s7], $0x4000, $0x38;
	[tilespmem:$0x1D000] =	vst v63  }
0x58: {  	_ =	swait.ge [sflag:s20], $0x4000  }
0x59: {  	[sflag:s20] =	ssyncset.done $0x0  }
0x5a: {  	[sflag:s20] =	ssyncadd.s32 $0xFFFFC000  }
0x5b: {  	[hbm4b:s14+s3] =	stream.linear.scatter [tilespmem:s19], [sflag:$0x2], $0x4000, $0x38;
	[tilespmem:$0x1D000] =	vst v63  }
0x5c: {  	_ =	swait.ge [sflag:s20], $0x4000  }
0x5d: {  	[sflag:s20] =	ssyncset.done $0x0  }
0x5e: {  	[sflag:s20] =	ssyncadd.s32 $0xFFFFC000  }
0x5f: {  	[tilespmem:s19], [sflag:$0x2] =	stream.linear.gather [spmem:s8], $0x4000, $0x38;
	[tilespmem:$0x1D000] =	vst v63  }
0x60: {  	_ =	swait.ge [sflag:s20], $0x4000  }
0x61: {  	[sflag:s20] =	ssyncset.done $0x0  }
0x62: {  	[sflag:s20] =	ssyncadd.s32 $0xFFFFC000  }
0x63: {  	[hbm4b:s15+s3] =	stream.linear.scatter [tilespmem:s19], [sflag:$0x2], $0x4000, $0x38;
	[tilespmem:$0x1D000] =	vst v63  }
0x64: {  	_ =	swait.ge [sflag:s20], $0x4000  }
0x65: {  	[sflag:s20] =	ssyncset.done $0x0  }
0x66: {  	[sflag:s20] =	ssyncadd.s32 $0xFFFFC000  }
0x67: {  	[tilespmem:s19], [sflag:$0x2] =	stream.linear.gather [spmem:s9], $0x4000, $0x38;
	[tilespmem:$0x1D000] =	vst v63  }
0x68: {  	_ =	swait.ge [sflag:s20], $0x4000  }
0x69: {  	[sflag:s20] =	ssyncset.done $0x0  }
0x6a: {  	[sflag:s20] =	ssyncadd.s32 $0xFFFFC000  }
0x6b: {  	[hbm4b:s16+s3] =	stream.linear.scatter [tilespmem:s19], [sflag:$0x2], $0x4000, $0x38;
	[tilespmem:$0x1D000] =	vst v63  }
0x6c: {  	_ =	swait.ge [sflag:s20], $0x4000  }
0x6d: {  	[sflag:s20] =	ssyncset.done $0x0  }
0x6e: {  	[sflag:s20] =	ssyncadd.s32 $0xFFFFC000  }
0x6f: {  	[tilespmem:s19], [sflag:$0x2] =	stream.linear.gather [spmem:s10], $0x4000, $0x38;
	[tilespmem:$0x1D000] =	vst v63  }
0x70: {  	s24 =	sadd.s32 $0x1, s24;
	_ =	swait.ge [sflag:s20], $0x4000  }
0x71: {  	p0 =	sne.s32 s24, s18;
	[sflag:s20] =	ssyncset.done $0x0  }
.Ltmp1:
0x72: {  	[sflag:s20] =	ssyncadd.s32 $0xFFFFC000;
	(pc) =	sbr.rel @p0 .LBB2_1-.Ltmp1, $4  }
0x73: {  	[hbm4b:s17+s3] =	stream.linear.scatter [tilespmem:s19], [sflag:$0x2], $0x4000, $0x38;
	[tilespmem:$0x1D000] =	vst v63  }
0x74: {  	_ =	swait.ge [sflag:s20], $0x4000  }
0x75: {  	[sflag:s20] =	ssyncset.done $0x0  }
0x76: {  	[sflag:s20] =	ssyncadd.s32 $0xFFFFC000  }
0x77: {  	_ =	sfence.sel $0x180000  }
0x78: {  	[bflag:$0x0] =	sbarrier.arrive $0xFFFF  }
0x79: {  	p0 =	sne.s32 s0, $0x0;
	_ =	strace $0x9000004D  }
0x7a: {  	s0 =	sadd.s32 @!p0 $0x100000, s1;
	[bflag:$0x2] =	sbarrier.arrive $0xFFFF  }
0x7b: {  	[sflag:s0] =	ssyncadd.tile.s32 @!p0 $0x1;
	_ =	shalt  }
.Lfunc_end2:
_tile_overlayer_lowered:
.L_overlay_start_2:
0x7c: {  	(tag) =	ssettag $0x2  }
0x7d: {  	s0 =	rddreg [dreg:$0x0];
	s2 =	stileid.u32  }
0x7e: {  	s1 =	rddreg [dreg:$0x1];
	p0 =	sne.s32 s2, $0x0  }
0x7f: {  	s3 =	rddreg [dreg:$0x2];
	[bflag:$0x3] =	sbarrier.arrive $0xFFFF;
	s2 =	simm.s32 @!p0 $0x1C02  }
0x80: {  	[timem:s3], [sflag:s2] =	dma.local @!p0 [hbm:s0], s1  }
0x81: {  	s0 =	simm.s32 @!p0 $0x2  }
0x82: {  	_ =	swait.ge @!p0 [sflag:s0], s1  }
0x83: {  	s1 =	ssub.s32 @!p0 $0x0, s1;
	[sflag:s0] =	ssyncset.done @!p0 $0x0  }
0x84: {  	[sflag:s0] =	ssyncadd.s32 @!p0 s1  }
0x85: {  	[bflag:$0x3] =	sbarrier.arrive $0xFFFF  }
0x86: {  	_ =	shalt  }

// kernel: kernel.9.cloned.1.call-start
scs
__scs_entry_jumppad:
0x0: {  	(pc) =	sbr.rel $0x88, $3  }
0x1: {  	(tag) =	ssettag $0x0;
	lr =	simm.s32 $0x1  }
0x2: {  	[smem:$0x3F8F] =	sst lr;
	_ =	strace $0xD0000000  }
0x3: {  	_ = 	snop  }
0x4: {  	_ = 	snop  }
0x5: {  	_ = 	snop  }
0x6: {  	_ = 	snop  }
0x7: {  	_ = 	snop  }
__scs_overlays_trampoline_lowered:
0x8: {  	[smem:$0x3F9E] =	sst s0  }
0x9: {  	[smem:$0x3F9F] =	sst s1  }
0xa: {  	[smem:$0x3FA0] =	sst s2  }
0xb: {  	[smem:$0x3FA1] =	sst s3  }
0xc: {  	[smem:$0x3FA2] =	sst s4  }
0xd: {  	[smem:$0x3FA3] =	sst s5  }
0xe: {  	[smem:$0x3FA4] =	sst s6  }
0xf: {  	[smem:$0x3FA5] =	sst s7  }
0x10: {  	[smem:$0x3FA6] =	sst s8  }
0x11: {  	[smem:$0x3FA7] =	sst s9;
	s0 =	simm.s32 @!p0 $0x0  }
0x12: {  	s1 =	sld [smem:$0x3F8D];
	s0 =	simm.s32 @p0 $0x1  }
0x13: {  	[smem:$0x3FA8] =	sst s0;
	s0 =	simm.s32 @!p1 $0x0  }
0x14: {  	s2 =	sld [smem:$0x3F8C];
	s0 =	simm.s32 @p1 $0x1  }
0x15: {  	[smem:$0x3FA9] =	sst s0;
	s0 =	simm.s32 @!p2 $0x0  }
0x16: {  	s3 =	sld [smem:$0x3FDB];
	s0 =	simm.s32 @p2 $0x1  }
0x17: {  	s4 =	simm.s32 $0x1BF5;
	[smem:$0x3FAB] =	sst s0  }
0x18: {  	s0 =	sld [smem:$0x3F8E];
	_ =	swait.ge [sflag:s4], $0x0  }
0x19: {  	s7 =	sld [smem:$0x3F8F]  }
0x1a: {  	s8 =	sadd.s32 $0xFFFFE003, lr  }
0x1b: {  	s9 =	sadd.s32 $0xFFFFFEF7, lr;
	s5 =	simm.s32 $0xFFFFFFFF;
	p2 =	slt.u32 s8, $0xFFFFF086  }
0x1c: {  	p1 =	slt.u32 s9, $0xF7A;
	s5 =	simm.s32 @!p2 $0x0  }
0x1d: {  	s5 =	simm.s32 @p1 $0x1;
	p0 =	seq.s32 s7, s2  }
0x1e: {  	s7 =	smul.u32 @!p0 $0xF7A, s2;
	p2 =	seq.s32 @!p0 s5, $0x0  }
0x1f: {  	s9 =	smul.u32 $0xF7A, s1;
	s8 =	simm.s32 @!p0 $0x1BF5;
	p2 =	por !p2, p0  }
0x20: {  	[sflag:s8] =	ssyncset.s32 @!p0 $0xFFFFF086;
	s6 =	sadd.s32 @!p0 s3, s7;
	s7 =	simm.s32 @!p0 $0x108  }
0x21: {  	s3 =	sadd.s32 s3, s9;
	s6 =	sadd.s32 @!p0 $0x88, s6;
	s7 =	simm.s32 @p2 $0x1082  }
0x22: {  	[simem:s7], [sflag:s8] =	dma.local @!p0 [hbm:s6], $0xF7A  }
0x23: {  	s9 =	sor.u32 $0xD0000000, s2;
	s6 =	simm.s32 $0x108;
	_ =	swait.ge @!p0 [sflag:s8], $0x0  }
0x24: {  	s3 =	sadd.s32 $0x88, s3;
	s6 =	simm.s32 @!p1 $0x1082;
	[sflag:s4] =	ssyncset.s32 $0xFFFFF086  }
0x25: {  	[simem:s6], [sflag:s4] =	dma.local [hbm:s3], $0xF7A  }
0x26: {  	[smem:$0x3F8F] =	sst s1;
	(tag) =	ssettag s2;
	_ =	strace s9  }
0x27: {  	s1 =	sld [smem:$0x3F9F]  }
0x28: {  	s2 =	sld [smem:$0x3FA0]  }
0x29: {  	s4 =	sld [smem:$0x3FA2]  }
0x2a: {  	p0 =	seq.s32 s5, $0x0;
	s5 =	sld [smem:$0x3FA3]  }
0x2b: {  	s6 =	sld [smem:$0x3FA4]  }
0x2c: {  	s7 =	sld [smem:$0x3FA5]  }
0x2d: {  	s3 =	simm.s32 $0x108;
	s8 =	sld [smem:$0x3FA6]  }
0x2e: {  	s3 =	simm.s32 @!p0 $0x1082;
	s9 =	sld [smem:$0x3FA7]  }
0x2f: {  	lr =	sadd.s32 s0, s3;
	s0 =	sld [smem:$0x3F9E]  }
0x30: {  	s3 =	sld [smem:$0x3FA1]  }
0x31: {  	[smem:$0x3FAA] =	sst s10  }
0x32: {  	s10 =	sld [smem:$0x3FA8];
	_ =	sdelay $0x3  }
0x33: {  	p0 =	seq.s32 s10, $0x1;
	s10 =	sld [smem:$0x3FAA];
	_ =	sdelay $0x3  }
0x34: {  	[smem:$0x3FAA] =	sst s10  }
0x35: {  	s10 =	sld [smem:$0x3FA9];
	_ =	sdelay $0x3  }
0x36: {  	p1 =	seq.s32 s10, $0x1;
	s10 =	sld [smem:$0x3FAA];
	_ =	sdelay $0x3  }
0x37: {  	[smem:$0x3FAA] =	sst s10  }
0x38: {  	s10 =	sld [smem:$0x3FAB]  }
0x39: {  	_ = 	snop;
	(pc) =	sbr.ind lr, $3  }
0x3a: {  	_ = 	snop  }
0x3b: {  	_ = 	snop  }
0x3c: {  	p2 =	seq.s32 s10, $0x1;
	s10 =	sld [smem:$0x3FAA]  }
0x3d: {  	_ =	shalt  }
0x3e: {  	_ =	shalt  }
0x3f: {  	_ =	shalt  }
0x40: {  	_ =	shalt  }
0x41: {  	_ =	shalt  }
0x42: {  	_ =	shalt  }
0x43: {  	_ =	shalt  }
0x44: {  	_ =	shalt  }
0x45: {  	_ =	shalt  }
0x46: {  	_ =	shalt  }
0x47: {  	_ =	shalt  }
0x48: {  	_ =	shalt  }
0x49: {  	_ =	shalt  }
0x4a: {  	_ =	shalt  }
0x4b: {  	_ =	shalt  }
0x4c: {  	_ =	shalt  }
0x4d: {  	_ =	shalt  }
0x4e: {  	_ =	shalt  }
0x4f: {  	_ =	shalt  }
0x50: {  	_ =	shalt  }
0x51: {  	_ =	shalt  }
0x52: {  	_ =	shalt  }
0x53: {  	_ =	shalt  }
0x54: {  	_ =	shalt  }
0x55: {  	_ =	shalt  }
0x56: {  	_ =	shalt  }
0x57: {  	_ =	shalt  }
0x58: {  	_ =	shalt  }
0x59: {  	_ =	shalt  }
0x5a: {  	_ =	shalt  }
0x5b: {  	_ =	shalt  }
0x5c: {  	_ =	shalt  }
0x5d: {  	_ =	shalt  }
0x5e: {  	_ =	shalt  }
0x5f: {  	_ =	shalt  }
0x60: {  	_ =	shalt  }
0x61: {  	_ =	shalt  }
0x62: {  	_ =	shalt  }
0x63: {  	_ =	shalt  }
0x64: {  	_ =	shalt  }
0x65: {  	_ =	shalt  }
0x66: {  	_ =	shalt  }
0x67: {  	_ =	shalt  }
0x68: {  	_ =	shalt  }
0x69: {  	_ =	shalt  }
0x6a: {  	_ =	shalt  }
0x6b: {  	_ =	shalt  }
0x6c: {  	_ =	shalt  }
0x6d: {  	_ =	shalt  }
0x6e: {  	_ =	shalt  }
0x6f: {  	_ =	shalt  }
0x70: {  	_ =	shalt  }
0x71: {  	_ =	shalt  }
0x72: {  	_ =	shalt  }
0x73: {  	_ =	shalt  }
0x74: {  	_ =	shalt  }
0x75: {  	_ =	shalt  }
0x76: {  	_ =	shalt  }
0x77: {  	_ =	shalt  }
0x78: {  	_ =	shalt  }
0x79: {  	_ =	shalt  }
0x7a: {  	_ =	shalt  }
0x7b: {  	_ =	shalt  }
0x7c: {  	_ =	shalt  }
0x7d: {  	_ =	shalt  }
0x7e: {  	_ =	shalt  }
0x7f: {  	_ =	shalt  }
0x80: {  	_ =	shalt  }
0x81: {  	_ =	shalt  }
0x82: {  	_ =	shalt  }
0x83: {  	_ =	shalt  }
0x84: {  	_ =	shalt  }
0x85: {  	_ =	shalt  }
0x86: {  	_ =	shalt  }
0x87: {  	_ =	shalt  }
.Lfunc_end0:
.L_simem_size_0:
called_computation_lowered:
.L_overlay_start_0:
0x88: {  	s2 =	sld [smem:$0x3FD9]  }
0x89: {  	s3 =	sld [smem:$0x3FFE];
	_ =	sdelay $0x1  }
0x8a: {  	s1 =	srdreg.scid  }
0x8b: {  	s0 =	sand.u32 $0x1, s1  }
0x8c: {  	s16 =	sshll.u32 s0, $0xA;
	s2 =	sadd.s32 s3, s2  }
0x8d: {  	s2 =	sadd.s32 s2, s16  }
0x8e: {  	[smem:$0x3FB6] =	sst s2  }
0x8f: {  	_ = 	snop  }
0x90: {  	(tm) =	ssettm $0x1  }
0x91: {  	s17 =	sld [smem:$0x3FFB];
	_ =	sdelay $0x3  }
0x92: {  	_ =	strace s17  }
0x93: {  	s2 =	sld [smem:$0x3FFC];
	_ =	sdelay $0x3  }
0x94: {  	_ =	strace s2  }
0x95: {  	s2 =	sld [smem:$0x3FFD];
	_ =	sdelay $0x3  }
0x96: {  	_ =	strace s2  }
0x97: {  	_ =	strace $0x8FFFFFFF  }
0x98: {  	s18 =	sld [smem:$0x3FDB];
	_ =	sdelay $0x1  }
0x99: {  	s19 =	simm.s32 $_scs_section_size  }
0x9a: {  	s4 =	simm.s32 $_size__tile_overlayer_lowered;
	s5 =	simm.s32 $_tile_overlayer_lowered  }
0x9b: {  	s22 =	simm.s32 $0x1BFF;
	s21 =	sshll.u32 s5, $0x1;
	s2 =	sadd.s32 s19, s18  }
0x9c: {  	s6 =	simm.s32 $0x0;
	s20 =	sshll.u32 s4, $0x1;
	s4 =	sadd.s32 s21, s2  }
0x9d: {  	[timem:s6], [sflag:s22] =	dma.local [hbm:s4], s20  }
0x9e: {  	_ =	swait.ge [sflag:s22], s20  }
0x9f: {  	s3 =	ssub.s32 $0x0, s20;
	[sflag:s22] =	ssyncset.done $0x0  }
0xa0: {  	[sflag:s22] =	ssyncadd.s32 s3;
	_ =	sdelay $0x1  }
0xa1: {  	s23 =	simm.s32 $0x1B8B  }
0xa2: {  	_ =	swait.ge [sflag:s23], $0x1  }
0xa3: {  	[sflag:s23] =	ssyncset.done $0x0  }
0xa4: {  	s25 =	simm.s32 $0x1B8E;
	s24 =	sld [smem:$0x3FFE];
	[sflag:s23] =	ssyncadd.s32 $0xFFFFFFFF  }
0xa5: {  	s26 =	simm.s32 $execute0_lowered;
	[smem:$0x3FD2] =	sst s25  }
0xa6: {  	s4 =	sshll.u32 s26, $0x1;
	_ =	strace $0x80000046;
	[dreg:$0x1] =	wrdreg $0xFFFFFFFF  }
0xa7: {  	s28 =	simm.s32 $_size_execute0_lowered;
	s2 =	sadd.s32 s2, s4;
	[dreg:$0x0] =	wrdreg $0x0  }
0xa8: {  	s4 =	sshll.u32 s28, $0x1;
	[dreg:$0x2] =	wrdreg s2  }
0xa9: {  	[dreg:$0x3] =	wrdreg s4  }
0xaa: {  	[dreg:$0x4] =	wrdreg $0xC0  }
0xab: {  	_ =	task [dreg:s6], $0x5FFFF  }
0xac: {  	[dreg:$0x1] =	wrdreg $0xFFFFFFFF  }
0xad: {  	[dreg:$0x0] =	wrdreg $0x60  }
0xae: {  	[dreg:$0x2] =	wrdreg s24  }
0xaf: {  	[dreg:$0x3] =	wrdreg $0x90000  }
0xb0: {  	[dreg:$0x4] =	wrdreg $0x9  }
0xb1: {  	_ =	task.clear_ibuf [dreg:s6], $0x5FFFF;
	_ =	strace $0x90000046  }
0xb2: {  	s29 =	simm.s32 $0x9;
	_ =	strace $0x80000048  }
0xb3: {  	_ =	swait.ge [sflag:s29], $0x1  }
0xb4: {  	[sflag:s29] =	ssyncadd.s32 $0xFFFFFFFF  }
0xb5: {  	_ =	strace $0x90000048  }
0xb6: {  	_ =	sfence  }
0xb7: {  	s30 =	sld [smem:$0x0];
	_ =	sdelay $0x2  }
0xb8: {  	s31 =	sshll.u32 s1, $0xD;
	s1 =	sshrl.u32 s1, $0x2  }
0xb9: {  	s3 =	sand.u32 $0x4000, s31;
	s1 =	sadd.s32 s1, s30  }
0xba: {  	s0 =	sor.u32 s3, s0;
	s1 =	sshll.u32 s1, $0x11  }
0xbb: {  	s0 =	sor.u32 s1, s0  }
0xbc: {  	s0 =	sadd.s32 $0x8F2B, s0  }
0xbd: {  	[sflag:s0] =	ssyncadd.remote.s32 $0x1  }
0xbe: {  	_ =	sfence.sel $0xFFFF  }
0xbf: {  	[dreg:$0x0] =	wrdreg $0xFFFFFFFF;
	(pc) =	sbr.abs _section_cstart, $3  }
0xc0: {  	[dreg:$0x1] =	wrdreg $0xFFFFFFFF  }
0xc1: {  	_ =	task.clear_ibuf [dreg:s6], $0x2FFFF;
	_ =	strace $0x9FFFFFFF  }
0xc2: {  	(tm) =	ssettm $0x7FFFFFFF  }
0xc3: {  	_ =	shalt  }
tec
execute0_lowered:
.L_overlay_start_1:
0x0: {  	(tag) =	ssettag $0x1  }
0x1: {  	s0 =	srdreg.scid;
	s6 =	rddreg [dreg:$0x0]  }
0x2: {  	s2 =	rddreg [dreg:$0x1];
	s3 =	simm.s32 $0x0;
	s21 =	simm.s32 $0x2800  }
0x3: {  	s22 =	simm.s32 $0x7D;
	s23 =	simm.s32 $0x1;
	s24 =	simm.s32 $0x0  }
0x4: {  	s8 =	sand.u32 $0x1, s0;
	s0 =	stileid.u32;
	[smem:$0x7FF] =	sst s3  }
0x5: {  	s5 =	sadd.s32 $0x65000, s6;
	s17 =	sadd.s32 $0x65800, s6;
	s7 =	smul.u32 $0x50000, s0  }
0x6: {  	s1 =	sshll.u32 s8, $0x4;
	s9 =	ssub.s32 $0x2, s8;
	s13 =	smul.u32 $0x14000, s0  }
0x7: {  	s20 =	smul.u32 $0x140000, s8;
	s4 =	sor.u32 s0, s1;
	s1 =	rddreg [dreg:$0x2]  }
0x8: {  	_ =	strace $0x80000047;
	s30 =	sshrl.u32 s9, $0x1;
	s4 =	smul.u32 $0x500, s4  }
0x9: {  	s18 =	ssub.s32 s9, s30;
	s31 =	sshrl.u32 s7, $0x2;
	s14 =	sadd.s32 $0x4000, s13  }
0xa: {  	s15 =	sadd.s32 $0x8000, s13;
	s16 =	sadd.s32 $0xC000, s13;
	s19 =	sadd.s32 $0x10000, s13  }
0xb: {  	s13 =	sadd.s32 s13, s20;
	s7 =	sadd.s32 s14, s2;
	s8 =	sadd.s32 s15, s2  }
0xc: {  	s9 =	sadd.s32 s16, s2;
	s10 =	sadd.s32 s19, s2;
	s14 =	sadd.s32 s20, s14  }
0xd: {  	s13 =	sshrl.u32 s13, $0x3;
	s15 =	sadd.s32 s20, s15;
	s16 =	sadd.s32 s20, s16  }
0xe: {  	s19 =	sadd.s32 s20, s19;
	s18 =	smax.u32 s18, $0x1;
	s20 =	simm.s32 $0x2  }
0xf: {  	s12 =	sadd.s32 s4, s6;
	s4 =	sadd.s32 $0x16C00, s6;
	s6 =	sadd.s32 s31, s2  }
0x10: {  	s14 =	sshrl.u32 s14, $0x3;
	s13 =	sadd.s32 s17, s13;
	s15 =	sshrl.u32 s15, $0x3  }
0x11: {  	s16 =	sshrl.u32 s16, $0x3;
	s19 =	sshrl.u32 s19, $0x3;
	s11 =	sadd.s32 $0x2C00, s12  }
0x12: {  	s12 =	sadd.s32 $0xCC00, s12;
	s14 =	sadd.s32 s17, s14;
	s15 =	sadd.s32 s17, s15  }
0x13: {  	s16 =	sadd.s32 s17, s16;
	s17 =	sadd.s32 s17, s19;
	s19 =	simm.s32 $0x5000  }
.LBB2_1:
0x14: {  	[tilespmem:s19], [sflag:$0x2] =	stream.linear.gather [hbm4b:s5+s3], $0x4000, $0x38;
	[tilespmem:$0x1D000] =	vst v63  }
0x15: {  	_ =	swait.ge [sflag:s20], $0x4000  }
0x16: {  	[sflag:s20] =	ssyncset.done $0x0  }
0x17: {  	[sflag:s20] =	ssyncadd.s32 $0xFFFFC000  }
0x18: {  	[spmem:s6] =	stream.linear.scatter [tilespmem:s19], [sflag:$0x2], $0x4000, $0x38;
	[tilespmem:$0x1D000] =	vst v63  }
0x19: {  	_ =	swait.ge [sflag:s20], $0x4000  }
0x1a: {  	[sflag:s20] =	ssyncset.done $0x0  }
0x1b: {  	[sflag:s20] =	ssyncadd.s32 $0xFFFFC000  }
0x1c: {  	[spmem:s7] =	stream.linear.scatter [tilespmem:s19], [sflag:$0x2], $0x4000, $0x38;
	[tilespmem:$0x1D000] =	vst v63  }
0x1d: {  	_ =	swait.ge [sflag:s20], $0x4000  }
0x1e: {  	[sflag:s20] =	ssyncset.done $0x0  }
0x1f: {  	[sflag:s20] =	ssyncadd.s32 $0xFFFFC000  }
0x20: {  	[spmem:s8] =	stream.linear.scatter [tilespmem:s19], [sflag:$0x2], $0x4000, $0x38;
	[tilespmem:$0x1D000] =	vst v63  }
0x21: {  	_ =	swait.ge [sflag:s20], $0x4000  }
0x22: {  	[sflag:s20] =	ssyncset.done $0x0  }
0x23: {  	[sflag:s20] =	ssyncadd.s32 $0xFFFFC000  }
0x24: {  	[spmem:s9] =	stream.linear.scatter [tilespmem:s19], [sflag:$0x2], $0x4000, $0x38;
	[tilespmem:$0x1D000] =	vst v63  }
0x25: {  	_ =	swait.ge [sflag:s20], $0x4000  }
0x26: {  	[sflag:s20] =	ssyncset.done $0x0  }
0x27: {  	[sflag:s20] =	ssyncadd.s32 $0xFFFFC000  }
0x28: {  	[spmem:s10] =	stream.linear.scatter [tilespmem:s19], [sflag:$0x2], $0x4000, $0x38;
	[tilespmem:$0x1D000] =	vst v63  }
0x29: {  	_ =	swait.ge [sflag:s20], $0x4000  }
0x2a: {  	[sflag:s20] =	ssyncset.done $0x0  }
0x2b: {  	[sflag:s20] =	ssyncadd.s32 $0xFFFFC000  }
0x2c: {  	[tilespmem:s3], [sflag:$0x2] =	stream.linear.gather [hbm4b:s11+s3], $0x2800, $0x38;
	[tilespmem:$0x1D000] =	vst v63  }
0x2d: {  	_ =	swait.ge [sflag:s20], $0x2800  }
0x2e: {  	[sflag:s20] =	ssyncset.done $0x0  }
0x2f: {  	[sflag:s20] =	ssyncadd.s32 $0xFFFFD800  }
0x30: {  	[tilespmem:s21], [sflag:$0x2] =	stream.linear.gather [hbm4b:s12+s3], $0x2800, $0x38;
	[tilespmem:$0x1D000] =	vst v63  }
0x31: {  	_ =	swait.ge [sflag:s20], $0x2800  }
0x32: {  	[sflag:s20] =	ssyncset.done $0x0  }
0x33: {  	[sflag:s20] =	ssyncadd.s32 $0xFFFFD800  }
0x34: {  	s25 =	simm.s32 $0x0;
	[bflag:$0x0] =	sbarrier.arrive $0xFFFF  }
0x35: {  	[tilespmem:s19], [sflag:$0x1] =	stream.indirect.gather [hbm4b:s4+s22], $0x80, s25, s22, $0xb8;
	[tilespmem:$0x1D000] =	vst v63  }
0x36: {  	_ =	swait.ge [sflag:s23], $0x3E80  }
0x37: {  	[sflag:s23] =	ssyncset.done $0x0  }
0x38: {  	s31 =	simm.s32 $0x2800;
	[sflag:s23] =	ssyncadd.s32 $0xFFFFC180  }
0x39: {  	[spmem:s2] =	stream.indirect.scatter.add.f32 [tilespmem:s19], [sflag:$0x2], $0x80, s31, s22, $0xb8;
	[tilespmem:$0x1D000] =	vst v63  }
0x3a: {  	_ =	swait.ge [sflag:s20], $0x3E80  }
0x3b: {  	s26 =	simm.s32 $0x400;
	s25 =	simm.s32 $0x200;
	[sflag:s20] =	ssyncset.done $0x0  }
.LBB2_2:
0x3c: {  	s28 =	sshra.s32 s25, $0x2  }
0x3d: {  	[sflag:s20] =	ssyncadd.s32 $0xFFFFC180;
	s25 =	smov.u32 s26;
	s29 =	sadd.s32 $0x200, s26  }
0x3e: {  	[tilespmem:s19], [sflag:$0x1] =	stream.indirect.gather [hbm4b:s4+s22], $0x80, s28, s22, $0xb8;
	[tilespmem:$0x1D000] =	vst v63  }
0x3f: {  	p0 =	sne.s32 s26, $0x9E00;
	_ =	swait.ge [sflag:s23], $0x3E80  }
.Ltmp0:
0x40: {  	[sflag:s23] =	ssyncset.done $0x0;
	(pc) =	sbr.rel @p0 .LBB2_2-.Ltmp0, $4  }
0x41: {  	s26 =	sadd.s32 $0x2800, s28;
	[sflag:s23] =	ssyncadd.s32 $0xFFFFC180  }
0x42: {  	[spmem:s2] =	stream.indirect.scatter.add.f32 [tilespmem:s19], [sflag:$0x2], $0x80, s26, s22, $0xb8;
	[tilespmem:$0x1D000] =	vst v63  }
0x43: {  	_ =	swait.ge [sflag:s20], $0x3E80  }
0x44: {  	s26 =	smov.u32 s29;
	[sflag:s20] =	ssyncset.done $0x0  }
0x45: {  	s25 =	sshra.s32 s25, $0x2;
	[sflag:s20] =	ssyncadd.s32 $0xFFFFC180  }
0x46: {  	[tilespmem:s19], [sflag:$0x1] =	stream.indirect.gather [hbm4b:s4+s22], $0x80, s25, s22, $0xb8;
	[tilespmem:$0x1D000] =	vst v63  }
0x47: {  	_ =	swait.ge [sflag:s23], $0x3E80  }
0x48: {  	[sflag:s23] =	ssyncset.done $0x0  }
0x49: {  	s25 =	sadd.s32 $0x2800, s25;
	[sflag:s23] =	ssyncadd.s32 $0xFFFFC180  }
0x4a: {  	[spmem:s2] =	stream.indirect.scatter.add.f32 [tilespmem:s19], [sflag:$0x2], $0x80, s25, s22, $0xb8;
	[tilespmem:$0x1D000] =	vst v63  }
0x4b: {  	_ =	swait.ge [sflag:s20], $0x3E80  }
0x4c: {  	[sflag:s20] =	ssyncset.done $0x0  }
0x4d: {  	[sflag:s20] =	ssyncadd.s32 $0xFFFFC180  }
0x4e: {  	[bflag:$0x0] =	sbarrier.arrive $0xFFFF  }
0x4f: {  	[tilespmem:s19], [sflag:$0x2] =	stream.linear.gather [spmem:s6], $0x4000, $0x38;
	[tilespmem:$0x1D000] =	vst v63  }
0x50: {  	_ =	swait.ge [sflag:s20], $0x4000  }
0x51: {  	[sflag:s20] =	ssyncset.done $0x0  }
0x52: {  	[sflag:s20] =	ssyncadd.s32 $0xFFFFC000  }
0x53: {  	[hbm4b:s13+s3] =	stream.linear.scatter [tilespmem:s19], [sflag:$0x2], $0x4000, $0x38;
	[tilespmem:$0x1D000] =	vst v63  }
0x54: {  	_ =	swait.ge [sflag:s20], $0x4000  }
0x55: {  	[sflag:s20] =	ssyncset.done $0x0  }
0x56: {  	[sflag:s20] =	ssyncadd.s32 $0xFFFFC000  }
0x57: {  	[tilespmem:s19], [sflag:$0x2] =	stream.linear.gather [spmem:s7], $0x4000, $0x38;
	[tilespmem:$0x1D000] =	vst v63  }
0x58: {  	_ =	swait.ge [sflag:s20], $0x4000  }
0x59: {  	[sflag:s20] =	ssyncset.done $0x0  }
0x5a: {  	[sflag:s20] =	ssyncadd.s32 $0xFFFFC000  }
0x5b: {  	[hbm4b:s14+s3] =	stream.linear.scatter [tilespmem:s19], [sflag:$0x2], $0x4000, $0x38;
	[tilespmem:$0x1D000] =	vst v63  }
0x5c: {  	_ =	swait.ge [sflag:s20], $0x4000  }
0x5d: {  	[sflag:s20] =	ssyncset.done $0x0  }
0x5e: {  	[sflag:s20] =	ssyncadd.s32 $0xFFFFC000  }
0x5f: {  	[tilespmem:s19], [sflag:$0x2] =	stream.linear.gather [spmem:s8], $0x4000, $0x38;
	[tilespmem:$0x1D000] =	vst v63  }
0x60: {  	_ =	swait.ge [sflag:s20], $0x4000  }
0x61: {  	[sflag:s20] =	ssyncset.done $0x0  }
0x62: {  	[sflag:s20] =	ssyncadd.s32 $0xFFFFC000  }
0x63: {  	[hbm4b:s15+s3] =	stream.linear.scatter [tilespmem:s19], [sflag:$0x2], $0x4000, $0x38;
	[tilespmem:$0x1D000] =	vst v63  }
0x64: {  	_ =	swait.ge [sflag:s20], $0x4000  }
0x65: {  	[sflag:s20] =	ssyncset.done $0x0  }
0x66: {  	[sflag:s20] =	ssyncadd.s32 $0xFFFFC000  }
0x67: {  	[tilespmem:s19], [sflag:$0x2] =	stream.linear.gather [spmem:s9], $0x4000, $0x38;
	[tilespmem:$0x1D000] =	vst v63  }
0x68: {  	_ =	swait.ge [sflag:s20], $0x4000  }
0x69: {  	[sflag:s20] =	ssyncset.done $0x0  }
0x6a: {  	[sflag:s20] =	ssyncadd.s32 $0xFFFFC000  }
0x6b: {  	[hbm4b:s16+s3] =	stream.linear.scatter [tilespmem:s19], [sflag:$0x2], $0x4000, $0x38;
	[tilespmem:$0x1D000] =	vst v63  }
0x6c: {  	_ =	swait.ge [sflag:s20], $0x4000  }
0x6d: {  	[sflag:s20] =	ssyncset.done $0x0  }
0x6e: {  	[sflag:s20] =	ssyncadd.s32 $0xFFFFC000  }
0x6f: {  	[tilespmem:s19], [sflag:$0x2] =	stream.linear.gather [spmem:s10], $0x4000, $0x38;
	[tilespmem:$0x1D000] =	vst v63  }
0x70: {  	s24 =	sadd.s32 $0x1, s24;
	_ =	swait.ge [sflag:s20], $0x4000  }
0x71: {  	p0 =	sne.s32 s24, s18;
	[sflag:s20] =	ssyncset.done $0x0  }
.Ltmp1:
0x72: {  	[sflag:s20] =	ssyncadd.s32 $0xFFFFC000;
	(pc) =	sbr.rel @p0 .LBB2_1-.Ltmp1, $4  }
0x73: {  	[hbm4b:s17+s3] =	stream.linear.scatter [tilespmem:s19], [sflag:$0x2], $0x4000, $0x38;
	[tilespmem:$0x1D000] =	vst v63  }
0x74: {  	_ =	swait.ge [sflag:s20], $0x4000  }
0x75: {  	[sflag:s20] =	ssyncset.done $0x0  }
0x76: {  	[sflag:s20] =	ssyncadd.s32 $0xFFFFC000  }
0x77: {  	_ =	sfence.sel $0x180000  }
0x78: {  	[bflag:$0x0] =	sbarrier.arrive $0xFFFF  }
0x79: {  	p0 =	sne.s32 s0, $0x0;
	_ =	strace $0x90000047  }
0x7a: {  	s0 =	sadd.s32 @!p0 $0x100000, s1;
	[bflag:$0x2] =	sbarrier.arrive $0xFFFF  }
0x7b: {  	[sflag:s0] =	ssyncadd.tile.s32 @!p0 $0x1;
	_ =	shalt  }
.Lfunc_end2:
_tile_overlayer_lowered:
.L_overlay_start_2:
0x7c: {  	(tag) =	ssettag $0x2  }
0x7d: {  	s0 =	rddreg [dreg:$0x0];
	s2 =	stileid.u32  }
0x7e: {  	s1 =	rddreg [dreg:$0x1];
	p0 =	sne.s32 s2, $0x0  }
0x7f: {  	s3 =	rddreg [dreg:$0x2];
	[bflag:$0x3] =	sbarrier.arrive $0xFFFF;
	s2 =	simm.s32 @!p0 $0x1C02  }
0x80: {  	[timem:s3], [sflag:s2] =	dma.local @!p0 [hbm:s0], s1  }
0x81: {  	s0 =	simm.s32 @!p0 $0x2  }
0x82: {  	_ =	swait.ge @!p0 [sflag:s0], s1  }
0x83: {  	s1 =	ssub.s32 @!p0 $0x0, s1;
	[sflag:s0] =	ssyncset.done @!p0 $0x0  }
0x84: {  	[sflag:s0] =	ssyncadd.s32 @!p0 s1  }
0x85: {  	[bflag:$0x3] =	sbarrier.arrive $0xFFFF  }
0x86: {  	_ =	shalt  }

</sc_bundles>
